<compile_context>
chip_gen: v7x
topology: tpu7x:2x2x1
jax: 0.10.2.dev20260603
libtpu: 0.0.44.dev20260713+nightly
codegen_flags: <defaults>
</compile_context>

<pallas_src>
import functools

import jax
import jax.numpy as jnp
from jax import lax
from jax.experimental import pallas as pl
from jax.experimental.pallas import tpu as pltpu
from jax.experimental.pallas import tpu_sc as plsc

B, N, E = 2048, 64, 1024
C_IN, C_HID, C_OUT = 16, 32, 16
BC = 256


def _edge_count_body(src_hbm, dst_hbm, out_hbm, src_v, dst_v, flat_v, ones_v,
                     zbuf_v, acc_sh):
    wid = lax.axis_index("s") * 2 + lax.axis_index("c")

    @pl.when(wid == 0)
    def _():
        pltpu.sync_copy(src_hbm, src_v)
        pltpu.sync_copy(dst_hbm, dst_v)
        z16 = jnp.zeros((16,), jnp.float32)
        for i in range((N * N) // 16):
            zbuf_v[pl.ds(i * 16, 16)] = z16
        pltpu.sync_copy(zbuf_v, acc_sh)
        o16 = jnp.ones((16,), jnp.float32)
        for i in range(8):
            ones_v[pl.ds(i * 16, 16)] = o16
        for i in range(E // 16):
            s = src_v[pl.ds(i * 16, 16)]
            d = dst_v[pl.ds(i * 16, 16)]
            flat_v[i // 8, pl.ds((i % 8) * 16, 16)] = d * N + s
        for j in range(E // 128):
            pltpu.sync_copy(ones_v, acc_sh.at[flat_v.at[j]], add=True)
        pltpu.sync_copy(acc_sh, out_hbm)


_edge_count = functools.partial(
    pl.kernel,
    mesh=plsc.VectorSubcoreMesh(core_axis_name="c", subcore_axis_name="s"),
    out_type=jax.ShapeDtypeStruct((N * N,), jnp.float32),
    scratch_types=[
        pltpu.VMEM((E,), jnp.int32),
        pltpu.VMEM((E,), jnp.int32),
        pltpu.VMEM((E // 128, 128), jnp.int32),
        pltpu.VMEM((128,), jnp.float32),
        pltpu.VMEM((N * N,), jnp.float32),
        pltpu.VMEM_SHARED((N * N,), jnp.float32),
    ],
)(_edge_count_body)


def _gcn_body(cnt_ref, xt_ref, w1_ref, b1_ref, w2_ref, b2_ref, out_ref):
    f32 = jnp.float32
    a = cnt_ref[...]
    ii = jax.lax.broadcasted_iota(jnp.int32, (N, N), 0)
    jj = jax.lax.broadcasted_iota(jnp.int32, (N, N), 1)
    a = a + (ii == jj).astype(f32)
    deg_col = jnp.sum(a, axis=1, keepdims=True)
    ones_row = jnp.ones((1, N), dtype=f32)
    deg_row = jax.lax.dot_general(ones_row, a, (((1,), (1,)), ((), ())),
                                  preferred_element_type=f32)
    an = a * jax.lax.rsqrt(deg_col) * jax.lax.rsqrt(deg_row)
    r_row = jax.lax.dot_general(ones_row, an, (((1,), (0,)), ((), ())),
                                preferred_element_type=f32) * (1.0 / N)

    xb = xt_ref[...]
    y = jnp.dot(xb.reshape(BC * N, C_IN), w1_ref[...],
                preferred_element_type=f32)
    z = jax.lax.dot_general(y.reshape(BC, N, C_HID), an,
                            (((1,), (1,)), ((), ())),
                            preferred_element_type=f32)
    z = z + b1_ref[...].reshape(1, C_HID, 1)
    z = jnp.maximum(z, 0.0)
    p = jnp.sum(z * r_row.reshape(1, 1, N), axis=2)
    out_ref[...] = (jnp.dot(p, w2_ref[...], preferred_element_type=f32)
                    + b2_ref[...])


@jax.jit
def kernel(x, edge_index, W1, b1, W2, b2):
    edge = edge_index.astype(jnp.int32)
    cnt = _edge_count(edge[0], edge[1]).reshape(N, N)
    out = pl.pallas_call(
        _gcn_body,
        grid=(B // BC,),
        in_specs=[
            pl.BlockSpec((N, N), lambda i: (0, 0)),
            pl.BlockSpec((BC, N, C_IN), lambda i: (i, 0, 0)),
            pl.BlockSpec((C_IN, C_HID), lambda i: (0, 0)),
            pl.BlockSpec((1, C_HID), lambda i: (0, 0)),
            pl.BlockSpec((C_HID, C_OUT), lambda i: (0, 0)),
            pl.BlockSpec((1, C_OUT), lambda i: (0, 0)),
        ],
        out_specs=pl.BlockSpec((BC, C_OUT), lambda i: (i, 0)),
        out_shape=jax.ShapeDtypeStruct((B, C_OUT), jnp.float32),
        compiler_params=pltpu.CompilerParams(
            dimension_semantics=("arbitrary",)),
    )(cnt, x.astype(jnp.float32), W1.astype(jnp.float32),
      b1.reshape(1, C_HID), W2.astype(jnp.float32), b2.reshape(1, C_OUT))
    return out

# --- scband reference (transcript-rebuilt; emitter-appended) ---
"""Pipeline reference for scband-eeggcnencoder-75084618269083 (READ-ONLY COPY).

The authoritative reference and input builder live on the scoring server;
editing this copy changes nothing except your own understanding.
"""

import jax, jax.numpy as jnp
import numpy as np

B, N, E = 2048, 64, 1024
C_IN, C_HID, C_OUT = 16, 32, 16


def setup_inputs(seed: int = 0) -> dict:
    key = jax.random.key(seed)
    k1, k2, k3, k4 = jax.random.split(key, 4)
    x = jax.random.normal(k1, (B, N, C_IN), dtype=jnp.float32)
    edge_index = jax.random.randint(k2, (2, E), 0, N, dtype=jnp.int64)
    W1 = jax.random.normal(k3, (C_IN, C_HID), dtype=jnp.float32) * (1.0 / np.sqrt(C_IN))
    b1 = jnp.zeros((C_HID,), dtype=jnp.float32)
    W2 = jax.random.normal(k4, (C_HID, C_OUT), dtype=jnp.float32) * (1.0 / np.sqrt(C_HID))
    b2 = jnp.zeros((C_OUT,), dtype=jnp.float32)
    return {"x": x, "edge_index": edge_index, "W1": W1, "b1": b1, "W2": W2, "b2": b2}


def _gcn_layer(x, src, dst, W, b):
    # GCNConv: add self-loops, symmetric normalization D^-1/2 (A+I) D^-1/2, then x @ W, scatter-add, + bias
    n = x.shape[0]
    loop = jnp.arange(n, dtype=src.dtype)
    s = jnp.concatenate([src, loop])
    d = jnp.concatenate([dst, loop])
    deg = jax.ops.segment_sum(jnp.ones(s.shape[0], dtype=x.dtype), d, num_segments=n)
    dinv = jnp.where(deg > 0, 1.0 / jnp.sqrt(deg), 0.0)
    norm = dinv[s] * dinv[d]
    xw = x @ W
    msg = xw[s] * norm[:, None]
    out = jax.ops.segment_sum(msg, d, num_segments=n)
    return out + b


def reference(x, edge_index, W1, b1, W2, b2):
    bsz, n_nodes, c_in = x.shape
    xf = x.reshape(-1, c_in).astype(jnp.float32)
    # replicate edge_index per graph with node-offset (mirrors the python loop in forward)
    offsets = (jnp.arange(bsz, dtype=edge_index.dtype) * n_nodes)
    be = edge_index[:, None, :] + offsets[None, :, None]  # [2, B, E]
    be = be.reshape(2, -1)
    src, dst = be[0], be[1]
    batch = jnp.repeat(jnp.arange(bsz), n_nodes)
    h = jax.nn.relu(_gcn_layer(xf, src, dst, W1, b1))
    h = _gcn_layer(h, src, dst, W2, b2)
    # global_mean_pool
    summ = jax.ops.segment_sum(h, batch, num_segments=bsz)
    cnt = jax.ops.segment_sum(jnp.ones(bsz * n_nodes, dtype=h.dtype), batch, num_segments=bsz)
    return summ / cnt[:, None]

if __name__ == "__main__":
    import jax
    _d = setup_inputs()
    print(jax.jit(kernel)(*tuple(_d.values())))

</pallas_src>

<mosaic_0001>
#map = affine_map<(d0, d1) -> (0)>
module attributes {stable_mosaic.version = 14 : i64} {
  func.func @_edge_count_body(%arg0: i32, %arg1: i32, %arg2: memref<1024xi32, #tpu.memory_space<hbm>>, %arg3: memref<1024xi32, #tpu.memory_space<hbm>>, %arg4: memref<4096xf32, #tpu.memory_space<hbm>>, %arg5: memref<1024xi32, #tpu.memory_space<vmem>>, %arg6: memref<1024xi32, #tpu.memory_space<vmem>>, %arg7: memref<8x128xi32, #tpu.memory_space<vmem>>, %arg8: memref<128xf32, #tpu.memory_space<vmem>>, %arg9: memref<4096xf32, #tpu.memory_space<vmem>>, %arg10: memref<4096xf32, #tpu.memory_space<vmem_shared>>) attributes {dimension_semantics = [#tpu.dimension_semantics<core_parallel>, #tpu.dimension_semantics<subcore_parallel>], iteration_bounds = array<i64: 2, 16>, scalar_prefetch = 0 : i64, scratch_operands = 6 : i64, tpu.core_type = #tpu.core_type<sc_vector_subcore>, window_params = [{transform_indices = #map}, {transform_indices = #map}, {transform_indices = #map}]} {
    %mul3A = arith.constant 2 : i32
    %mul3A_0 = arith.muli %arg1, %mul3A : i32
    %add3A = arith.addi %mul3A_0, %arg0 : i32
    %eq3A = arith.constant 0 : i32
    %eq3A_1 = arith.cmpi eq, %add3A, %eq3A : i32
    %convert_element_type3A = arith.extui %eq3A_1 : i1 to i32
    %cond3A = arith.constant 0 : i32
    %cond3A_2 = arith.cmpi ne, %convert_element_type3A, %cond3A : i32
    scf.if %cond3A_2 {
      "tpu.region"() ({
        %run_scoped3A_2091 = tpu.sem_alloc : memref<!tpu.dma_semaphore, #tpu.memory_space<semaphore_mem>>
        tpu.enqueue_dma source(%arg2 : memref<1024xi32, #tpu.memory_space<hbm>>) target(%arg5 : memref<1024xi32, #tpu.memory_space<vmem>>) target_semaphore(%run_scoped3A_2091 : memref<!tpu.dma_semaphore, #tpu.memory_space<semaphore_mem>>)
        tpu.wait_dma2 semaphore(%run_scoped3A_2091 : memref<!tpu.dma_semaphore, #tpu.memory_space<semaphore_mem>>) src(%arg2 : memref<1024xi32, #tpu.memory_space<hbm>>) dst(%arg5 : memref<1024xi32, #tpu.memory_space<vmem>>)
        tpu.yield
      }) : () -> ()
      "tpu.region"() ({
        %run_scoped3A_2091 = tpu.sem_alloc : memref<!tpu.dma_semaphore, #tpu.memory_space<semaphore_mem>>
        tpu.enqueue_dma source(%arg3 : memref<1024xi32, #tpu.memory_space<hbm>>) target(%arg6 : memref<1024xi32, #tpu.memory_space<vmem>>) target_semaphore(%run_scoped3A_2091 : memref<!tpu.dma_semaphore, #tpu.memory_space<semaphore_mem>>)
        tpu.wait_dma2 semaphore(%run_scoped3A_2091 : memref<!tpu.dma_semaphore, #tpu.memory_space<semaphore_mem>>) src(%arg3 : memref<1024xi32, #tpu.memory_space<hbm>>) dst(%arg6 : memref<1024xi32, #tpu.memory_space<vmem>>)
        tpu.yield
      }) : () -> ()
      %broadcast_in_dim3A = arith.constant 0.000000e+00 : f32
      %broadcast_in_dim3A_3 = vector.broadcast %broadcast_in_dim3A : f32 to vector<16xf32>
      %swap3A = arith.constant 0 : index
      %swap3A_4 = tpu.vector_load %arg9[%swap3A] {strides = array<i32>} : memref<4096xf32, #tpu.memory_space<vmem>>, vector<16xf32>,
      %swap3A_5 = vector.shape_cast %swap3A_4 : vector<16xf32> to vector<16xf32>
      %swap3A_6 = vector.shape_cast %broadcast_in_dim3A_3 : vector<16xf32> to vector<16xf32>
      tpu.vector_store %arg9[%swap3A], %swap3A_6 {strides = array<i32>} : memref<4096xf32, #tpu.memory_space<vmem>>, vector<16xf32>,
      %swap3A_7 = arith.constant 16 : index
      %swap3A_8 = tpu.vector_load %arg9[%swap3A_7] {strides = array<i32>} : memref<4096xf32, #tpu.memory_space<vmem>>, vector<16xf32>,
      %swap3A_9 = vector.shape_cast %swap3A_8 : vector<16xf32> to vector<16xf32>
      %swap3A_10 = vector.shape_cast %broadcast_in_dim3A_3 : vector<16xf32> to vector<16xf32>
      tpu.vector_store %arg9[%swap3A_7], %swap3A_10 {strides = array<i32>} : memref<4096xf32, #tpu.memory_space<vmem>>, vector<16xf32>,
      %swap3A_11 = arith.constant 32 : index
      %swap3A_12 = tpu.vector_load %arg9[%swap3A_11] {strides = array<i32>} : memref<4096xf32, #tpu.memory_space<vmem>>, vector<16xf32>,
      %swap3A_13 = vector.shape_cast %swap3A_12 : vector<16xf32> to vector<16xf32>
      %swap3A_14 = vector.shape_cast %broadcast_in_dim3A_3 : vector<16xf32> to vector<16xf32>
      tpu.vector_store %arg9[%swap3A_11], %swap3A_14 {strides = array<i32>} : memref<4096xf32, #tpu.memory_space<vmem>>, vector<16xf32>,
      %swap3A_15 = arith.constant 48 : index
      %swap3A_16 = tpu.vector_load %arg9[%swap3A_15] {strides = array<i32>} : memref<4096xf32, #tpu.memory_space<vmem>>, vector<16xf32>,
      %swap3A_17 = vector.shape_cast %swap3A_16 : vector<16xf32> to vector<16xf32>
      %swap3A_18 = vector.shape_cast %broadcast_in_dim3A_3 : vector<16xf32> to vector<16xf32>
      tpu.vector_store %arg9[%swap3A_15], %swap3A_18 {strides = array<i32>} : memref<4096xf32, #tpu.memory_space<vmem>>, vector<16xf32>,
      %swap3A_19 = arith.constant 64 : index
      %swap3A_20 = tpu.vector_load %arg9[%swap3A_19] {strides = array<i32>} : memref<4096xf32, #tpu.memory_space<vmem>>, vector<16xf32>,
      %swap3A_21 = vector.shape_cast %swap3A_20 : vector<16xf32> to vector<16xf32>
      %swap3A_22 = vector.shape_cast %broadcast_in_dim3A_3 : vector<16xf32> to vector<16xf32>
      tpu.vector_store %arg9[%swap3A_19], %swap3A_22 {strides = array<i32>} : memref<4096xf32, #tpu.memory_space<vmem>>, vector<16xf32>,
      %swap3A_23 = arith.constant 80 : index
      %swap3A_24 = tpu.vector_load %arg9[%swap3A_23] {strides = array<i32>} : memref<4096xf32, #tpu.memory_space<vmem>>, vector<16xf32>,
      %swap3A_25 = vector.shape_cast %swap3A_24 : vector<16xf32> to vector<16xf32>
      %swap3A_26 = vector.shape_cast %broadcast_in_dim3A_3 : vector<16xf32> to vector<16xf32>
      tpu.vector_store %arg9[%swap3A_23], %swap3A_26 {strides = array<i32>} : memref<4096xf32, #tpu.memory_space<vmem>>, vector<16xf32>,
      %swap3A_27 = arith.constant 96 : index
      %swap3A_28 = tpu.vector_load %arg9[%swap3A_27] {strides = array<i32>} : memref<4096xf32, #tpu.memory_space<vmem>>, vector<16xf32>,
      %swap3A_29 = vector.shape_cast %swap3A_28 : vector<16xf32> to vector<16xf32>
      %swap3A_30 = vector.shape_cast %broadcast_in_dim3A_3 : vector<16xf32> to vector<16xf32>
      tpu.vector_store %arg9[%swap3A_27], %swap3A_30 {strides = array<i32>} : memref<4096xf32, #tpu.memory_space<vmem>>, vector<16xf32>,
      %swap3A_31 = arith.constant 112 : index
      %swap3A_32 = tpu.vector_load %arg9[%swap3A_31] {strides = array<i32>} : memref<4096xf32, #tpu.memory_space<vmem>>, vector<16xf32>,
      %swap3A_33 = vector.shape_cast %swap3A_32 : vector<16xf32> to vector<16xf32>
      %swap3A_34 = vector.shape_cast %broadcast_in_dim3A_3 : vector<16xf32> to vector<16xf32>
      tpu.vector_store %arg9[%swap3A_31], %swap3A_34 {strides = array<i32>} : memref<4096xf32, #tpu.memory_space<vmem>>, vector<16xf32>,
      %swap3A_35 = arith.constant 128 : index
      %swap3A_36 = tpu.vector_load %arg9[%swap3A_35] {strides = array<i32>} : memref<4096xf32, #tpu.memory_space<vmem>>, vector<16xf32>,
      %swap3A_37 = vector.shape_cast %swap3A_36 : vector<16xf32> to vector<16xf32>
      %swap3A_38 = vector.shape_cast %broadcast_in_dim3A_3 : vector<16xf32> to vector<16xf32>
      tpu.vector_store %arg9[%swap3A_35], %swap3A_38 {strides = array<i32>} : memref<4096xf32, #tpu.memory_space<vmem>>, vector<16xf32>,
      %swap3A_39 = arith.constant 144 : index
      %swap3A_40 = tpu.vector_load %arg9[%swap3A_39] {strides = array<i32>} : memref<4096xf32, #tpu.memory_space<vmem>>, vector<16xf32>,
      %swap3A_41 = vector.shape_cast %swap3A_40 : vector<16xf32> to vector<16xf32>
      %swap3A_42 = vector.shape_cast %broadcast_in_dim3A_3 : vector<16xf32> to vector<16xf32>
      tpu.vector_store %arg9[%swap3A_39], %swap3A_42 {strides = array<i32>} : memref<4096xf32, #tpu.memory_space<vmem>>, vector<16xf32>,
      %swap3A_43 = arith.constant 160 : index
      %swap3A_44 = tpu.vector_load %arg9[%swap3A_43] {strides = array<i32>} : memref<4096xf32, #tpu.memory_space<vmem>>, vector<16xf32>,
      %swap3A_45 = vector.shape_cast %swap3A_44 : vector<16xf32> to vector<16xf32>
      %swap3A_46 = vector.shape_cast %broadcast_in_dim3A_3 : vector<16xf32> to vector<16xf32>
      tpu.vector_store %arg9[%swap3A_43], %swap3A_46 {strides = array<i32>} : memref<4096xf32, #tpu.memory_space<vmem>>, vector<16xf32>,
      %swap3A_47 = arith.constant 176 : index
      %swap3A_48 = tpu.vector_load %arg9[%swap3A_47] {strides = array<i32>} : memref<4096xf32, #tpu.memory_space<vmem>>, vector<16xf32>,
      %swap3A_49 = vector.shape_cast %swap3A_48 : vector<16xf32> to vector<16xf32>
      %swap3A_50 = vector.shape_cast %broadcast_in_dim3A_3 : vector<16xf32> to vector<16xf32>
      tpu.vector_store %arg9[%swap3A_47], %swap3A_50 {strides = array<i32>} : memref<4096xf32, #tpu.memory_space<vmem>>, vector<16xf32>,
      %swap3A_51 = arith.constant 192 : index
      %swap3A_52 = tpu.vector_load %arg9[%swap3A_51] {strides = array<i32>} : memref<4096xf32, #tpu.memory_space<vmem>>, vector<16xf32>,
      %swap3A_53 = vector.shape_cast %swap3A_52 : vector<16xf32> to vector<16xf32>
      %swap3A_54 = vector.shape_cast %broadcast_in_dim3A_3 : vector<16xf32> to vector<16xf32>
      tpu.vector_store %arg9[%swap3A_51], %swap3A_54 {strides = array<i32>} : memref<4096xf32, #tpu.memory_space<vmem>>, vector<16xf32>,
      %swap3A_55 = arith.constant 208 : index
      %swap3A_56 = tpu.vector_load %arg9[%swap3A_55] {strides = array<i32>} : memref<4096xf32, #tpu.memory_space<vmem>>, vector<16xf32>,
      %swap3A_57 = vector.shape_cast %swap3A_56 : vector<16xf32> to vector<16xf32>
      %swap3A_58 = vector.shape_cast %broadcast_in_dim3A_3 : vector<16xf32> to vector<16xf32>
      tpu.vector_store %arg9[%swap3A_55], %swap3A_58 {strides = array<i32>} : memref<4096xf32, #tpu.memory_space<vmem>>, vector<16xf32>,
      %swap3A_59 = arith.constant 224 : index
      %swap3A_60 = tpu.vector_load %arg9[%swap3A_59] {strides = array<i32>} : memref<4096xf32, #tpu.memory_space<vmem>>, vector<16xf32>,
      %swap3A_61 = vector.shape_cast %swap3A_60 : vector<16xf32> to vector<16xf32>
      %swap3A_62 = vector.shape_cast %broadcast_in_dim3A_3 : vector<16xf32> to vector<16xf32>
      tpu.vector_store %arg9[%swap3A_59], %swap3A_62 {strides = array<i32>} : memref<4096xf32, #tpu.memory_space<vmem>>, vector<16xf32>,
      %swap3A_63 = arith.constant 240 : index
      %swap3A_64 = tpu.vector_load %arg9[%swap3A_63] {strides = array<i32>} : memref<4096xf32, #tpu.memory_space<vmem>>, vector<16xf32>,
      %swap3A_65 = vector.shape_cast %swap3A_64 : vector<16xf32> to vector<16xf32>
      %swap3A_66 = vector.shape_cast %broadcast_in_dim3A_3 : vector<16xf32> to vector<16xf32>
      tpu.vector_store %arg9[%swap3A_63], %swap3A_66 {strides = array<i32>} : memref<4096xf32, #tpu.memory_space<vmem>>, vector<16xf32>,
      %swap3A_67 = arith.constant 256 : index
      %swap3A_68 = tpu.vector_load %arg9[%swap3A_67] {strides = array<i32>} : memref<4096xf32, #tpu.memory_space<vmem>>, vector<16xf32>,
      %swap3A_69 = vector.shape_cast %swap3A_68 : vector<16xf32> to vector<16xf32>
      %swap3A_70 = vector.shape_cast %broadcast_in_dim3A_3 : vector<16xf32> to vector<16xf32>
      tpu.vector_store %arg9[%swap3A_67], %swap3A_70 {strides = array<i32>} : memref<4096xf32, #tpu.memory_space<vmem>>, vector<16xf32>,
      %swap3A_71 = arith.constant 272 : index
      %swap3A_72 = tpu.vector_load %arg9[%swap3A_71] {strides = array<i32>} : memref<4096xf32, #tpu.memory_space<vmem>>, vector<16xf32>,
      %swap3A_73 = vector.shape_cast %swap3A_72 : vector<16xf32> to vector<16xf32>
      %swap3A_74 = vector.shape_cast %broadcast_in_dim3A_3 : vector<16xf32> to vector<16xf32>
      tpu.vector_store %arg9[%swap3A_71], %swap3A_74 {strides = array<i32>} : memref<4096xf32, #tpu.memory_space<vmem>>, vector<16xf32>,
      %swap3A_75 = arith.constant 288 : index
      %swap3A_76 = tpu.vector_load %arg9[%swap3A_75] {strides = array<i32>} : memref<4096xf32, #tpu.memory_space<vmem>>, vector<16xf32>,
      %swap3A_77 = vector.shape_cast %swap3A_76 : vector<16xf32> to vector<16xf32>
      %swap3A_78 = vector.shape_cast %broadcast_in_dim3A_3 : vector<16xf32> to vector<16xf32>
      tpu.vector_store %arg9[%swap3A_75], %swap3A_78 {strides = array<i32>} : memref<4096xf32, #tpu.memory_space<vmem>>, vector<16xf32>,
      %swap3A_79 = arith.constant 304 : index
      %swap3A_80 = tpu.vector_load %arg9[%swap3A_79] {strides = array<i32>} : memref<4096xf32, #tpu.memory_space<vmem>>, vector<16xf32>,
      %swap3A_81 = vector.shape_cast %swap3A_80 : vector<16xf32> to vector<16xf32>
      %swap3A_82 = vector.shape_cast %broadcast_in_dim3A_3 : vector<16xf32> to vector<16xf32>
      tpu.vector_store %arg9[%swap3A_79], %swap3A_82 {strides = array<i32>} : memref<4096xf32, #tpu.memory_space<vmem>>, vector<16xf32>,
      %swap3A_83 = arith.constant 320 : index
      %swap3A_84 = tpu.vector_load %arg9[%swap3A_83] {strides = array<i32>} : memref<4096xf32, #tpu.memory_space<vmem>>, vector<16xf32>,
      %swap3A_85 = vector.shape_cast %swap3A_84 : vector<16xf32> to vector<16xf32>
      %swap3A_86 = vector.shape_cast %broadcast_in_dim3A_3 : vector<16xf32> to vector<16xf32>
      tpu.vector_store %arg9[%swap3A_83], %swap3A_86 {strides = array<i32>} : memref<4096xf32, #tpu.memory_space<vmem>>, vector<16xf32>,
      %swap3A_87 = arith.constant 336 : index
      %swap3A_88 = tpu.vector_load %arg9[%swap3A_87] {strides = array<i32>} : memref<4096xf32, #tpu.memory_space<vmem>>, vector<16xf32>,
      %swap3A_89 = vector.shape_cast %swap3A_88 : vector<16xf32> to vector<16xf32>
      %swap3A_90 = vector.shape_cast %broadcast_in_dim3A_3 : vector<16xf32> to vector<16xf32>
      tpu.vector_store %arg9[%swap3A_87], %swap3A_90 {strides = array<i32>} : memref<4096xf32, #tpu.memory_space<vmem>>, vector<16xf32>,
      %swap3A_91 = arith.constant 352 : index
      %swap3A_92 = tpu.vector_load %arg9[%swap3A_91] {strides = array<i32>} : memref<4096xf32, #tpu.memory_space<vmem>>, vector<16xf32>,
      %swap3A_93 = vector.shape_cast %swap3A_92 : vector<16xf32> to vector<16xf32>
      %swap3A_94 = vector.shape_cast %broadcast_in_dim3A_3 : vector<16xf32> to vector<16xf32>
      tpu.vector_store %arg9[%swap3A_91], %swap3A_94 {strides = array<i32>} : memref<4096xf32, #tpu.memory_space<vmem>>, vector<16xf32>,
      %swap3A_95 = arith.constant 368 : index
      %swap3A_96 = tpu.vector_load %arg9[%swap3A_95] {strides = array<i32>} : memref<4096xf32, #tpu.memory_space<vmem>>, vector<16xf32>,
      %swap3A_97 = vector.shape_cast %swap3A_96 : vector<16xf32> to vector<16xf32>
      %swap3A_98 = vector.shape_cast %broadcast_in_dim3A_3 : vector<16xf32> to vector<16xf32>
      tpu.vector_store %arg9[%swap3A_95], %swap3A_98 {strides = array<i32>} : memref<4096xf32, #tpu.memory_space<vmem>>, vector<16xf32>,
      %swap3A_99 = arith.constant 384 : index
      %swap3A_100 = tpu.vector_load %arg9[%swap3A_99] {strides = array<i32>} : memref<4096xf32, #tpu.memory_space<vmem>>, vector<16xf32>,
      %swap3A_101 = vector.shape_cast %swap3A_100 : vector<16xf32> to vector<16xf32>
      %swap3A_102 = vector.shape_cast %broadcast_in_dim3A_3 : vector<16xf32> to vector<16xf32>
      tpu.vector_store %arg9[%swap3A_99], %swap3A_102 {strides = array<i32>} : memref<4096xf32, #tpu.memory_space<vmem>>, vector<16xf32>,
      %swap3A_103 = arith.constant 400 : index
      %swap3A_104 = tpu.vector_load %arg9[%swap3A_103] {strides = array<i32>} : memref<4096xf32, #tpu.memory_space<vmem>>, vector<16xf32>,
      %swap3A_105 = vector.shape_cast %swap3A_104 : vector<16xf32> to vector<16xf32>
      %swap3A_106 = vector.shape_cast %broadcast_in_dim3A_3 : vector<16xf32> to vector<16xf32>
      tpu.vector_store %arg9[%swap3A_103], %swap3A_106 {strides = array<i32>} : memref<4096xf32, #tpu.memory_space<vmem>>, vector<16xf32>,
      %swap3A_107 = arith.constant 416 : index
      %swap3A_108 = tpu.vector_load %arg9[%swap3A_107] {strides = array<i32>} : memref<4096xf32, #tpu.memory_space<vmem>>, vector<16xf32>,
      %swap3A_109 = vector.shape_cast %swap3A_108 : vector<16xf32> to vector<16xf32>
      %swap3A_110 = vector.shape_cast %broadcast_in_dim3A_3 : vector<16xf32> to vector<16xf32>
      tpu.vector_store %arg9[%swap3A_107], %swap3A_110 {strides = array<i32>} : memref<4096xf32, #tpu.memory_space<vmem>>, vector<16xf32>,
      %swap3A_111 = arith.constant 432 : index
      %swap3A_112 = tpu.vector_load %arg9[%swap3A_111] {strides = array<i32>} : memref<4096xf32, #tpu.memory_space<vmem>>, vector<16xf32>,
      %swap3A_113 = vector.shape_cast %swap3A_112 : vector<16xf32> to vector<16xf32>
      %swap3A_114 = vector.shape_cast %broadcast_in_dim3A_3 : vector<16xf32> to vector<16xf32>
      tpu.vector_store %arg9[%swap3A_111], %swap3A_114 {strides = array<i32>} : memref<4096xf32, #tpu.memory_space<vmem>>, vector<16xf32>,
      %swap3A_115 = arith.constant 448 : index
      %swap3A_116 = tpu.vector_load %arg9[%swap3A_115] {strides = array<i32>} : memref<4096xf32, #tpu.memory_space<vmem>>, vector<16xf32>,
      %swap3A_117 = vector.shape_cast %swap3A_116 : vector<16xf32> to vector<16xf32>
      %swap3A_118 = vector.shape_cast %broadcast_in_dim3A_3 : vector<16xf32> to vector<16xf32>
      tpu.vector_store %arg9[%swap3A_115], %swap3A_118 {strides = array<i32>} : memref<4096xf32, #tpu.memory_space<vmem>>, vector<16xf32>,
      %swap3A_119 = arith.constant 464 : index
      %swap3A_120 = tpu.vector_load %arg9[%swap3A_119] {strides = array<i32>} : memref<4096xf32, #tpu.memory_space<vmem>>, vector<16xf32>,
      %swap3A_121 = vector.shape_cast %swap3A_120 : vector<16xf32> to vector<16xf32>
      %swap3A_122 = vector.shape_cast %broadcast_in_dim3A_3 : vector<16xf32> to vector<16xf32>
      tpu.vector_store %arg9[%swap3A_119], %swap3A_122 {strides = array<i32>} : memref<4096xf32, #tpu.memory_space<vmem>>, vector<16xf32>,
      %swap3A_123 = arith.constant 480 : index
      %swap3A_124 = tpu.vector_load %arg9[%swap3A_123] {strides = array<i32>} : memref<4096xf32, #tpu.memory_space<vmem>>, vector<16xf32>,
      %swap3A_125 = vector.shape_cast %swap3A_124 : vector<16xf32> to vector<16xf32>
      %swap3A_126 = vector.shape_cast %broadcast_in_dim3A_3 : vector<16xf32> to vector<16xf32>
      tpu.vector_store %arg9[%swap3A_123], %swap3A_126 {strides = array<i32>} : memref<4096xf32, #tpu.memory_space<vmem>>, vector<16xf32>,
      %swap3A_127 = arith.constant 496 : index
      %swap3A_128 = tpu.vector_load %arg9[%swap3A_127] {strides = array<i32>} : memref<4096xf32, #tpu.memory_space<vmem>>, vector<16xf32>,
      %swap3A_129 = vector.shape_cast %swap3A_128 : vector<16xf32> to vector<16xf32>
      %swap3A_130 = vector.shape_cast %broadcast_in_dim3A_3 : vector<16xf32> to vector<16xf32>
      tpu.vector_store %arg9[%swap3A_127], %swap3A_130 {strides = array<i32>} : memref<4096xf32, #tpu.memory_space<vmem>>, vector<16xf32>,
      %swap3A_131 = arith.constant 512 : index
      %swap3A_132 = tpu.vector_load %arg9[%swap3A_131] {strides = array<i32>} : memref<4096xf32, #tpu.memory_space<vmem>>, vector<16xf32>,
      %swap3A_133 = vector.shape_cast %swap3A_132 : vector<16xf32> to vector<16xf32>
      %swap3A_134 = vector.shape_cast %broadcast_in_dim3A_3 : vector<16xf32> to vector<16xf32>
      tpu.vector_store %arg9[%swap3A_131], %swap3A_134 {strides = array<i32>} : memref<4096xf32, #tpu.memory_space<vmem>>, vector<16xf32>,
      %swap3A_135 = arith.constant 528 : index
      %swap3A_136 = tpu.vector_load %arg9[%swap3A_135] {strides = array<i32>} : memref<4096xf32, #tpu.memory_space<vmem>>, vector<16xf32>,
      %swap3A_137 = vector.shape_cast %swap3A_136 : vector<16xf32> to vector<16xf32>
      %swap3A_138 = vector.shape_cast %broadcast_in_dim3A_3 : vector<16xf32> to vector<16xf32>
      tpu.vector_store %arg9[%swap3A_135], %swap3A_138 {strides = array<i32>} : memref<4096xf32, #tpu.memory_space<vmem>>, vector<16xf32>,
      %swap3A_139 = arith.constant 544 : index
      %swap3A_140 = tpu.vector_load %arg9[%swap3A_139] {strides = array<i32>} : memref<4096xf32, #tpu.memory_space<vmem>>, vector<16xf32>,
      %swap3A_141 = vector.shape_cast %swap3A_140 : vector<16xf32> to vector<16xf32>
      %swap3A_142 = vector.shape_cast %broadcast_in_dim3A_3 : vector<16xf32> to vector<16xf32>
      tpu.vector_store %arg9[%swap3A_139], %swap3A_142 {strides = array<i32>} : memref<4096xf32, #tpu.memory_space<vmem>>, vector<16xf32>,
      %swap3A_143 = arith.constant 560 : index
      %swap3A_144 = tpu.vector_load %arg9[%swap3A_143] {strides = array<i32>} : memref<4096xf32, #tpu.memory_space<vmem>>, vector<16xf32>,
      %swap3A_145 = vector.shape_cast %swap3A_144 : vector<16xf32> to vector<16xf32>
      %swap3A_146 = vector.shape_cast %broadcast_in_dim3A_3 : vector<16xf32> to vector<16xf32>
      tpu.vector_store %arg9[%swap3A_143], %swap3A_146 {strides = array<i32>} : memref<4096xf32, #tpu.memory_space<vmem>>, vector<16xf32>,
      %swap3A_147 = arith.constant 576 : index
      %swap3A_148 = tpu.vector_load %arg9[%swap3A_147] {strides = array<i32>} : memref<4096xf32, #tpu.memory_space<vmem>>, vector<16xf32>,
      %swap3A_149 = vector.shape_cast %swap3A_148 : vector<16xf32> to vector<16xf32>
      %swap3A_150 = vector.shape_cast %broadcast_in_dim3A_3 : vector<16xf32> to vector<16xf32>
      tpu.vector_store %arg9[%swap3A_147], %swap3A_150 {strides = array<i32>} : memref<4096xf32, #tpu.memory_space<vmem>>, vector<16xf32>,
      %swap3A_151 = arith.constant 592 : index
      %swap3A_152 = tpu.vector_load %arg9[%swap3A_151] {strides = array<i32>} : memref<4096xf32, #tpu.memory_space<vmem>>, vector<16xf32>,
      %swap3A_153 = vector.shape_cast %swap3A_152 : vector<16xf32> to vector<16xf32>
      %swap3A_154 = vector.shape_cast %broadcast_in_dim3A_3 : vector<16xf32> to vector<16xf32>
      tpu.vector_store %arg9[%swap3A_151], %swap3A_154 {strides = array<i32>} : memref<4096xf32, #tpu.memory_space<vmem>>, vector<16xf32>,
      %swap3A_155 = arith.constant 608 : index
      %swap3A_156 = tpu.vector_load %arg9[%swap3A_155] {strides = array<i32>} : memref<4096xf32, #tpu.memory_space<vmem>>, vector<16xf32>,
      %swap3A_157 = vector.shape_cast %swap3A_156 : vector<16xf32> to vector<16xf32>
      %swap3A_158 = vector.shape_cast %broadcast_in_dim3A_3 : vector<16xf32> to vector<16xf32>
      tpu.vector_store %arg9[%swap3A_155], %swap3A_158 {strides = array<i32>} : memref<4096xf32, #tpu.memory_space<vmem>>, vector<16xf32>,
      %swap3A_159 = arith.constant 624 : index
      %swap3A_160 = tpu.vector_load %arg9[%swap3A_159] {strides = array<i32>} : memref<4096xf32, #tpu.memory_space<vmem>>, vector<16xf32>,
      %swap3A_161 = vector.shape_cast %swap3A_160 : vector<16xf32> to vector<16xf32>
      %swap3A_162 = vector.shape_cast %broadcast_in_dim3A_3 : vector<16xf32> to vector<16xf32>
      tpu.vector_store %arg9[%swap3A_159], %swap3A_162 {strides = array<i32>} : memref<4096xf32, #tpu.memory_space<vmem>>, vector<16xf32>,
      %swap3A_163 = arith.constant 640 : index
      %swap3A_164 = tpu.vector_load %arg9[%swap3A_163] {strides = array<i32>} : memref<4096xf32, #tpu.memory_space<vmem>>, vector<16xf32>,
      %swap3A_165 = vector.shape_cast %swap3A_164 : vector<16xf32> to vector<16xf32>
      %swap3A_166 = vector.shape_cast %broadcast_in_dim3A_3 : vector<16xf32> to vector<16xf32>
      tpu.vector_store %arg9[%swap3A_163], %swap3A_166 {strides = array<i32>} : memref<4096xf32, #tpu.memory_space<vmem>>, vector<16xf32>,
      %swap3A_167 = arith.constant 656 : index
      %swap3A_168 = tpu.vector_load %arg9[%swap3A_167] {strides = array<i32>} : memref<4096xf32, #tpu.memory_space<vmem>>, vector<16xf32>,
      %swap3A_169 = vector.shape_cast %swap3A_168 : vector<16xf32> to vector<16xf32>
      %swap3A_170 = vector.shape_cast %broadcast_in_dim3A_3 : vector<16xf32> to vector<16xf32>
      tpu.vector_store %arg9[%swap3A_167], %swap3A_170 {strides = array<i32>} : memref<4096xf32, #tpu.memory_space<vmem>>, vector<16xf32>,
      %swap3A_171 = arith.constant 672 : index
      %swap3A_172 = tpu.vector_load %arg9[%swap3A_171] {strides = array<i32>} : memref<4096xf32, #tpu.memory_space<vmem>>, vector<16xf32>,
      %swap3A_173 = vector.shape_cast %swap3A_172 : vector<16xf32> to vector<16xf32>
      %swap3A_174 = vector.shape_cast %broadcast_in_dim3A_3 : vector<16xf32> to vector<16xf32>
      tpu.vector_store %arg9[%swap3A_171], %swap3A_174 {strides = array<i32>} : memref<4096xf32, #tpu.memory_space<vmem>>, vector<16xf32>,
      %swap3A_175 = arith.constant 688 : index
      %swap3A_176 = tpu.vector_load %arg9[%swap3A_175] {strides = array<i32>} : memref<4096xf32, #tpu.memory_space<vmem>>, vector<16xf32>,
      %swap3A_177 = vector.shape_cast %swap3A_176 : vector<16xf32> to vector<16xf32>
      %swap3A_178 = vector.shape_cast %broadcast_in_dim3A_3 : vector<16xf32> to vector<16xf32>
      tpu.vector_store %arg9[%swap3A_175], %swap3A_178 {strides = array<i32>} : memref<4096xf32, #tpu.memory_space<vmem>>, vector<16xf32>,
      %swap3A_179 = arith.constant 704 : index
      %swap3A_180 = tpu.vector_load %arg9[%swap3A_179] {strides = array<i32>} : memref<4096xf32, #tpu.memory_space<vmem>>, vector<16xf32>,
      %swap3A_181 = vector.shape_cast %swap3A_180 : vector<16xf32> to vector<16xf32>
      %swap3A_182 = vector.shape_cast %broadcast_in_dim3A_3 : vector<16xf32> to vector<16xf32>
      tpu.vector_store %arg9[%swap3A_179], %swap3A_182 {strides = array<i32>} : memref<4096xf32, #tpu.memory_space<vmem>>, vector<16xf32>,
      %swap3A_183 = arith.constant 720 : index
      %swap3A_184 = tpu.vector_load %arg9[%swap3A_183] {strides = array<i32>} : memref<4096xf32, #tpu.memory_space<vmem>>, vector<16xf32>,
      %swap3A_185 = vector.shape_cast %swap3A_184 : vector<16xf32> to vector<16xf32>
      %swap3A_186 = vector.shape_cast %broadcast_in_dim3A_3 : vector<16xf32> to vector<16xf32>
      tpu.vector_store %arg9[%swap3A_183], %swap3A_186 {strides = array<i32>} : memref<4096xf32, #tpu.memory_space<vmem>>, vector<16xf32>,
      %swap3A_187 = arith.constant 736 : index
      %swap3A_188 = tpu.vector_load %arg9[%swap3A_187] {strides = array<i32>} : memref<4096xf32, #tpu.memory_space<vmem>>, vector<16xf32>,
      %swap3A_189 = vector.shape_cast %swap3A_188 : vector<16xf32> to vector<16xf32>
      %swap3A_190 = vector.shape_cast %broadcast_in_dim3A_3 : vector<16xf32> to vector<16xf32>
      tpu.vector_store %arg9[%swap3A_187], %swap3A_190 {strides = array<i32>} : memref<4096xf32, #tpu.memory_space<vmem>>, vector<16xf32>,
      %swap3A_191 = arith.constant 752 : index
      %swap3A_192 = tpu.vector_load %arg9[%swap3A_191] {strides = array<i32>} : memref<4096xf32, #tpu.memory_space<vmem>>, vector<16xf32>,
      %swap3A_193 = vector.shape_cast %swap3A_192 : vector<16xf32> to vector<16xf32>
      %swap3A_194 = vector.shape_cast %broadcast_in_dim3A_3 : vector<16xf32> to vector<16xf32>
      tpu.vector_store %arg9[%swap3A_191], %swap3A_194 {strides = array<i32>} : memref<4096xf32, #tpu.memory_space<vmem>>, vector<16xf32>,
      %swap3A_195 = arith.constant 768 : index
      %swap3A_196 = tpu.vector_load %arg9[%swap3A_195] {strides = array<i32>} : memref<4096xf32, #tpu.memory_space<vmem>>, vector<16xf32>,
      %swap3A_197 = vector.shape_cast %swap3A_196 : vector<16xf32> to vector<16xf32>
      %swap3A_198 = vector.shape_cast %broadcast_in_dim3A_3 : vector<16xf32> to vector<16xf32>
      tpu.vector_store %arg9[%swap3A_195], %swap3A_198 {strides = array<i32>} : memref<4096xf32, #tpu.memory_space<vmem>>, vector<16xf32>,
      %swap3A_199 = arith.constant 784 : index
      %swap3A_200 = tpu.vector_load %arg9[%swap3A_199] {strides = array<i32>} : memref<4096xf32, #tpu.memory_space<vmem>>, vector<16xf32>,
      %swap3A_201 = vector.shape_cast %swap3A_200 : vector<16xf32> to vector<16xf32>
      %swap3A_202 = vector.shape_cast %broadcast_in_dim3A_3 : vector<16xf32> to vector<16xf32>
      tpu.vector_store %arg9[%swap3A_199], %swap3A_202 {strides = array<i32>} : memref<4096xf32, #tpu.memory_space<vmem>>, vector<16xf32>,
      %swap3A_203 = arith.constant 800 : index
      %swap3A_204 = tpu.vector_load %arg9[%swap3A_203] {strides = array<i32>} : memref<4096xf32, #tpu.memory_space<vmem>>, vector<16xf32>,
      %swap3A_205 = vector.shape_cast %swap3A_204 : vector<16xf32> to vector<16xf32>
      %swap3A_206 = vector.shape_cast %broadcast_in_dim3A_3 : vector<16xf32> to vector<16xf32>
      tpu.vector_store %arg9[%swap3A_203], %swap3A_206 {strides = array<i32>} : memref<4096xf32, #tpu.memory_space<vmem>>, vector<16xf32>,
      %swap3A_207 = arith.constant 816 : index
      %swap3A_208 = tpu.vector_load %arg9[%swap3A_207] {strides = array<i32>} : memref<4096xf32, #tpu.memory_space<vmem>>, vector<16xf32>,
      %swap3A_209 = vector.shape_cast %swap3A_208 : vector<16xf32> to vector<16xf32>
      %swap3A_210 = vector.shape_cast %broadcast_in_dim3A_3 : vector<16xf32> to vector<16xf32>
      tpu.vector_store %arg9[%swap3A_207], %swap3A_210 {strides = array<i32>} : memref<4096xf32, #tpu.memory_space<vmem>>, vector<16xf32>,
      %swap3A_211 = arith.constant 832 : index
      %swap3A_212 = tpu.vector_load %arg9[%swap3A_211] {strides = array<i32>} : memref<4096xf32, #tpu.memory_space<vmem>>, vector<16xf32>,
      %swap3A_213 = vector.shape_cast %swap3A_212 : vector<16xf32> to vector<16xf32>
      %swap3A_214 = vector.shape_cast %broadcast_in_dim3A_3 : vector<16xf32> to vector<16xf32>
      tpu.vector_store %arg9[%swap3A_211], %swap3A_214 {strides = array<i32>} : memref<4096xf32, #tpu.memory_space<vmem>>, vector<16xf32>,
      %swap3A_215 = arith.constant 848 : index
      %swap3A_216 = tpu.vector_load %arg9[%swap3A_215] {strides = array<i32>} : memref<4096xf32, #tpu.memory_space<vmem>>, vector<16xf32>,
      %swap3A_217 = vector.shape_cast %swap3A_216 : vector<16xf32> to vector<16xf32>
      %swap3A_218 = vector.shape_cast %broadcast_in_dim3A_3 : vector<16xf32> to vector<16xf32>
      tpu.vector_store %arg9[%swap3A_215], %swap3A_218 {strides = array<i32>} : memref<4096xf32, #tpu.memory_space<vmem>>, vector<16xf32>,
      %swap3A_219 = arith.constant 864 : index
      %swap3A_220 = tpu.vector_load %arg9[%swap3A_219] {strides = array<i32>} : memref<4096xf32, #tpu.memory_space<vmem>>, vector<16xf32>,
      %swap3A_221 = vector.shape_cast %swap3A_220 : vector<16xf32> to vector<16xf32>
      %swap3A_222 = vector.shape_cast %broadcast_in_dim3A_3 : vector<16xf32> to vector<16xf32>
      tpu.vector_store %arg9[%swap3A_219], %swap3A_222 {strides = array<i32>} : memref<4096xf32, #tpu.memory_space<vmem>>, vector<16xf32>,
      %swap3A_223 = arith.constant 880 : index
      %swap3A_224 = tpu.vector_load %arg9[%swap3A_223] {strides = array<i32>} : memref<4096xf32, #tpu.memory_space<vmem>>, vector<16xf32>,
      %swap3A_225 = vector.shape_cast %swap3A_224 : vector<16xf32> to vector<16xf32>
      %swap3A_226 = vector.shape_cast %broadcast_in_dim3A_3 : vector<16xf32> to vector<16xf32>
      tpu.vector_store %arg9[%swap3A_223], %swap3A_226 {strides = array<i32>} : memref<4096xf32, #tpu.memory_space<vmem>>, vector<16xf32>,
      %swap3A_227 = arith.constant 896 : index
      %swap3A_228 = tpu.vector_load %arg9[%swap3A_227] {strides = array<i32>} : memref<4096xf32, #tpu.memory_space<vmem>>, vector<16xf32>,
      %swap3A_229 = vector.shape_cast %swap3A_228 : vector<16xf32> to vector<16xf32>
      %swap3A_230 = vector.shape_cast %broadcast_in_dim3A_3 : vector<16xf32> to vector<16xf32>
      tpu.vector_store %arg9[%swap3A_227], %swap3A_230 {strides = array<i32>} : memref<4096xf32, #tpu.memory_space<vmem>>, vector<16xf32>,
      %swap3A_231 = arith.constant 912 : index
      %swap3A_232 = tpu.vector_load %arg9[%swap3A_231] {strides = array<i32>} : memref<4096xf32, #tpu.memory_space<vmem>>, vector<16xf32>,
      %swap3A_233 = vector.shape_cast %swap3A_232 : vector<16xf32> to vector<16xf32>
      %swap3A_234 = vector.shape_cast %broadcast_in_dim3A_3 : vector<16xf32> to vector<16xf32>
      tpu.vector_store %arg9[%swap3A_231], %swap3A_234 {strides = array<i32>} : memref<4096xf32, #tpu.memory_space<vmem>>, vector<16xf32>,
      %swap3A_235 = arith.constant 928 : index
      %swap3A_236 = tpu.vector_load %arg9[%swap3A_235] {strides = array<i32>} : memref<4096xf32, #tpu.memory_space<vmem>>, vector<16xf32>,
      %swap3A_237 = vector.shape_cast %swap3A_236 : vector<16xf32> to vector<16xf32>
      %swap3A_238 = vector.shape_cast %broadcast_in_dim3A_3 : vector<16xf32> to vector<16xf32>
      tpu.vector_store %arg9[%swap3A_235], %swap3A_238 {strides = array<i32>} : memref<4096xf32, #tpu.memory_space<vmem>>, vector<16xf32>,
      %swap3A_239 = arith.constant 944 : index
      %swap3A_240 = tpu.vector_load %arg9[%swap3A_239] {strides = array<i32>} : memref<4096xf32, #tpu.memory_space<vmem>>, vector<16xf32>,
      %swap3A_241 = vector.shape_cast %swap3A_240 : vector<16xf32> to vector<16xf32>
      %swap3A_242 = vector.shape_cast %broadcast_in_dim3A_3 : vector<16xf32> to vector<16xf32>
      tpu.vector_store %arg9[%swap3A_239], %swap3A_242 {strides = array<i32>} : memref<4096xf32, #tpu.memory_space<vmem>>, vector<16xf32>,
      %swap3A_243 = arith.constant 960 : index
      %swap3A_244 = tpu.vector_load %arg9[%swap3A_243] {strides = array<i32>} : memref<4096xf32, #tpu.memory_space<vmem>>, vector<16xf32>,
      %swap3A_245 = vector.shape_cast %swap3A_244 : vector<16xf32> to vector<16xf32>
      %swap3A_246 = vector.shape_cast %broadcast_in_dim3A_3 : vector<16xf32> to vector<16xf32>
      tpu.vector_store %arg9[%swap3A_243], %swap3A_246 {strides = array<i32>} : memref<4096xf32, #tpu.memory_space<vmem>>, vector<16xf32>,
      %swap3A_247 = arith.constant 976 : index
      %swap3A_248 = tpu.vector_load %arg9[%swap3A_247] {strides = array<i32>} : memref<4096xf32, #tpu.memory_space<vmem>>, vector<16xf32>,
      %swap3A_249 = vector.shape_cast %swap3A_248 : vector<16xf32> to vector<16xf32>
      %swap3A_250 = vector.shape_cast %broadcast_in_dim3A_3 : vector<16xf32> to vector<16xf32>
      tpu.vector_store %arg9[%swap3A_247], %swap3A_250 {strides = array<i32>} : memref<4096xf32, #tpu.memory_space<vmem>>, vector<16xf32>,
      %swap3A_251 = arith.constant 992 : index
      %swap3A_252 = tpu.vector_load %arg9[%swap3A_251] {strides = array<i32>} : memref<4096xf32, #tpu.memory_space<vmem>>, vector<16xf32>,
      %swap3A_253 = vector.shape_cast %swap3A_252 : vector<16xf32> to vector<16xf32>
      %swap3A_254 = vector.shape_cast %broadcast_in_dim3A_3 : vector<16xf32> to vector<16xf32>
      tpu.vector_store %arg9[%swap3A_251], %swap3A_254 {strides = array<i32>} : memref<4096xf32, #tpu.memory_space<vmem>>, vector<16xf32>,
      %swap3A_255 = arith.constant 1008 : index
      %swap3A_256 = tpu.vector_load %arg9[%swap3A_255] {strides = array<i32>} : memref<4096xf32, #tpu.memory_space<vmem>>, vector<16xf32>,
      %swap3A_257 = vector.shape_cast %swap3A_256 : vector<16xf32> to vector<16xf32>
      %swap3A_258 = vector.shape_cast %broadcast_in_dim3A_3 : vector<16xf32> to vector<16xf32>
      tpu.vector_store %arg9[%swap3A_255], %swap3A_258 {strides = array<i32>} : memref<4096xf32, #tpu.memory_space<vmem>>, vector<16xf32>,
      %swap3A_259 = arith.constant 1024 : index
      %swap3A_260 = tpu.vector_load %arg9[%swap3A_259] {strides = array<i32>} : memref<4096xf32, #tpu.memory_space<vmem>>, vector<16xf32>,
      %swap3A_261 = vector.shape_cast %swap3A_260 : vector<16xf32> to vector<16xf32>
      %swap3A_262 = vector.shape_cast %broadcast_in_dim3A_3 : vector<16xf32> to vector<16xf32>
      tpu.vector_store %arg9[%swap3A_259], %swap3A_262 {strides = array<i32>} : memref<4096xf32, #tpu.memory_space<vmem>>, vector<16xf32>,
      %swap3A_263 = arith.constant 1040 : index
      %swap3A_264 = tpu.vector_load %arg9[%swap3A_263] {strides = array<i32>} : memref<4096xf32, #tpu.memory_space<vmem>>, vector<16xf32>,
      %swap3A_265 = vector.shape_cast %swap3A_264 : vector<16xf32> to vector<16xf32>
      %swap3A_266 = vector.shape_cast %broadcast_in_dim3A_3 : vector<16xf32> to vector<16xf32>
      tpu.vector_store %arg9[%swap3A_263], %swap3A_266 {strides = array<i32>} : memref<4096xf32, #tpu.memory_space<vmem>>, vector<16xf32>,
      %swap3A_267 = arith.constant 1056 : index
      %swap3A_268 = tpu.vector_load %arg9[%swap3A_267] {strides = array<i32>} : memref<4096xf32, #tpu.memory_space<vmem>>, vector<16xf32>,
      %swap3A_269 = vector.shape_cast %swap3A_268 : vector<16xf32> to vector<16xf32>
      %swap3A_270 = vector.shape_cast %broadcast_in_dim3A_3 : vector<16xf32> to vector<16xf32>
      tpu.vector_store %arg9[%swap3A_267], %swap3A_270 {strides = array<i32>} : memref<4096xf32, #tpu.memory_space<vmem>>, vector<16xf32>,
      %swap3A_271 = arith.constant 1072 : index
      %swap3A_272 = tpu.vector_load %arg9[%swap3A_271] {strides = array<i32>} : memref<4096xf32, #tpu.memory_space<vmem>>, vector<16xf32>,
      %swap3A_273 = vector.shape_cast %swap3A_272 : vector<16xf32> to vector<16xf32>
      %swap3A_274 = vector.shape_cast %broadcast_in_dim3A_3 : vector<16xf32> to vector<16xf32>
      tpu.vector_store %arg9[%swap3A_271], %swap3A_274 {strides = array<i32>} : memref<4096xf32, #tpu.memory_space<vmem>>, vector<16xf32>,
      %swap3A_275 = arith.constant 1088 : index
      %swap3A_276 = tpu.vector_load %arg9[%swap3A_275] {strides = array<i32>} : memref<4096xf32, #tpu.memory_space<vmem>>, vector<16xf32>,
      %swap3A_277 = vector.shape_cast %swap3A_276 : vector<16xf32> to vector<16xf32>
      %swap3A_278 = vector.shape_cast %broadcast_in_dim3A_3 : vector<16xf32> to vector<16xf32>
      tpu.vector_store %arg9[%swap3A_275], %swap3A_278 {strides = array<i32>} : memref<4096xf32, #tpu.memory_space<vmem>>, vector<16xf32>,
      %swap3A_279 = arith.constant 1104 : index
      %swap3A_280 = tpu.vector_load %arg9[%swap3A_279] {strides = array<i32>} : memref<4096xf32, #tpu.memory_space<vmem>>, vector<16xf32>,
      %swap3A_281 = vector.shape_cast %swap3A_280 : vector<16xf32> to vector<16xf32>
      %swap3A_282 = vector.shape_cast %broadcast_in_dim3A_3 : vector<16xf32> to vector<16xf32>
      tpu.vector_store %arg9[%swap3A_279], %swap3A_282 {strides = array<i32>} : memref<4096xf32, #tpu.memory_space<vmem>>, vector<16xf32>,
      %swap3A_283 = arith.constant 1120 : index
      %swap3A_284 = tpu.vector_load %arg9[%swap3A_283] {strides = array<i32>} : memref<4096xf32, #tpu.memory_space<vmem>>, vector<16xf32>,
      %swap3A_285 = vector.shape_cast %swap3A_284 : vector<16xf32> to vector<16xf32>
      %swap3A_286 = vector.shape_cast %broadcast_in_dim3A_3 : vector<16xf32> to vector<16xf32>
      tpu.vector_store %arg9[%swap3A_283], %swap3A_286 {strides = array<i32>} : memref<4096xf32, #tpu.memory_space<vmem>>, vector<16xf32>,
      %swap3A_287 = arith.constant 1136 : index
      %swap3A_288 = tpu.vector_load %arg9[%swap3A_287] {strides = array<i32>} : memref<4096xf32, #tpu.memory_space<vmem>>, vector<16xf32>,
      %swap3A_289 = vector.shape_cast %swap3A_288 : vector<16xf32> to vector<16xf32>
      %swap3A_290 = vector.shape_cast %broadcast_in_dim3A_3 : vector<16xf32> to vector<16xf32>
      tpu.vector_store %arg9[%swap3A_287], %swap3A_290 {strides = array<i32>} : memref<4096xf32, #tpu.memory_space<vmem>>, vector<16xf32>,
      %swap3A_291 = arith.constant 1152 : index
      %swap3A_292 = tpu.vector_load %arg9[%swap3A_291] {strides = array<i32>} : memref<4096xf32, #tpu.memory_space<vmem>>, vector<16xf32>,
      %swap3A_293 = vector.shape_cast %swap3A_292 : vector<16xf32> to vector<16xf32>
      %swap3A_294 = vector.shape_cast %broadcast_in_dim3A_3 : vector<16xf32> to vector<16xf32>
      tpu.vector_store %arg9[%swap3A_291], %swap3A_294 {strides = array<i32>} : memref<4096xf32, #tpu.memory_space<vmem>>, vector<16xf32>,
      %swap3A_295 = arith.constant 1168 : index
      %swap3A_296 = tpu.vector_load %arg9[%swap3A_295] {strides = array<i32>} : memref<4096xf32, #tpu.memory_space<vmem>>, vector<16xf32>,
      %swap3A_297 = vector.shape_cast %swap3A_296 : vector<16xf32> to vector<16xf32>
      %swap3A_298 = vector.shape_cast %broadcast_in_dim3A_3 : vector<16xf32> to vector<16xf32>
      tpu.vector_store %arg9[%swap3A_295], %swap3A_298 {strides = array<i32>} : memref<4096xf32, #tpu.memory_space<vmem>>, vector<16xf32>,
      %swap3A_299 = arith.constant 1184 : index
      %swap3A_300 = tpu.vector_load %arg9[%swap3A_299] {strides = array<i32>} : memref<4096xf32, #tpu.memory_space<vmem>>, vector<16xf32>,
      %swap3A_301 = vector.shape_cast %swap3A_300 : vector<16xf32> to vector<16xf32>
      %swap3A_302 = vector.shape_cast %broadcast_in_dim3A_3 : vector<16xf32> to vector<16xf32>
      tpu.vector_store %arg9[%swap3A_299], %swap3A_302 {strides = array<i32>} : memref<4096xf32, #tpu.memory_space<vmem>>, vector<16xf32>,
      %swap3A_303 = arith.constant 1200 : index
      %swap3A_304 = tpu.vector_load %arg9[%swap3A_303] {strides = array<i32>} : memref<4096xf32, #tpu.memory_space<vmem>>, vector<16xf32>,
      %swap3A_305 = vector.shape_cast %swap3A_304 : vector<16xf32> to vector<16xf32>
      %swap3A_306 = vector.shape_cast %broadcast_in_dim3A_3 : vector<16xf32> to vector<16xf32>
      tpu.vector_store %arg9[%swap3A_303], %swap3A_306 {strides = array<i32>} : memref<4096xf32, #tpu.memory_space<vmem>>, vector<16xf32>,
      %swap3A_307 = arith.constant 1216 : index
      %swap3A_308 = tpu.vector_load %arg9[%swap3A_307] {strides = array<i32>} : memref<4096xf32, #tpu.memory_space<vmem>>, vector<16xf32>,
      %swap3A_309 = vector.shape_cast %swap3A_308 : vector<16xf32> to vector<16xf32>
      %swap3A_310 = vector.shape_cast %broadcast_in_dim3A_3 : vector<16xf32> to vector<16xf32>
      tpu.vector_store %arg9[%swap3A_307], %swap3A_310 {strides = array<i32>} : memref<4096xf32, #tpu.memory_space<vmem>>, vector<16xf32>,
      %swap3A_311 = arith.constant 1232 : index
      %swap3A_312 = tpu.vector_load %arg9[%swap3A_311] {strides = array<i32>} : memref<4096xf32, #tpu.memory_space<vmem>>, vector<16xf32>,
      %swap3A_313 = vector.shape_cast %swap3A_312 : vector<16xf32> to vector<16xf32>
      %swap3A_314 = vector.shape_cast %broadcast_in_dim3A_3 : vector<16xf32> to vector<16xf32>
      tpu.vector_store %arg9[%swap3A_311], %swap3A_314 {strides = array<i32>} : memref<4096xf32, #tpu.memory_space<vmem>>, vector<16xf32>,
      %swap3A_315 = arith.constant 1248 : index
      %swap3A_316 = tpu.vector_load %arg9[%swap3A_315] {strides = array<i32>} : memref<4096xf32, #tpu.memory_space<vmem>>, vector<16xf32>,
      %swap3A_317 = vector.shape_cast %swap3A_316 : vector<16xf32> to vector<16xf32>
      %swap3A_318 = vector.shape_cast %broadcast_in_dim3A_3 : vector<16xf32> to vector<16xf32>
      tpu.vector_store %arg9[%swap3A_315], %swap3A_318 {strides = array<i32>} : memref<4096xf32, #tpu.memory_space<vmem>>, vector<16xf32>,
      %swap3A_319 = arith.constant 1264 : index
      %swap3A_320 = tpu.vector_load %arg9[%swap3A_319] {strides = array<i32>} : memref<4096xf32, #tpu.memory_space<vmem>>, vector<16xf32>,
      %swap3A_321 = vector.shape_cast %swap3A_320 : vector<16xf32> to vector<16xf32>
      %swap3A_322 = vector.shape_cast %broadcast_in_dim3A_3 : vector<16xf32> to vector<16xf32>
      tpu.vector_store %arg9[%swap3A_319], %swap3A_322 {strides = array<i32>} : memref<4096xf32, #tpu.memory_space<vmem>>, vector<16xf32>,
      %swap3A_323 = arith.constant 1280 : index
      %swap3A_324 = tpu.vector_load %arg9[%swap3A_323] {strides = array<i32>} : memref<4096xf32, #tpu.memory_space<vmem>>, vector<16xf32>,
      %swap3A_325 = vector.shape_cast %swap3A_324 : vector<16xf32> to vector<16xf32>
      %swap3A_326 = vector.shape_cast %broadcast_in_dim3A_3 : vector<16xf32> to vector<16xf32>
      tpu.vector_store %arg9[%swap3A_323], %swap3A_326 {strides = array<i32>} : memref<4096xf32, #tpu.memory_space<vmem>>, vector<16xf32>,
      %swap3A_327 = arith.constant 1296 : index
      %swap3A_328 = tpu.vector_load %arg9[%swap3A_327] {strides = array<i32>} : memref<4096xf32, #tpu.memory_space<vmem>>, vector<16xf32>,
      %swap3A_329 = vector.shape_cast %swap3A_328 : vector<16xf32> to vector<16xf32>
      %swap3A_330 = vector.shape_cast %broadcast_in_dim3A_3 : vector<16xf32> to vector<16xf32>
      tpu.vector_store %arg9[%swap3A_327], %swap3A_330 {strides = array<i32>} : memref<4096xf32, #tpu.memory_space<vmem>>, vector<16xf32>,
      %swap3A_331 = arith.constant 1312 : index
      %swap3A_332 = tpu.vector_load %arg9[%swap3A_331] {strides = array<i32>} : memref<4096xf32, #tpu.memory_space<vmem>>, vector<16xf32>,
      %swap3A_333 = vector.shape_cast %swap3A_332 : vector<16xf32> to vector<16xf32>
      %swap3A_334 = vector.shape_cast %broadcast_in_dim3A_3 : vector<16xf32> to vector<16xf32>
      tpu.vector_store %arg9[%swap3A_331], %swap3A_334 {strides = array<i32>} : memref<4096xf32, #tpu.memory_space<vmem>>, vector<16xf32>,
      %swap3A_335 = arith.constant 1328 : index
      %swap3A_336 = tpu.vector_load %arg9[%swap3A_335] {strides = array<i32>} : memref<4096xf32, #tpu.memory_space<vmem>>, vector<16xf32>,
      %swap3A_337 = vector.shape_cast %swap3A_336 : vector<16xf32> to vector<16xf32>
      %swap3A_338 = vector.shape_cast %broadcast_in_dim3A_3 : vector<16xf32> to vector<16xf32>
      tpu.vector_store %arg9[%swap3A_335], %swap3A_338 {strides = array<i32>} : memref<4096xf32, #tpu.memory_space<vmem>>, vector<16xf32>,
      %swap3A_339 = arith.constant 1344 : index
      %swap3A_340 = tpu.vector_load %arg9[%swap3A_339] {strides = array<i32>} : memref<4096xf32, #tpu.memory_space<vmem>>, vector<16xf32>,
      %swap3A_341 = vector.shape_cast %swap3A_340 : vector<16xf32> to vector<16xf32>
      %swap3A_342 = vector.shape_cast %broadcast_in_dim3A_3 : vector<16xf32> to vector<16xf32>
      tpu.vector_store %arg9[%swap3A_339], %swap3A_342 {strides = array<i32>} : memref<4096xf32, #tpu.memory_space<vmem>>, vector<16xf32>,
      %swap3A_343 = arith.constant 1360 : index
      %swap3A_344 = tpu.vector_load %arg9[%swap3A_343] {strides = array<i32>} : memref<4096xf32, #tpu.memory_space<vmem>>, vector<16xf32>,
      %swap3A_345 = vector.shape_cast %swap3A_344 : vector<16xf32> to vector<16xf32>
      %swap3A_346 = vector.shape_cast %broadcast_in_dim3A_3 : vector<16xf32> to vector<16xf32>
      tpu.vector_store %arg9[%swap3A_343], %swap3A_346 {strides = array<i32>} : memref<4096xf32, #tpu.memory_space<vmem>>, vector<16xf32>,
      %swap3A_347 = arith.constant 1376 : index
      %swap3A_348 = tpu.vector_load %arg9[%swap3A_347] {strides = array<i32>} : memref<4096xf32, #tpu.memory_space<vmem>>, vector<16xf32>,
      %swap3A_349 = vector.shape_cast %swap3A_348 : vector<16xf32> to vector<16xf32>
      %swap3A_350 = vector.shape_cast %broadcast_in_dim3A_3 : vector<16xf32> to vector<16xf32>
      tpu.vector_store %arg9[%swap3A_347], %swap3A_350 {strides = array<i32>} : memref<4096xf32, #tpu.memory_space<vmem>>, vector<16xf32>,
      %swap3A_351 = arith.constant 1392 : index
      %swap3A_352 = tpu.vector_load %arg9[%swap3A_351] {strides = array<i32>} : memref<4096xf32, #tpu.memory_space<vmem>>, vector<16xf32>,
      %swap3A_353 = vector.shape_cast %swap3A_352 : vector<16xf32> to vector<16xf32>
      %swap3A_354 = vector.shape_cast %broadcast_in_dim3A_3 : vector<16xf32> to vector<16xf32>
      tpu.vector_store %arg9[%swap3A_351], %swap3A_354 {strides = array<i32>} : memref<4096xf32, #tpu.memory_space<vmem>>, vector<16xf32>,
      %swap3A_355 = arith.constant 1408 : index
      %swap3A_356 = tpu.vector_load %arg9[%swap3A_355] {strides = array<i32>} : memref<4096xf32, #tpu.memory_space<vmem>>, vector<16xf32>,
      %swap3A_357 = vector.shape_cast %swap3A_356 : vector<16xf32> to vector<16xf32>
      %swap3A_358 = vector.shape_cast %broadcast_in_dim3A_3 : vector<16xf32> to vector<16xf32>
      tpu.vector_store %arg9[%swap3A_355], %swap3A_358 {strides = array<i32>} : memref<4096xf32, #tpu.memory_space<vmem>>, vector<16xf32>,
      %swap3A_359 = arith.constant 1424 : index
      %swap3A_360 = tpu.vector_load %arg9[%swap3A_359] {strides = array<i32>} : memref<4096xf32, #tpu.memory_space<vmem>>, vector<16xf32>,
      %swap3A_361 = vector.shape_cast %swap3A_360 : vector<16xf32> to vector<16xf32>
      %swap3A_362 = vector.shape_cast %broadcast_in_dim3A_3 : vector<16xf32> to vector<16xf32>
      tpu.vector_store %arg9[%swap3A_359], %swap3A_362 {strides = array<i32>} : memref<4096xf32, #tpu.memory_space<vmem>>, vector<16xf32>,
      %swap3A_363 = arith.constant 1440 : index
      %swap3A_364 = tpu.vector_load %arg9[%swap3A_363] {strides = array<i32>} : memref<4096xf32, #tpu.memory_space<vmem>>, vector<16xf32>,
      %swap3A_365 = vector.shape_cast %swap3A_364 : vector<16xf32> to vector<16xf32>
      %swap3A_366 = vector.shape_cast %broadcast_in_dim3A_3 : vector<16xf32> to vector<16xf32>
      tpu.vector_store %arg9[%swap3A_363], %swap3A_366 {strides = array<i32>} : memref<4096xf32, #tpu.memory_space<vmem>>, vector<16xf32>,
      %swap3A_367 = arith.constant 1456 : index
      %swap3A_368 = tpu.vector_load %arg9[%swap3A_367] {strides = array<i32>} : memref<4096xf32, #tpu.memory_space<vmem>>, vector<16xf32>,
      %swap3A_369 = vector.shape_cast %swap3A_368 : vector<16xf32> to vector<16xf32>
      %swap3A_370 = vector.shape_cast %broadcast_in_dim3A_3 : vector<16xf32> to vector<16xf32>
      tpu.vector_store %arg9[%swap3A_367], %swap3A_370 {strides = array<i32>} : memref<4096xf32, #tpu.memory_space<vmem>>, vector<16xf32>,
      %swap3A_371 = arith.constant 1472 : index
      %swap3A_372 = tpu.vector_load %arg9[%swap3A_371] {strides = array<i32>} : memref<4096xf32, #tpu.memory_space<vmem>>, vector<16xf32>,
      %swap3A_373 = vector.shape_cast %swap3A_372 : vector<16xf32> to vector<16xf32>
      %swap3A_374 = vector.shape_cast %broadcast_in_dim3A_3 : vector<16xf32> to vector<16xf32>
      tpu.vector_store %arg9[%swap3A_371], %swap3A_374 {strides = array<i32>} : memref<4096xf32, #tpu.memory_space<vmem>>, vector<16xf32>,
      %swap3A_375 = arith.constant 1488 : index
      %swap3A_376 = tpu.vector_load %arg9[%swap3A_375] {strides = array<i32>} : memref<4096xf32, #tpu.memory_space<vmem>>, vector<16xf32>,
      %swap3A_377 = vector.shape_cast %swap3A_376 : vector<16xf32> to vector<16xf32>
      %swap3A_378 = vector.shape_cast %broadcast_in_dim3A_3 : vector<16xf32> to vector<16xf32>
      tpu.vector_store %arg9[%swap3A_375], %swap3A_378 {strides = array<i32>} : memref<4096xf32, #tpu.memory_space<vmem>>, vector<16xf32>,
      %swap3A_379 = arith.constant 1504 : index
      %swap3A_380 = tpu.vector_load %arg9[%swap3A_379] {strides = array<i32>} : memref<4096xf32, #tpu.memory_space<vmem>>, vector<16xf32>,
      %swap3A_381 = vector.shape_cast %swap3A_380 : vector<16xf32> to vector<16xf32>
      %swap3A_382 = vector.shape_cast %broadcast_in_dim3A_3 : vector<16xf32> to vector<16xf32>
      tpu.vector_store %arg9[%swap3A_379], %swap3A_382 {strides = array<i32>} : memref<4096xf32, #tpu.memory_space<vmem>>, vector<16xf32>,
      %swap3A_383 = arith.constant 1520 : index
      %swap3A_384 = tpu.vector_load %arg9[%swap3A_383] {strides = array<i32>} : memref<4096xf32, #tpu.memory_space<vmem>>, vector<16xf32>,
      %swap3A_385 = vector.shape_cast %swap3A_384 : vector<16xf32> to vector<16xf32>
      %swap3A_386 = vector.shape_cast %broadcast_in_dim3A_3 : vector<16xf32> to vector<16xf32>
      tpu.vector_store %arg9[%swap3A_383], %swap3A_386 {strides = array<i32>} : memref<4096xf32, #tpu.memory_space<vmem>>, vector<16xf32>,
      %swap3A_387 = arith.constant 1536 : index
      %swap3A_388 = tpu.vector_load %arg9[%swap3A_387] {strides = array<i32>} : memref<4096xf32, #tpu.memory_space<vmem>>, vector<16xf32>,
      %swap3A_389 = vector.shape_cast %swap3A_388 : vector<16xf32> to vector<16xf32>
      %swap3A_390 = vector.shape_cast %broadcast_in_dim3A_3 : vector<16xf32> to vector<16xf32>
      tpu.vector_store %arg9[%swap3A_387], %swap3A_390 {strides = array<i32>} : memref<4096xf32, #tpu.memory_space<vmem>>, vector<16xf32>,
      %swap3A_391 = arith.constant 1552 : index
      %swap3A_392 = tpu.vector_load %arg9[%swap3A_391] {strides = array<i32>} : memref<4096xf32, #tpu.memory_space<vmem>>, vector<16xf32>,
      %swap3A_393 = vector.shape_cast %swap3A_392 : vector<16xf32> to vector<16xf32>
      %swap3A_394 = vector.shape_cast %broadcast_in_dim3A_3 : vector<16xf32> to vector<16xf32>
      tpu.vector_store %arg9[%swap3A_391], %swap3A_394 {strides = array<i32>} : memref<4096xf32, #tpu.memory_space<vmem>>, vector<16xf32>,
      %swap3A_395 = arith.constant 1568 : index
      %swap3A_396 = tpu.vector_load %arg9[%swap3A_395] {strides = array<i32>} : memref<4096xf32, #tpu.memory_space<vmem>>, vector<16xf32>,
      %swap3A_397 = vector.shape_cast %swap3A_396 : vector<16xf32> to vector<16xf32>
      %swap3A_398 = vector.shape_cast %broadcast_in_dim3A_3 : vector<16xf32> to vector<16xf32>
      tpu.vector_store %arg9[%swap3A_395], %swap3A_398 {strides = array<i32>} : memref<4096xf32, #tpu.memory_space<vmem>>, vector<16xf32>,
      %swap3A_399 = arith.constant 1584 : index
      %swap3A_400 = tpu.vector_load %arg9[%swap3A_399] {strides = array<i32>} : memref<4096xf32, #tpu.memory_space<vmem>>, vector<16xf32>,
      %swap3A_401 = vector.shape_cast %swap3A_400 : vector<16xf32> to vector<16xf32>
      %swap3A_402 = vector.shape_cast %broadcast_in_dim3A_3 : vector<16xf32> to vector<16xf32>
      tpu.vector_store %arg9[%swap3A_399], %swap3A_402 {strides = array<i32>} : memref<4096xf32, #tpu.memory_space<vmem>>, vector<16xf32>,
      %swap3A_403 = arith.constant 1600 : index
      %swap3A_404 = tpu.vector_load %arg9[%swap3A_403] {strides = array<i32>} : memref<4096xf32, #tpu.memory_space<vmem>>, vector<16xf32>,
      %swap3A_405 = vector.shape_cast %swap3A_404 : vector<16xf32> to vector<16xf32>
      %swap3A_406 = vector.shape_cast %broadcast_in_dim3A_3 : vector<16xf32> to vector<16xf32>
      tpu.vector_store %arg9[%swap3A_403], %swap3A_406 {strides = array<i32>} : memref<4096xf32, #tpu.memory_space<vmem>>, vector<16xf32>,
      %swap3A_407 = arith.constant 1616 : index
      %swap3A_408 = tpu.vector_load %arg9[%swap3A_407] {strides = array<i32>} : memref<4096xf32, #tpu.memory_space<vmem>>, vector<16xf32>,
      %swap3A_409 = vector.shape_cast %swap3A_408 : vector<16xf32> to vector<16xf32>
      %swap3A_410 = vector.shape_cast %broadcast_in_dim3A_3 : vector<16xf32> to vector<16xf32>
      tpu.vector_store %arg9[%swap3A_407], %swap3A_410 {strides = array<i32>} : memref<4096xf32, #tpu.memory_space<vmem>>, vector<16xf32>,
      %swap3A_411 = arith.constant 1632 : index
      %swap3A_412 = tpu.vector_load %arg9[%swap3A_411] {strides = array<i32>} : memref<4096xf32, #tpu.memory_space<vmem>>, vector<16xf32>,
      %swap3A_413 = vector.shape_cast %swap3A_412 : vector<16xf32> to vector<16xf32>
      %swap3A_414 = vector.shape_cast %broadcast_in_dim3A_3 : vector<16xf32> to vector<16xf32>
      tpu.vector_store %arg9[%swap3A_411], %swap3A_414 {strides = array<i32>} : memref<4096xf32, #tpu.memory_space<vmem>>, vector<16xf32>,
      %swap3A_415 = arith.constant 1648 : index
      %swap3A_416 = tpu.vector_load %arg9[%swap3A_415] {strides = array<i32>} : memref<4096xf32, #tpu.memory_space<vmem>>, vector<16xf32>,
      %swap3A_417 = vector.shape_cast %swap3A_416 : vector<16xf32> to vector<16xf32>
      %swap3A_418 = vector.shape_cast %broadcast_in_dim3A_3 : vector<16xf32> to vector<16xf32>
      tpu.vector_store %arg9[%swap3A_415], %swap3A_418 {strides = array<i32>} : memref<4096xf32, #tpu.memory_space<vmem>>, vector<16xf32>,
      %swap3A_419 = arith.constant 1664 : index
      %swap3A_420 = tpu.vector_load %arg9[%swap3A_419] {strides = array<i32>} : memref<4096xf32, #tpu.memory_space<vmem>>, vector<16xf32>,
      %swap3A_421 = vector.shape_cast %swap3A_420 : vector<16xf32> to vector<16xf32>
      %swap3A_422 = vector.shape_cast %broadcast_in_dim3A_3 : vector<16xf32> to vector<16xf32>
      tpu.vector_store %arg9[%swap3A_419], %swap3A_422 {strides = array<i32>} : memref<4096xf32, #tpu.memory_space<vmem>>, vector<16xf32>,
      %swap3A_423 = arith.constant 1680 : index
      %swap3A_424 = tpu.vector_load %arg9[%swap3A_423] {strides = array<i32>} : memref<4096xf32, #tpu.memory_space<vmem>>, vector<16xf32>,
      %swap3A_425 = vector.shape_cast %swap3A_424 : vector<16xf32> to vector<16xf32>
      %swap3A_426 = vector.shape_cast %broadcast_in_dim3A_3 : vector<16xf32> to vector<16xf32>
      tpu.vector_store %arg9[%swap3A_423], %swap3A_426 {strides = array<i32>} : memref<4096xf32, #tpu.memory_space<vmem>>, vector<16xf32>,
      %swap3A_427 = arith.constant 1696 : index
      %swap3A_428 = tpu.vector_load %arg9[%swap3A_427] {strides = array<i32>} : memref<4096xf32, #tpu.memory_space<vmem>>, vector<16xf32>,
      %swap3A_429 = vector.shape_cast %swap3A_428 : vector<16xf32> to vector<16xf32>
      %swap3A_430 = vector.shape_cast %broadcast_in_dim3A_3 : vector<16xf32> to vector<16xf32>
      tpu.vector_store %arg9[%swap3A_427], %swap3A_430 {strides = array<i32>} : memref<4096xf32, #tpu.memory_space<vmem>>, vector<16xf32>,
      %swap3A_431 = arith.constant 1712 : index
      %swap3A_432 = tpu.vector_load %arg9[%swap3A_431] {strides = array<i32>} : memref<4096xf32, #tpu.memory_space<vmem>>, vector<16xf32>,
      %swap3A_433 = vector.shape_cast %swap3A_432 : vector<16xf32> to vector<16xf32>
      %swap3A_434 = vector.shape_cast %broadcast_in_dim3A_3 : vector<16xf32> to vector<16xf32>
      tpu.vector_store %arg9[%swap3A_431], %swap3A_434 {strides = array<i32>} : memref<4096xf32, #tpu.memory_space<vmem>>, vector<16xf32>,
      %swap3A_435 = arith.constant 1728 : index
      %swap3A_436 = tpu.vector_load %arg9[%swap3A_435] {strides = array<i32>} : memref<4096xf32, #tpu.memory_space<vmem>>, vector<16xf32>,
      %swap3A_437 = vector.shape_cast %swap3A_436 : vector<16xf32> to vector<16xf32>
      %swap3A_438 = vector.shape_cast %broadcast_in_dim3A_3 : vector<16xf32> to vector<16xf32>
      tpu.vector_store %arg9[%swap3A_435], %swap3A_438 {strides = array<i32>} : memref<4096xf32, #tpu.memory_space<vmem>>, vector<16xf32>,
      %swap3A_439 = arith.constant 1744 : index
      %swap3A_440 = tpu.vector_load %arg9[%swap3A_439] {strides = array<i32>} : memref<4096xf32, #tpu.memory_space<vmem>>, vector<16xf32>,
      %swap3A_441 = vector.shape_cast %swap3A_440 : vector<16xf32> to vector<16xf32>
      %swap3A_442 = vector.shape_cast %broadcast_in_dim3A_3 : vector<16xf32> to vector<16xf32>
      tpu.vector_store %arg9[%swap3A_439], %swap3A_442 {strides = array<i32>} : memref<4096xf32, #tpu.memory_space<vmem>>, vector<16xf32>,
      %swap3A_443 = arith.constant 1760 : index
      %swap3A_444 = tpu.vector_load %arg9[%swap3A_443] {strides = array<i32>} : memref<4096xf32, #tpu.memory_space<vmem>>, vector<16xf32>,
      %swap3A_445 = vector.shape_cast %swap3A_444 : vector<16xf32> to vector<16xf32>
      %swap3A_446 = vector.shape_cast %broadcast_in_dim3A_3 : vector<16xf32> to vector<16xf32>
      tpu.vector_store %arg9[%swap3A_443], %swap3A_446 {strides = array<i32>} : memref<4096xf32, #tpu.memory_space<vmem>>, vector<16xf32>,
      %swap3A_447 = arith.constant 1776 : index
      %swap3A_448 = tpu.vector_load %arg9[%swap3A_447] {strides = array<i32>} : memref<4096xf32, #tpu.memory_space<vmem>>, vector<16xf32>,
      %swap3A_449 = vector.shape_cast %swap3A_448 : vector<16xf32> to vector<16xf32>
      %swap3A_450 = vector.shape_cast %broadcast_in_dim3A_3 : vector<16xf32> to vector<16xf32>
      tpu.vector_store %arg9[%swap3A_447], %swap3A_450 {strides = array<i32>} : memref<4096xf32, #tpu.memory_space<vmem>>, vector<16xf32>,
      %swap3A_451 = arith.constant 1792 : index
      %swap3A_452 = tpu.vector_load %arg9[%swap3A_451] {strides = array<i32>} : memref<4096xf32, #tpu.memory_space<vmem>>, vector<16xf32>,
      %swap3A_453 = vector.shape_cast %swap3A_452 : vector<16xf32> to vector<16xf32>
      %swap3A_454 = vector.shape_cast %broadcast_in_dim3A_3 : vector<16xf32> to vector<16xf32>
      tpu.vector_store %arg9[%swap3A_451], %swap3A_454 {strides = array<i32>} : memref<4096xf32, #tpu.memory_space<vmem>>, vector<16xf32>,
      %swap3A_455 = arith.constant 1808 : index
      %swap3A_456 = tpu.vector_load %arg9[%swap3A_455] {strides = array<i32>} : memref<4096xf32, #tpu.memory_space<vmem>>, vector<16xf32>,
      %swap3A_457 = vector.shape_cast %swap3A_456 : vector<16xf32> to vector<16xf32>
      %swap3A_458 = vector.shape_cast %broadcast_in_dim3A_3 : vector<16xf32> to vector<16xf32>
      tpu.vector_store %arg9[%swap3A_455], %swap3A_458 {strides = array<i32>} : memref<4096xf32, #tpu.memory_space<vmem>>, vector<16xf32>,
      %swap3A_459 = arith.constant 1824 : index
      %swap3A_460 = tpu.vector_load %arg9[%swap3A_459] {strides = array<i32>} : memref<4096xf32, #tpu.memory_space<vmem>>, vector<16xf32>,
      %swap3A_461 = vector.shape_cast %swap3A_460 : vector<16xf32> to vector<16xf32>
      %swap3A_462 = vector.shape_cast %broadcast_in_dim3A_3 : vector<16xf32> to vector<16xf32>
      tpu.vector_store %arg9[%swap3A_459], %swap3A_462 {strides = array<i32>} : memref<4096xf32, #tpu.memory_space<vmem>>, vector<16xf32>,
      %swap3A_463 = arith.constant 1840 : index
      %swap3A_464 = tpu.vector_load %arg9[%swap3A_463] {strides = array<i32>} : memref<4096xf32, #tpu.memory_space<vmem>>, vector<16xf32>,
      %swap3A_465 = vector.shape_cast %swap3A_464 : vector<16xf32> to vector<16xf32>
      %swap3A_466 = vector.shape_cast %broadcast_in_dim3A_3 : vector<16xf32> to vector<16xf32>
      tpu.vector_store %arg9[%swap3A_463], %swap3A_466 {strides = array<i32>} : memref<4096xf32, #tpu.memory_space<vmem>>, vector<16xf32>,
      %swap3A_467 = arith.constant 1856 : index
      %swap3A_468 = tpu.vector_load %arg9[%swap3A_467] {strides = array<i32>} : memref<4096xf32, #tpu.memory_space<vmem>>, vector<16xf32>,
      %swap3A_469 = vector.shape_cast %swap3A_468 : vector<16xf32> to vector<16xf32>
      %swap3A_470 = vector.shape_cast %broadcast_in_dim3A_3 : vector<16xf32> to vector<16xf32>
      tpu.vector_store %arg9[%swap3A_467], %swap3A_470 {strides = array<i32>} : memref<4096xf32, #tpu.memory_space<vmem>>, vector<16xf32>,
      %swap3A_471 = arith.constant 1872 : index
      %swap3A_472 = tpu.vector_load %arg9[%swap3A_471] {strides = array<i32>} : memref<4096xf32, #tpu.memory_space<vmem>>, vector<16xf32>,
      %swap3A_473 = vector.shape_cast %swap3A_472 : vector<16xf32> to vector<16xf32>
      %swap3A_474 = vector.shape_cast %broadcast_in_dim3A_3 : vector<16xf32> to vector<16xf32>
      tpu.vector_store %arg9[%swap3A_471], %swap3A_474 {strides = array<i32>} : memref<4096xf32, #tpu.memory_space<vmem>>, vector<16xf32>,
      %swap3A_475 = arith.constant 1888 : index
      %swap3A_476 = tpu.vector_load %arg9[%swap3A_475] {strides = array<i32>} : memref<4096xf32, #tpu.memory_space<vmem>>, vector<16xf32>,
      %swap3A_477 = vector.shape_cast %swap3A_476 : vector<16xf32> to vector<16xf32>
      %swap3A_478 = vector.shape_cast %broadcast_in_dim3A_3 : vector<16xf32> to vector<16xf32>
      tpu.vector_store %arg9[%swap3A_475], %swap3A_478 {strides = array<i32>} : memref<4096xf32, #tpu.memory_space<vmem>>, vector<16xf32>,
      %swap3A_479 = arith.constant 1904 : index
      %swap3A_480 = tpu.vector_load %arg9[%swap3A_479] {strides = array<i32>} : memref<4096xf32, #tpu.memory_space<vmem>>, vector<16xf32>,
      %swap3A_481 = vector.shape_cast %swap3A_480 : vector<16xf32> to vector<16xf32>
      %swap3A_482 = vector.shape_cast %broadcast_in_dim3A_3 : vector<16xf32> to vector<16xf32>
      tpu.vector_store %arg9[%swap3A_479], %swap3A_482 {strides = array<i32>} : memref<4096xf32, #tpu.memory_space<vmem>>, vector<16xf32>,
      %swap3A_483 = arith.constant 1920 : index
      %swap3A_484 = tpu.vector_load %arg9[%swap3A_483] {strides = array<i32>} : memref<4096xf32, #tpu.memory_space<vmem>>, vector<16xf32>,
      %swap3A_485 = vector.shape_cast %swap3A_484 : vector<16xf32> to vector<16xf32>
      %swap3A_486 = vector.shape_cast %broadcast_in_dim3A_3 : vector<16xf32> to vector<16xf32>
      tpu.vector_store %arg9[%swap3A_483], %swap3A_486 {strides = array<i32>} : memref<4096xf32, #tpu.memory_space<vmem>>, vector<16xf32>,
      %swap3A_487 = arith.constant 1936 : index
      %swap3A_488 = tpu.vector_load %arg9[%swap3A_487] {strides = array<i32>} : memref<4096xf32, #tpu.memory_space<vmem>>, vector<16xf32>,
      %swap3A_489 = vector.shape_cast %swap3A_488 : vector<16xf32> to vector<16xf32>
      %swap3A_490 = vector.shape_cast %broadcast_in_dim3A_3 : vector<16xf32> to vector<16xf32>
      tpu.vector_store %arg9[%swap3A_487], %swap3A_490 {strides = array<i32>} : memref<4096xf32, #tpu.memory_space<vmem>>, vector<16xf32>,
      %swap3A_491 = arith.constant 1952 : index
      %swap3A_492 = tpu.vector_load %arg9[%swap3A_491] {strides = array<i32>} : memref<4096xf32, #tpu.memory_space<vmem>>, vector<16xf32>,
      %swap3A_493 = vector.shape_cast %swap3A_492 : vector<16xf32> to vector<16xf32>
      %swap3A_494 = vector.shape_cast %broadcast_in_dim3A_3 : vector<16xf32> to vector<16xf32>
      tpu.vector_store %arg9[%swap3A_491], %swap3A_494 {strides = array<i32>} : memref<4096xf32, #tpu.memory_space<vmem>>, vector<16xf32>,
      %swap3A_495 = arith.constant 1968 : index
      %swap3A_496 = tpu.vector_load %arg9[%swap3A_495] {strides = array<i32>} : memref<4096xf32, #tpu.memory_space<vmem>>, vector<16xf32>,
      %swap3A_497 = vector.shape_cast %swap3A_496 : vector<16xf32> to vector<16xf32>
      %swap3A_498 = vector.shape_cast %broadcast_in_dim3A_3 : vector<16xf32> to vector<16xf32>
      tpu.vector_store %arg9[%swap3A_495], %swap3A_498 {strides = array<i32>} : memref<4096xf32, #tpu.memory_space<vmem>>, vector<16xf32>,
      %swap3A_499 = arith.constant 1984 : index
      %swap3A_500 = tpu.vector_load %arg9[%swap3A_499] {strides = array<i32>} : memref<4096xf32, #tpu.memory_space<vmem>>, vector<16xf32>,
      %swap3A_501 = vector.shape_cast %swap3A_500 : vector<16xf32> to vector<16xf32>
      %swap3A_502 = vector.shape_cast %broadcast_in_dim3A_3 : vector<16xf32> to vector<16xf32>
      tpu.vector_store %arg9[%swap3A_499], %swap3A_502 {strides = array<i32>} : memref<4096xf32, #tpu.memory_space<vmem>>, vector<16xf32>,
      %swap3A_503 = arith.constant 2000 : index
      %swap3A_504 = tpu.vector_load %arg9[%swap3A_503] {strides = array<i32>} : memref<4096xf32, #tpu.memory_space<vmem>>, vector<16xf32>,
      %swap3A_505 = vector.shape_cast %swap3A_504 : vector<16xf32> to vector<16xf32>
      %swap3A_506 = vector.shape_cast %broadcast_in_dim3A_3 : vector<16xf32> to vector<16xf32>
      tpu.vector_store %arg9[%swap3A_503], %swap3A_506 {strides = array<i32>} : memref<4096xf32, #tpu.memory_space<vmem>>, vector<16xf32>,
      %swap3A_507 = arith.constant 2016 : index
      %swap3A_508 = tpu.vector_load %arg9[%swap3A_507] {strides = array<i32>} : memref<4096xf32, #tpu.memory_space<vmem>>, vector<16xf32>,
      %swap3A_509 = vector.shape_cast %swap3A_508 : vector<16xf32> to vector<16xf32>
      %swap3A_510 = vector.shape_cast %broadcast_in_dim3A_3 : vector<16xf32> to vector<16xf32>
      tpu.vector_store %arg9[%swap3A_507], %swap3A_510 {strides = array<i32>} : memref<4096xf32, #tpu.memory_space<vmem>>, vector<16xf32>,
      %swap3A_511 = arith.constant 2032 : index
      %swap3A_512 = tpu.vector_load %arg9[%swap3A_511] {strides = array<i32>} : memref<4096xf32, #tpu.memory_space<vmem>>, vector<16xf32>,
      %swap3A_513 = vector.shape_cast %swap3A_512 : vector<16xf32> to vector<16xf32>
      %swap3A_514 = vector.shape_cast %broadcast_in_dim3A_3 : vector<16xf32> to vector<16xf32>
      tpu.vector_store %arg9[%swap3A_511], %swap3A_514 {strides = array<i32>} : memref<4096xf32, #tpu.memory_space<vmem>>, vector<16xf32>,
      %swap3A_515 = arith.constant 2048 : index
      %swap3A_516 = tpu.vector_load %arg9[%swap3A_515] {strides = array<i32>} : memref<4096xf32, #tpu.memory_space<vmem>>, vector<16xf32>,
      %swap3A_517 = vector.shape_cast %swap3A_516 : vector<16xf32> to vector<16xf32>
      %swap3A_518 = vector.shape_cast %broadcast_in_dim3A_3 : vector<16xf32> to vector<16xf32>
      tpu.vector_store %arg9[%swap3A_515], %swap3A_518 {strides = array<i32>} : memref<4096xf32, #tpu.memory_space<vmem>>, vector<16xf32>,
      %swap3A_519 = arith.constant 2064 : index
      %swap3A_520 = tpu.vector_load %arg9[%swap3A_519] {strides = array<i32>} : memref<4096xf32, #tpu.memory_space<vmem>>, vector<16xf32>,
      %swap3A_521 = vector.shape_cast %swap3A_520 : vector<16xf32> to vector<16xf32>
      %swap3A_522 = vector.shape_cast %broadcast_in_dim3A_3 : vector<16xf32> to vector<16xf32>
      tpu.vector_store %arg9[%swap3A_519], %swap3A_522 {strides = array<i32>} : memref<4096xf32, #tpu.memory_space<vmem>>, vector<16xf32>,
      %swap3A_523 = arith.constant 2080 : index
      %swap3A_524 = tpu.vector_load %arg9[%swap3A_523] {strides = array<i32>} : memref<4096xf32, #tpu.memory_space<vmem>>, vector<16xf32>,
      %swap3A_525 = vector.shape_cast %swap3A_524 : vector<16xf32> to vector<16xf32>
      %swap3A_526 = vector.shape_cast %broadcast_in_dim3A_3 : vector<16xf32> to vector<16xf32>
      tpu.vector_store %arg9[%swap3A_523], %swap3A_526 {strides = array<i32>} : memref<4096xf32, #tpu.memory_space<vmem>>, vector<16xf32>,
      %swap3A_527 = arith.constant 2096 : index
      %swap3A_528 = tpu.vector_load %arg9[%swap3A_527] {strides = array<i32>} : memref<4096xf32, #tpu.memory_space<vmem>>, vector<16xf32>,
      %swap3A_529 = vector.shape_cast %swap3A_528 : vector<16xf32> to vector<16xf32>
      %swap3A_530 = vector.shape_cast %broadcast_in_dim3A_3 : vector<16xf32> to vector<16xf32>
      tpu.vector_store %arg9[%swap3A_527], %swap3A_530 {strides = array<i32>} : memref<4096xf32, #tpu.memory_space<vmem>>, vector<16xf32>,
      %swap3A_531 = arith.constant 2112 : index
      %swap3A_532 = tpu.vector_load %arg9[%swap3A_531] {strides = array<i32>} : memref<4096xf32, #tpu.memory_space<vmem>>, vector<16xf32>,
      %swap3A_533 = vector.shape_cast %swap3A_532 : vector<16xf32> to vector<16xf32>
      %swap3A_534 = vector.shape_cast %broadcast_in_dim3A_3 : vector<16xf32> to vector<16xf32>
      tpu.vector_store %arg9[%swap3A_531], %swap3A_534 {strides = array<i32>} : memref<4096xf32, #tpu.memory_space<vmem>>, vector<16xf32>,
      %swap3A_535 = arith.constant 2128 : index
      %swap3A_536 = tpu.vector_load %arg9[%swap3A_535] {strides = array<i32>} : memref<4096xf32, #tpu.memory_space<vmem>>, vector<16xf32>,
      %swap3A_537 = vector.shape_cast %swap3A_536 : vector<16xf32> to vector<16xf32>
      %swap3A_538 = vector.shape_cast %broadcast_in_dim3A_3 : vector<16xf32> to vector<16xf32>
      tpu.vector_store %arg9[%swap3A_535], %swap3A_538 {strides = array<i32>} : memref<4096xf32, #tpu.memory_space<vmem>>, vector<16xf32>,
      %swap3A_539 = arith.constant 2144 : index
      %swap3A_540 = tpu.vector_load %arg9[%swap3A_539] {strides = array<i32>} : memref<4096xf32, #tpu.memory_space<vmem>>, vector<16xf32>,
      %swap3A_541 = vector.shape_cast %swap3A_540 : vector<16xf32> to vector<16xf32>
      %swap3A_542 = vector.shape_cast %broadcast_in_dim3A_3 : vector<16xf32> to vector<16xf32>
      tpu.vector_store %arg9[%swap3A_539], %swap3A_542 {strides = array<i32>} : memref<4096xf32, #tpu.memory_space<vmem>>, vector<16xf32>,
      %swap3A_543 = arith.constant 2160 : index
      %swap3A_544 = tpu.vector_load %arg9[%swap3A_543] {strides = array<i32>} : memref<4096xf32, #tpu.memory_space<vmem>>, vector<16xf32>,
      %swap3A_545 = vector.shape_cast %swap3A_544 : vector<16xf32> to vector<16xf32>
      %swap3A_546 = vector.shape_cast %broadcast_in_dim3A_3 : vector<16xf32> to vector<16xf32>
      tpu.vector_store %arg9[%swap3A_543], %swap3A_546 {strides = array<i32>} : memref<4096xf32, #tpu.memory_space<vmem>>, vector<16xf32>,
      %swap3A_547 = arith.constant 2176 : index
      %swap3A_548 = tpu.vector_load %arg9[%swap3A_547] {strides = array<i32>} : memref<4096xf32, #tpu.memory_space<vmem>>, vector<16xf32>,
      %swap3A_549 = vector.shape_cast %swap3A_548 : vector<16xf32> to vector<16xf32>
      %swap3A_550 = vector.shape_cast %broadcast_in_dim3A_3 : vector<16xf32> to vector<16xf32>
      tpu.vector_store %arg9[%swap3A_547], %swap3A_550 {strides = array<i32>} : memref<4096xf32, #tpu.memory_space<vmem>>, vector<16xf32>,
      %swap3A_551 = arith.constant 2192 : index
      %swap3A_552 = tpu.vector_load %arg9[%swap3A_551] {strides = array<i32>} : memref<4096xf32, #tpu.memory_space<vmem>>, vector<16xf32>,
      %swap3A_553 = vector.shape_cast %swap3A_552 : vector<16xf32> to vector<16xf32>
      %swap3A_554 = vector.shape_cast %broadcast_in_dim3A_3 : vector<16xf32> to vector<16xf32>
      tpu.vector_store %arg9[%swap3A_551], %swap3A_554 {strides = array<i32>} : memref<4096xf32, #tpu.memory_space<vmem>>, vector<16xf32>,
      %swap3A_555 = arith.constant 2208 : index
      %swap3A_556 = tpu.vector_load %arg9[%swap3A_555] {strides = array<i32>} : memref<4096xf32, #tpu.memory_space<vmem>>, vector<16xf32>,
      %swap3A_557 = vector.shape_cast %swap3A_556 : vector<16xf32> to vector<16xf32>
      %swap3A_558 = vector.shape_cast %broadcast_in_dim3A_3 : vector<16xf32> to vector<16xf32>
      tpu.vector_store %arg9[%swap3A_555], %swap3A_558 {strides = array<i32>} : memref<4096xf32, #tpu.memory_space<vmem>>, vector<16xf32>,
      %swap3A_559 = arith.constant 2224 : index
      %swap3A_560 = tpu.vector_load %arg9[%swap3A_559] {strides = array<i32>} : memref<4096xf32, #tpu.memory_space<vmem>>, vector<16xf32>,
      %swap3A_561 = vector.shape_cast %swap3A_560 : vector<16xf32> to vector<16xf32>
      %swap3A_562 = vector.shape_cast %broadcast_in_dim3A_3 : vector<16xf32> to vector<16xf32>
      tpu.vector_store %arg9[%swap3A_559], %swap3A_562 {strides = array<i32>} : memref<4096xf32, #tpu.memory_space<vmem>>, vector<16xf32>,
      %swap3A_563 = arith.constant 2240 : index
      %swap3A_564 = tpu.vector_load %arg9[%swap3A_563] {strides = array<i32>} : memref<4096xf32, #tpu.memory_space<vmem>>, vector<16xf32>,
      %swap3A_565 = vector.shape_cast %swap3A_564 : vector<16xf32> to vector<16xf32>
      %swap3A_566 = vector.shape_cast %broadcast_in_dim3A_3 : vector<16xf32> to vector<16xf32>
      tpu.vector_store %arg9[%swap3A_563], %swap3A_566 {strides = array<i32>} : memref<4096xf32, #tpu.memory_space<vmem>>, vector<16xf32>,
      %swap3A_567 = arith.constant 2256 : index
      %swap3A_568 = tpu.vector_load %arg9[%swap3A_567] {strides = array<i32>} : memref<4096xf32, #tpu.memory_space<vmem>>, vector<16xf32>,
      %swap3A_569 = vector.shape_cast %swap3A_568 : vector<16xf32> to vector<16xf32>
      %swap3A_570 = vector.shape_cast %broadcast_in_dim3A_3 : vector<16xf32> to vector<16xf32>
      tpu.vector_store %arg9[%swap3A_567], %swap3A_570 {strides = array<i32>} : memref<4096xf32, #tpu.memory_space<vmem>>, vector<16xf32>,
      %swap3A_571 = arith.constant 2272 : index
      %swap3A_572 = tpu.vector_load %arg9[%swap3A_571] {strides = array<i32>} : memref<4096xf32, #tpu.memory_space<vmem>>, vector<16xf32>,
      %swap3A_573 = vector.shape_cast %swap3A_572 : vector<16xf32> to vector<16xf32>
      %swap3A_574 = vector.shape_cast %broadcast_in_dim3A_3 : vector<16xf32> to vector<16xf32>
      tpu.vector_store %arg9[%swap3A_571], %swap3A_574 {strides = array<i32>} : memref<4096xf32, #tpu.memory_space<vmem>>, vector<16xf32>,
      %swap3A_575 = arith.constant 2288 : index
      %swap3A_576 = tpu.vector_load %arg9[%swap3A_575] {strides = array<i32>} : memref<4096xf32, #tpu.memory_space<vmem>>, vector<16xf32>,
      %swap3A_577 = vector.shape_cast %swap3A_576 : vector<16xf32> to vector<16xf32>
      %swap3A_578 = vector.shape_cast %broadcast_in_dim3A_3 : vector<16xf32> to vector<16xf32>
      tpu.vector_store %arg9[%swap3A_575], %swap3A_578 {strides = array<i32>} : memref<4096xf32, #tpu.memory_space<vmem>>, vector<16xf32>,
      %swap3A_579 = arith.constant 2304 : index
      %swap3A_580 = tpu.vector_load %arg9[%swap3A_579] {strides = array<i32>} : memref<4096xf32, #tpu.memory_space<vmem>>, vector<16xf32>,
      %swap3A_581 = vector.shape_cast %swap3A_580 : vector<16xf32> to vector<16xf32>
      %swap3A_582 = vector.shape_cast %broadcast_in_dim3A_3 : vector<16xf32> to vector<16xf32>
      tpu.vector_store %arg9[%swap3A_579], %swap3A_582 {strides = array<i32>} : memref<4096xf32, #tpu.memory_space<vmem>>, vector<16xf32>,
      %swap3A_583 = arith.constant 2320 : index
      %swap3A_584 = tpu.vector_load %arg9[%swap3A_583] {strides = array<i32>} : memref<4096xf32, #tpu.memory_space<vmem>>, vector<16xf32>,
      %swap3A_585 = vector.shape_cast %swap3A_584 : vector<16xf32> to vector<16xf32>
      %swap3A_586 = vector.shape_cast %broadcast_in_dim3A_3 : vector<16xf32> to vector<16xf32>
      tpu.vector_store %arg9[%swap3A_583], %swap3A_586 {strides = array<i32>} : memref<4096xf32, #tpu.memory_space<vmem>>, vector<16xf32>,
      %swap3A_587 = arith.constant 2336 : index
      %swap3A_588 = tpu.vector_load %arg9[%swap3A_587] {strides = array<i32>} : memref<4096xf32, #tpu.memory_space<vmem>>, vector<16xf32>,
      %swap3A_589 = vector.shape_cast %swap3A_588 : vector<16xf32> to vector<16xf32>
      %swap3A_590 = vector.shape_cast %broadcast_in_dim3A_3 : vector<16xf32> to vector<16xf32>
      tpu.vector_store %arg9[%swap3A_587], %swap3A_590 {strides = array<i32>} : memref<4096xf32, #tpu.memory_space<vmem>>, vector<16xf32>,
      %swap3A_591 = arith.constant 2352 : index
      %swap3A_592 = tpu.vector_load %arg9[%swap3A_591] {strides = array<i32>} : memref<4096xf32, #tpu.memory_space<vmem>>, vector<16xf32>,
      %swap3A_593 = vector.shape_cast %swap3A_592 : vector<16xf32> to vector<16xf32>
      %swap3A_594 = vector.shape_cast %broadcast_in_dim3A_3 : vector<16xf32> to vector<16xf32>
      tpu.vector_store %arg9[%swap3A_591], %swap3A_594 {strides = array<i32>} : memref<4096xf32, #tpu.memory_space<vmem>>, vector<16xf32>,
      %swap3A_595 = arith.constant 2368 : index
      %swap3A_596 = tpu.vector_load %arg9[%swap3A_595] {strides = array<i32>} : memref<4096xf32, #tpu.memory_space<vmem>>, vector<16xf32>,
      %swap3A_597 = vector.shape_cast %swap3A_596 : vector<16xf32> to vector<16xf32>
      %swap3A_598 = vector.shape_cast %broadcast_in_dim3A_3 : vector<16xf32> to vector<16xf32>
      tpu.vector_store %arg9[%swap3A_595], %swap3A_598 {strides = array<i32>} : memref<4096xf32, #tpu.memory_space<vmem>>, vector<16xf32>,
      %swap3A_599 = arith.constant 2384 : index
      %swap3A_600 = tpu.vector_load %arg9[%swap3A_599] {strides = array<i32>} : memref<4096xf32, #tpu.memory_space<vmem>>, vector<16xf32>,
      %swap3A_601 = vector.shape_cast %swap3A_600 : vector<16xf32> to vector<16xf32>
      %swap3A_602 = vector.shape_cast %broadcast_in_dim3A_3 : vector<16xf32> to vector<16xf32>
      tpu.vector_store %arg9[%swap3A_599], %swap3A_602 {strides = array<i32>} : memref<4096xf32, #tpu.memory_space<vmem>>, vector<16xf32>,
      %swap3A_603 = arith.constant 2400 : index
      %swap3A_604 = tpu.vector_load %arg9[%swap3A_603] {strides = array<i32>} : memref<4096xf32, #tpu.memory_space<vmem>>, vector<16xf32>,
      %swap3A_605 = vector.shape_cast %swap3A_604 : vector<16xf32> to vector<16xf32>
      %swap3A_606 = vector.shape_cast %broadcast_in_dim3A_3 : vector<16xf32> to vector<16xf32>
      tpu.vector_store %arg9[%swap3A_603], %swap3A_606 {strides = array<i32>} : memref<4096xf32, #tpu.memory_space<vmem>>, vector<16xf32>,
      %swap3A_607 = arith.constant 2416 : index
      %swap3A_608 = tpu.vector_load %arg9[%swap3A_607] {strides = array<i32>} : memref<4096xf32, #tpu.memory_space<vmem>>, vector<16xf32>,
      %swap3A_609 = vector.shape_cast %swap3A_608 : vector<16xf32> to vector<16xf32>
      %swap3A_610 = vector.shape_cast %broadcast_in_dim3A_3 : vector<16xf32> to vector<16xf32>
      tpu.vector_store %arg9[%swap3A_607], %swap3A_610 {strides = array<i32>} : memref<4096xf32, #tpu.memory_space<vmem>>, vector<16xf32>,
      %swap3A_611 = arith.constant 2432 : index
      %swap3A_612 = tpu.vector_load %arg9[%swap3A_611] {strides = array<i32>} : memref<4096xf32, #tpu.memory_space<vmem>>, vector<16xf32>,
      %swap3A_613 = vector.shape_cast %swap3A_612 : vector<16xf32> to vector<16xf32>
      %swap3A_614 = vector.shape_cast %broadcast_in_dim3A_3 : vector<16xf32> to vector<16xf32>
      tpu.vector_store %arg9[%swap3A_611], %swap3A_614 {strides = array<i32>} : memref<4096xf32, #tpu.memory_space<vmem>>, vector<16xf32>,
      %swap3A_615 = arith.constant 2448 : index
      %swap3A_616 = tpu.vector_load %arg9[%swap3A_615] {strides = array<i32>} : memref<4096xf32, #tpu.memory_space<vmem>>, vector<16xf32>,
      %swap3A_617 = vector.shape_cast %swap3A_616 : vector<16xf32> to vector<16xf32>
      %swap3A_618 = vector.shape_cast %broadcast_in_dim3A_3 : vector<16xf32> to vector<16xf32>
      tpu.vector_store %arg9[%swap3A_615], %swap3A_618 {strides = array<i32>} : memref<4096xf32, #tpu.memory_space<vmem>>, vector<16xf32>,
      %swap3A_619 = arith.constant 2464 : index
      %swap3A_620 = tpu.vector_load %arg9[%swap3A_619] {strides = array<i32>} : memref<4096xf32, #tpu.memory_space<vmem>>, vector<16xf32>,
      %swap3A_621 = vector.shape_cast %swap3A_620 : vector<16xf32> to vector<16xf32>
      %swap3A_622 = vector.shape_cast %broadcast_in_dim3A_3 : vector<16xf32> to vector<16xf32>
      tpu.vector_store %arg9[%swap3A_619], %swap3A_622 {strides = array<i32>} : memref<4096xf32, #tpu.memory_space<vmem>>, vector<16xf32>,
      %swap3A_623 = arith.constant 2480 : index
      %swap3A_624 = tpu.vector_load %arg9[%swap3A_623] {strides = array<i32>} : memref<4096xf32, #tpu.memory_space<vmem>>, vector<16xf32>,
      %swap3A_625 = vector.shape_cast %swap3A_624 : vector<16xf32> to vector<16xf32>
      %swap3A_626 = vector.shape_cast %broadcast_in_dim3A_3 : vector<16xf32> to vector<16xf32>
      tpu.vector_store %arg9[%swap3A_623], %swap3A_626 {strides = array<i32>} : memref<4096xf32, #tpu.memory_space<vmem>>, vector<16xf32>,
      %swap3A_627 = arith.constant 2496 : index
      %swap3A_628 = tpu.vector_load %arg9[%swap3A_627] {strides = array<i32>} : memref<4096xf32, #tpu.memory_space<vmem>>, vector<16xf32>,
      %swap3A_629 = vector.shape_cast %swap3A_628 : vector<16xf32> to vector<16xf32>
      %swap3A_630 = vector.shape_cast %broadcast_in_dim3A_3 : vector<16xf32> to vector<16xf32>
      tpu.vector_store %arg9[%swap3A_627], %swap3A_630 {strides = array<i32>} : memref<4096xf32, #tpu.memory_space<vmem>>, vector<16xf32>,
      %swap3A_631 = arith.constant 2512 : index
      %swap3A_632 = tpu.vector_load %arg9[%swap3A_631] {strides = array<i32>} : memref<4096xf32, #tpu.memory_space<vmem>>, vector<16xf32>,
      %swap3A_633 = vector.shape_cast %swap3A_632 : vector<16xf32> to vector<16xf32>
      %swap3A_634 = vector.shape_cast %broadcast_in_dim3A_3 : vector<16xf32> to vector<16xf32>
      tpu.vector_store %arg9[%swap3A_631], %swap3A_634 {strides = array<i32>} : memref<4096xf32, #tpu.memory_space<vmem>>, vector<16xf32>,
      %swap3A_635 = arith.constant 2528 : index
      %swap3A_636 = tpu.vector_load %arg9[%swap3A_635] {strides = array<i32>} : memref<4096xf32, #tpu.memory_space<vmem>>, vector<16xf32>,
      %swap3A_637 = vector.shape_cast %swap3A_636 : vector<16xf32> to vector<16xf32>
      %swap3A_638 = vector.shape_cast %broadcast_in_dim3A_3 : vector<16xf32> to vector<16xf32>
      tpu.vector_store %arg9[%swap3A_635], %swap3A_638 {strides = array<i32>} : memref<4096xf32, #tpu.memory_space<vmem>>, vector<16xf32>,
      %swap3A_639 = arith.constant 2544 : index
      %swap3A_640 = tpu.vector_load %arg9[%swap3A_639] {strides = array<i32>} : memref<4096xf32, #tpu.memory_space<vmem>>, vector<16xf32>,
      %swap3A_641 = vector.shape_cast %swap3A_640 : vector<16xf32> to vector<16xf32>
      %swap3A_642 = vector.shape_cast %broadcast_in_dim3A_3 : vector<16xf32> to vector<16xf32>
      tpu.vector_store %arg9[%swap3A_639], %swap3A_642 {strides = array<i32>} : memref<4096xf32, #tpu.memory_space<vmem>>, vector<16xf32>,
      %swap3A_643 = arith.constant 2560 : index
      %swap3A_644 = tpu.vector_load %arg9[%swap3A_643] {strides = array<i32>} : memref<4096xf32, #tpu.memory_space<vmem>>, vector<16xf32>,
      %swap3A_645 = vector.shape_cast %swap3A_644 : vector<16xf32> to vector<16xf32>
      %swap3A_646 = vector.shape_cast %broadcast_in_dim3A_3 : vector<16xf32> to vector<16xf32>
      tpu.vector_store %arg9[%swap3A_643], %swap3A_646 {strides = array<i32>} : memref<4096xf32, #tpu.memory_space<vmem>>, vector<16xf32>,
      %swap3A_647 = arith.constant 2576 : index
      %swap3A_648 = tpu.vector_load %arg9[%swap3A_647] {strides = array<i32>} : memref<4096xf32, #tpu.memory_space<vmem>>, vector<16xf32>,
      %swap3A_649 = vector.shape_cast %swap3A_648 : vector<16xf32> to vector<16xf32>
      %swap3A_650 = vector.shape_cast %broadcast_in_dim3A_3 : vector<16xf32> to vector<16xf32>
      tpu.vector_store %arg9[%swap3A_647], %swap3A_650 {strides = array<i32>} : memref<4096xf32, #tpu.memory_space<vmem>>, vector<16xf32>,
      %swap3A_651 = arith.constant 2592 : index
      %swap3A_652 = tpu.vector_load %arg9[%swap3A_651] {strides = array<i32>} : memref<4096xf32, #tpu.memory_space<vmem>>, vector<16xf32>,
      %swap3A_653 = vector.shape_cast %swap3A_652 : vector<16xf32> to vector<16xf32>
      %swap3A_654 = vector.shape_cast %broadcast_in_dim3A_3 : vector<16xf32> to vector<16xf32>
      tpu.vector_store %arg9[%swap3A_651], %swap3A_654 {strides = array<i32>} : memref<4096xf32, #tpu.memory_space<vmem>>, vector<16xf32>,
      %swap3A_655 = arith.constant 2608 : index
      %swap3A_656 = tpu.vector_load %arg9[%swap3A_655] {strides = array<i32>} : memref<4096xf32, #tpu.memory_space<vmem>>, vector<16xf32>,
      %swap3A_657 = vector.shape_cast %swap3A_656 : vector<16xf32> to vector<16xf32>
      %swap3A_658 = vector.shape_cast %broadcast_in_dim3A_3 : vector<16xf32> to vector<16xf32>
      tpu.vector_store %arg9[%swap3A_655], %swap3A_658 {strides = array<i32>} : memref<4096xf32, #tpu.memory_space<vmem>>, vector<16xf32>,
      %swap3A_659 = arith.constant 2624 : index
      %swap3A_660 = tpu.vector_load %arg9[%swap3A_659] {strides = array<i32>} : memref<4096xf32, #tpu.memory_space<vmem>>, vector<16xf32>,
      %swap3A_661 = vector.shape_cast %swap3A_660 : vector<16xf32> to vector<16xf32>
      %swap3A_662 = vector.shape_cast %broadcast_in_dim3A_3 : vector<16xf32> to vector<16xf32>
      tpu.vector_store %arg9[%swap3A_659], %swap3A_662 {strides = array<i32>} : memref<4096xf32, #tpu.memory_space<vmem>>, vector<16xf32>,
      %swap3A_663 = arith.constant 2640 : index
      %swap3A_664 = tpu.vector_load %arg9[%swap3A_663] {strides = array<i32>} : memref<4096xf32, #tpu.memory_space<vmem>>, vector<16xf32>,
      %swap3A_665 = vector.shape_cast %swap3A_664 : vector<16xf32> to vector<16xf32>
      %swap3A_666 = vector.shape_cast %broadcast_in_dim3A_3 : vector<16xf32> to vector<16xf32>
      tpu.vector_store %arg9[%swap3A_663], %swap3A_666 {strides = array<i32>} : memref<4096xf32, #tpu.memory_space<vmem>>, vector<16xf32>,
      %swap3A_667 = arith.constant 2656 : index
      %swap3A_668 = tpu.vector_load %arg9[%swap3A_667] {strides = array<i32>} : memref<4096xf32, #tpu.memory_space<vmem>>, vector<16xf32>,
      %swap3A_669 = vector.shape_cast %swap3A_668 : vector<16xf32> to vector<16xf32>
      %swap3A_670 = vector.shape_cast %broadcast_in_dim3A_3 : vector<16xf32> to vector<16xf32>
      tpu.vector_store %arg9[%swap3A_667], %swap3A_670 {strides = array<i32>} : memref<4096xf32, #tpu.memory_space<vmem>>, vector<16xf32>,
      %swap3A_671 = arith.constant 2672 : index
      %swap3A_672 = tpu.vector_load %arg9[%swap3A_671] {strides = array<i32>} : memref<4096xf32, #tpu.memory_space<vmem>>, vector<16xf32>,
      %swap3A_673 = vector.shape_cast %swap3A_672 : vector<16xf32> to vector<16xf32>
      %swap3A_674 = vector.shape_cast %broadcast_in_dim3A_3 : vector<16xf32> to vector<16xf32>
      tpu.vector_store %arg9[%swap3A_671], %swap3A_674 {strides = array<i32>} : memref<4096xf32, #tpu.memory_space<vmem>>, vector<16xf32>,
      %swap3A_675 = arith.constant 2688 : index
      %swap3A_676 = tpu.vector_load %arg9[%swap3A_675] {strides = array<i32>} : memref<4096xf32, #tpu.memory_space<vmem>>, vector<16xf32>,
      %swap3A_677 = vector.shape_cast %swap3A_676 : vector<16xf32> to vector<16xf32>
      %swap3A_678 = vector.shape_cast %broadcast_in_dim3A_3 : vector<16xf32> to vector<16xf32>
      tpu.vector_store %arg9[%swap3A_675], %swap3A_678 {strides = array<i32>} : memref<4096xf32, #tpu.memory_space<vmem>>, vector<16xf32>,
      %swap3A_679 = arith.constant 2704 : index
      %swap3A_680 = tpu.vector_load %arg9[%swap3A_679] {strides = array<i32>} : memref<4096xf32, #tpu.memory_space<vmem>>, vector<16xf32>,
      %swap3A_681 = vector.shape_cast %swap3A_680 : vector<16xf32> to vector<16xf32>
      %swap3A_682 = vector.shape_cast %broadcast_in_dim3A_3 : vector<16xf32> to vector<16xf32>
      tpu.vector_store %arg9[%swap3A_679], %swap3A_682 {strides = array<i32>} : memref<4096xf32, #tpu.memory_space<vmem>>, vector<16xf32>,
      %swap3A_683 = arith.constant 2720 : index
      %swap3A_684 = tpu.vector_load %arg9[%swap3A_683] {strides = array<i32>} : memref<4096xf32, #tpu.memory_space<vmem>>, vector<16xf32>,
      %swap3A_685 = vector.shape_cast %swap3A_684 : vector<16xf32> to vector<16xf32>
      %swap3A_686 = vector.shape_cast %broadcast_in_dim3A_3 : vector<16xf32> to vector<16xf32>
      tpu.vector_store %arg9[%swap3A_683], %swap3A_686 {strides = array<i32>} : memref<4096xf32, #tpu.memory_space<vmem>>, vector<16xf32>,
      %swap3A_687 = arith.constant 2736 : index
      %swap3A_688 = tpu.vector_load %arg9[%swap3A_687] {strides = array<i32>} : memref<4096xf32, #tpu.memory_space<vmem>>, vector<16xf32>,
      %swap3A_689 = vector.shape_cast %swap3A_688 : vector<16xf32> to vector<16xf32>
      %swap3A_690 = vector.shape_cast %broadcast_in_dim3A_3 : vector<16xf32> to vector<16xf32>
      tpu.vector_store %arg9[%swap3A_687], %swap3A_690 {strides = array<i32>} : memref<4096xf32, #tpu.memory_space<vmem>>, vector<16xf32>,
      %swap3A_691 = arith.constant 2752 : index
      %swap3A_692 = tpu.vector_load %arg9[%swap3A_691] {strides = array<i32>} : memref<4096xf32, #tpu.memory_space<vmem>>, vector<16xf32>,
      %swap3A_693 = vector.shape_cast %swap3A_692 : vector<16xf32> to vector<16xf32>
      %swap3A_694 = vector.shape_cast %broadcast_in_dim3A_3 : vector<16xf32> to vector<16xf32>
      tpu.vector_store %arg9[%swap3A_691], %swap3A_694 {strides = array<i32>} : memref<4096xf32, #tpu.memory_space<vmem>>, vector<16xf32>,
      %swap3A_695 = arith.constant 2768 : index
      %swap3A_696 = tpu.vector_load %arg9[%swap3A_695] {strides = array<i32>} : memref<4096xf32, #tpu.memory_space<vmem>>, vector<16xf32>,
      %swap3A_697 = vector.shape_cast %swap3A_696 : vector<16xf32> to vector<16xf32>
      %swap3A_698 = vector.shape_cast %broadcast_in_dim3A_3 : vector<16xf32> to vector<16xf32>
      tpu.vector_store %arg9[%swap3A_695], %swap3A_698 {strides = array<i32>} : memref<4096xf32, #tpu.memory_space<vmem>>, vector<16xf32>,
      %swap3A_699 = arith.constant 2784 : index
      %swap3A_700 = tpu.vector_load %arg9[%swap3A_699] {strides = array<i32>} : memref<4096xf32, #tpu.memory_space<vmem>>, vector<16xf32>,
      %swap3A_701 = vector.shape_cast %swap3A_700 : vector<16xf32> to vector<16xf32>
      %swap3A_702 = vector.shape_cast %broadcast_in_dim3A_3 : vector<16xf32> to vector<16xf32>
      tpu.vector_store %arg9[%swap3A_699], %swap3A_702 {strides = array<i32>} : memref<4096xf32, #tpu.memory_space<vmem>>, vector<16xf32>,
      %swap3A_703 = arith.constant 2800 : index
      %swap3A_704 = tpu.vector_load %arg9[%swap3A_703] {strides = array<i32>} : memref<4096xf32, #tpu.memory_space<vmem>>, vector<16xf32>,
      %swap3A_705 = vector.shape_cast %swap3A_704 : vector<16xf32> to vector<16xf32>
      %swap3A_706 = vector.shape_cast %broadcast_in_dim3A_3 : vector<16xf32> to vector<16xf32>
      tpu.vector_store %arg9[%swap3A_703], %swap3A_706 {strides = array<i32>} : memref<4096xf32, #tpu.memory_space<vmem>>, vector<16xf32>,
      %swap3A_707 = arith.constant 2816 : index
      %swap3A_708 = tpu.vector_load %arg9[%swap3A_707] {strides = array<i32>} : memref<4096xf32, #tpu.memory_space<vmem>>, vector<16xf32>,
      %swap3A_709 = vector.shape_cast %swap3A_708 : vector<16xf32> to vector<16xf32>
      %swap3A_710 = vector.shape_cast %broadcast_in_dim3A_3 : vector<16xf32> to vector<16xf32>
      tpu.vector_store %arg9[%swap3A_707], %swap3A_710 {strides = array<i32>} : memref<4096xf32, #tpu.memory_space<vmem>>, vector<16xf32>,
      %swap3A_711 = arith.constant 2832 : index
      %swap3A_712 = tpu.vector_load %arg9[%swap3A_711] {strides = array<i32>} : memref<4096xf32, #tpu.memory_space<vmem>>, vector<16xf32>,
      %swap3A_713 = vector.shape_cast %swap3A_712 : vector<16xf32> to vector<16xf32>
      %swap3A_714 = vector.shape_cast %broadcast_in_dim3A_3 : vector<16xf32> to vector<16xf32>
      tpu.vector_store %arg9[%swap3A_711], %swap3A_714 {strides = array<i32>} : memref<4096xf32, #tpu.memory_space<vmem>>, vector<16xf32>,
      %swap3A_715 = arith.constant 2848 : index
      %swap3A_716 = tpu.vector_load %arg9[%swap3A_715] {strides = array<i32>} : memref<4096xf32, #tpu.memory_space<vmem>>, vector<16xf32>,
      %swap3A_717 = vector.shape_cast %swap3A_716 : vector<16xf32> to vector<16xf32>
      %swap3A_718 = vector.shape_cast %broadcast_in_dim3A_3 : vector<16xf32> to vector<16xf32>
      tpu.vector_store %arg9[%swap3A_715], %swap3A_718 {strides = array<i32>} : memref<4096xf32, #tpu.memory_space<vmem>>, vector<16xf32>,
      %swap3A_719 = arith.constant 2864 : index
      %swap3A_720 = tpu.vector_load %arg9[%swap3A_719] {strides = array<i32>} : memref<4096xf32, #tpu.memory_space<vmem>>, vector<16xf32>,
      %swap3A_721 = vector.shape_cast %swap3A_720 : vector<16xf32> to vector<16xf32>
      %swap3A_722 = vector.shape_cast %broadcast_in_dim3A_3 : vector<16xf32> to vector<16xf32>
      tpu.vector_store %arg9[%swap3A_719], %swap3A_722 {strides = array<i32>} : memref<4096xf32, #tpu.memory_space<vmem>>, vector<16xf32>,
      %swap3A_723 = arith.constant 2880 : index
      %swap3A_724 = tpu.vector_load %arg9[%swap3A_723] {strides = array<i32>} : memref<4096xf32, #tpu.memory_space<vmem>>, vector<16xf32>,
      %swap3A_725 = vector.shape_cast %swap3A_724 : vector<16xf32> to vector<16xf32>
      %swap3A_726 = vector.shape_cast %broadcast_in_dim3A_3 : vector<16xf32> to vector<16xf32>
      tpu.vector_store %arg9[%swap3A_723], %swap3A_726 {strides = array<i32>} : memref<4096xf32, #tpu.memory_space<vmem>>, vector<16xf32>,
      %swap3A_727 = arith.constant 2896 : index
      %swap3A_728 = tpu.vector_load %arg9[%swap3A_727] {strides = array<i32>} : memref<4096xf32, #tpu.memory_space<vmem>>, vector<16xf32>,
      %swap3A_729 = vector.shape_cast %swap3A_728 : vector<16xf32> to vector<16xf32>
      %swap3A_730 = vector.shape_cast %broadcast_in_dim3A_3 : vector<16xf32> to vector<16xf32>
      tpu.vector_store %arg9[%swap3A_727], %swap3A_730 {strides = array<i32>} : memref<4096xf32, #tpu.memory_space<vmem>>, vector<16xf32>,
      %swap3A_731 = arith.constant 2912 : index
      %swap3A_732 = tpu.vector_load %arg9[%swap3A_731] {strides = array<i32>} : memref<4096xf32, #tpu.memory_space<vmem>>, vector<16xf32>,
      %swap3A_733 = vector.shape_cast %swap3A_732 : vector<16xf32> to vector<16xf32>
      %swap3A_734 = vector.shape_cast %broadcast_in_dim3A_3 : vector<16xf32> to vector<16xf32>
      tpu.vector_store %arg9[%swap3A_731], %swap3A_734 {strides = array<i32>} : memref<4096xf32, #tpu.memory_space<vmem>>, vector<16xf32>,
      %swap3A_735 = arith.constant 2928 : index
      %swap3A_736 = tpu.vector_load %arg9[%swap3A_735] {strides = array<i32>} : memref<4096xf32, #tpu.memory_space<vmem>>, vector<16xf32>,
      %swap3A_737 = vector.shape_cast %swap3A_736 : vector<16xf32> to vector<16xf32>
      %swap3A_738 = vector.shape_cast %broadcast_in_dim3A_3 : vector<16xf32> to vector<16xf32>
      tpu.vector_store %arg9[%swap3A_735], %swap3A_738 {strides = array<i32>} : memref<4096xf32, #tpu.memory_space<vmem>>, vector<16xf32>,
      %swap3A_739 = arith.constant 2944 : index
      %swap3A_740 = tpu.vector_load %arg9[%swap3A_739] {strides = array<i32>} : memref<4096xf32, #tpu.memory_space<vmem>>, vector<16xf32>,
      %swap3A_741 = vector.shape_cast %swap3A_740 : vector<16xf32> to vector<16xf32>
      %swap3A_742 = vector.shape_cast %broadcast_in_dim3A_3 : vector<16xf32> to vector<16xf32>
      tpu.vector_store %arg9[%swap3A_739], %swap3A_742 {strides = array<i32>} : memref<4096xf32, #tpu.memory_space<vmem>>, vector<16xf32>,
      %swap3A_743 = arith.constant 2960 : index
      %swap3A_744 = tpu.vector_load %arg9[%swap3A_743] {strides = array<i32>} : memref<4096xf32, #tpu.memory_space<vmem>>, vector<16xf32>,
      %swap3A_745 = vector.shape_cast %swap3A_744 : vector<16xf32> to vector<16xf32>
      %swap3A_746 = vector.shape_cast %broadcast_in_dim3A_3 : vector<16xf32> to vector<16xf32>
      tpu.vector_store %arg9[%swap3A_743], %swap3A_746 {strides = array<i32>} : memref<4096xf32, #tpu.memory_space<vmem>>, vector<16xf32>,
      %swap3A_747 = arith.constant 2976 : index
      %swap3A_748 = tpu.vector_load %arg9[%swap3A_747] {strides = array<i32>} : memref<4096xf32, #tpu.memory_space<vmem>>, vector<16xf32>,
      %swap3A_749 = vector.shape_cast %swap3A_748 : vector<16xf32> to vector<16xf32>
      %swap3A_750 = vector.shape_cast %broadcast_in_dim3A_3 : vector<16xf32> to vector<16xf32>
      tpu.vector_store %arg9[%swap3A_747], %swap3A_750 {strides = array<i32>} : memref<4096xf32, #tpu.memory_space<vmem>>, vector<16xf32>,
      %swap3A_751 = arith.constant 2992 : index
      %swap3A_752 = tpu.vector_load %arg9[%swap3A_751] {strides = array<i32>} : memref<4096xf32, #tpu.memory_space<vmem>>, vector<16xf32>,
      %swap3A_753 = vector.shape_cast %swap3A_752 : vector<16xf32> to vector<16xf32>
      %swap3A_754 = vector.shape_cast %broadcast_in_dim3A_3 : vector<16xf32> to vector<16xf32>
      tpu.vector_store %arg9[%swap3A_751], %swap3A_754 {strides = array<i32>} : memref<4096xf32, #tpu.memory_space<vmem>>, vector<16xf32>,
      %swap3A_755 = arith.constant 3008 : index
      %swap3A_756 = tpu.vector_load %arg9[%swap3A_755] {strides = array<i32>} : memref<4096xf32, #tpu.memory_space<vmem>>, vector<16xf32>,
      %swap3A_757 = vector.shape_cast %swap3A_756 : vector<16xf32> to vector<16xf32>
      %swap3A_758 = vector.shape_cast %broadcast_in_dim3A_3 : vector<16xf32> to vector<16xf32>
      tpu.vector_store %arg9[%swap3A_755], %swap3A_758 {strides = array<i32>} : memref<4096xf32, #tpu.memory_space<vmem>>, vector<16xf32>,
      %swap3A_759 = arith.constant 3024 : index
      %swap3A_760 = tpu.vector_load %arg9[%swap3A_759] {strides = array<i32>} : memref<4096xf32, #tpu.memory_space<vmem>>, vector<16xf32>,
      %swap3A_761 = vector.shape_cast %swap3A_760 : vector<16xf32> to vector<16xf32>
      %swap3A_762 = vector.shape_cast %broadcast_in_dim3A_3 : vector<16xf32> to vector<16xf32>
      tpu.vector_store %arg9[%swap3A_759], %swap3A_762 {strides = array<i32>} : memref<4096xf32, #tpu.memory_space<vmem>>, vector<16xf32>,
      %swap3A_763 = arith.constant 3040 : index
      %swap3A_764 = tpu.vector_load %arg9[%swap3A_763] {strides = array<i32>} : memref<4096xf32, #tpu.memory_space<vmem>>, vector<16xf32>,
      %swap3A_765 = vector.shape_cast %swap3A_764 : vector<16xf32> to vector<16xf32>
      %swap3A_766 = vector.shape_cast %broadcast_in_dim3A_3 : vector<16xf32> to vector<16xf32>
      tpu.vector_store %arg9[%swap3A_763], %swap3A_766 {strides = array<i32>} : memref<4096xf32, #tpu.memory_space<vmem>>, vector<16xf32>,
      %swap3A_767 = arith.constant 3056 : index
      %swap3A_768 = tpu.vector_load %arg9[%swap3A_767] {strides = array<i32>} : memref<4096xf32, #tpu.memory_space<vmem>>, vector<16xf32>,
      %swap3A_769 = vector.shape_cast %swap3A_768 : vector<16xf32> to vector<16xf32>
      %swap3A_770 = vector.shape_cast %broadcast_in_dim3A_3 : vector<16xf32> to vector<16xf32>
      tpu.vector_store %arg9[%swap3A_767], %swap3A_770 {strides = array<i32>} : memref<4096xf32, #tpu.memory_space<vmem>>, vector<16xf32>,
      %swap3A_771 = arith.constant 3072 : index
      %swap3A_772 = tpu.vector_load %arg9[%swap3A_771] {strides = array<i32>} : memref<4096xf32, #tpu.memory_space<vmem>>, vector<16xf32>,
      %swap3A_773 = vector.shape_cast %swap3A_772 : vector<16xf32> to vector<16xf32>
      %swap3A_774 = vector.shape_cast %broadcast_in_dim3A_3 : vector<16xf32> to vector<16xf32>
      tpu.vector_store %arg9[%swap3A_771], %swap3A_774 {strides = array<i32>} : memref<4096xf32, #tpu.memory_space<vmem>>, vector<16xf32>,
      %swap3A_775 = arith.constant 3088 : index
      %swap3A_776 = tpu.vector_load %arg9[%swap3A_775] {strides = array<i32>} : memref<4096xf32, #tpu.memory_space<vmem>>, vector<16xf32>,
      %swap3A_777 = vector.shape_cast %swap3A_776 : vector<16xf32> to vector<16xf32>
      %swap3A_778 = vector.shape_cast %broadcast_in_dim3A_3 : vector<16xf32> to vector<16xf32>
      tpu.vector_store %arg9[%swap3A_775], %swap3A_778 {strides = array<i32>} : memref<4096xf32, #tpu.memory_space<vmem>>, vector<16xf32>,
      %swap3A_779 = arith.constant 3104 : index
      %swap3A_780 = tpu.vector_load %arg9[%swap3A_779] {strides = array<i32>} : memref<4096xf32, #tpu.memory_space<vmem>>, vector<16xf32>,
      %swap3A_781 = vector.shape_cast %swap3A_780 : vector<16xf32> to vector<16xf32>
      %swap3A_782 = vector.shape_cast %broadcast_in_dim3A_3 : vector<16xf32> to vector<16xf32>
      tpu.vector_store %arg9[%swap3A_779], %swap3A_782 {strides = array<i32>} : memref<4096xf32, #tpu.memory_space<vmem>>, vector<16xf32>,
      %swap3A_783 = arith.constant 3120 : index
      %swap3A_784 = tpu.vector_load %arg9[%swap3A_783] {strides = array<i32>} : memref<4096xf32, #tpu.memory_space<vmem>>, vector<16xf32>,
      %swap3A_785 = vector.shape_cast %swap3A_784 : vector<16xf32> to vector<16xf32>
      %swap3A_786 = vector.shape_cast %broadcast_in_dim3A_3 : vector<16xf32> to vector<16xf32>
      tpu.vector_store %arg9[%swap3A_783], %swap3A_786 {strides = array<i32>} : memref<4096xf32, #tpu.memory_space<vmem>>, vector<16xf32>,
      %swap3A_787 = arith.constant 3136 : index
      %swap3A_788 = tpu.vector_load %arg9[%swap3A_787] {strides = array<i32>} : memref<4096xf32, #tpu.memory_space<vmem>>, vector<16xf32>,
      %swap3A_789 = vector.shape_cast %swap3A_788 : vector<16xf32> to vector<16xf32>
      %swap3A_790 = vector.shape_cast %broadcast_in_dim3A_3 : vector<16xf32> to vector<16xf32>
      tpu.vector_store %arg9[%swap3A_787], %swap3A_790 {strides = array<i32>} : memref<4096xf32, #tpu.memory_space<vmem>>, vector<16xf32>,
      %swap3A_791 = arith.constant 3152 : index
      %swap3A_792 = tpu.vector_load %arg9[%swap3A_791] {strides = array<i32>} : memref<4096xf32, #tpu.memory_space<vmem>>, vector<16xf32>,
      %swap3A_793 = vector.shape_cast %swap3A_792 : vector<16xf32> to vector<16xf32>
      %swap3A_794 = vector.shape_cast %broadcast_in_dim3A_3 : vector<16xf32> to vector<16xf32>
      tpu.vector_store %arg9[%swap3A_791], %swap3A_794 {strides = array<i32>} : memref<4096xf32, #tpu.memory_space<vmem>>, vector<16xf32>,
      %swap3A_795 = arith.constant 3168 : index
      %swap3A_796 = tpu.vector_load %arg9[%swap3A_795] {strides = array<i32>} : memref<4096xf32, #tpu.memory_space<vmem>>, vector<16xf32>,
      %swap3A_797 = vector.shape_cast %swap3A_796 : vector<16xf32> to vector<16xf32>
      %swap3A_798 = vector.shape_cast %broadcast_in_dim3A_3 : vector<16xf32> to vector<16xf32>
      tpu.vector_store %arg9[%swap3A_795], %swap3A_798 {strides = array<i32>} : memref<4096xf32, #tpu.memory_space<vmem>>, vector<16xf32>,
      %swap3A_799 = arith.constant 3184 : index
      %swap3A_800 = tpu.vector_load %arg9[%swap3A_799] {strides = array<i32>} : memref<4096xf32, #tpu.memory_space<vmem>>, vector<16xf32>,
      %swap3A_801 = vector.shape_cast %swap3A_800 : vector<16xf32> to vector<16xf32>
      %swap3A_802 = vector.shape_cast %broadcast_in_dim3A_3 : vector<16xf32> to vector<16xf32>
      tpu.vector_store %arg9[%swap3A_799], %swap3A_802 {strides = array<i32>} : memref<4096xf32, #tpu.memory_space<vmem>>, vector<16xf32>,
      %swap3A_803 = arith.constant 3200 : index
      %swap3A_804 = tpu.vector_load %arg9[%swap3A_803] {strides = array<i32>} : memref<4096xf32, #tpu.memory_space<vmem>>, vector<16xf32>,
      %swap3A_805 = vector.shape_cast %swap3A_804 : vector<16xf32> to vector<16xf32>
      %swap3A_806 = vector.shape_cast %broadcast_in_dim3A_3 : vector<16xf32> to vector<16xf32>
      tpu.vector_store %arg9[%swap3A_803], %swap3A_806 {strides = array<i32>} : memref<4096xf32, #tpu.memory_space<vmem>>, vector<16xf32>,
      %swap3A_807 = arith.constant 3216 : index
      %swap3A_808 = tpu.vector_load %arg9[%swap3A_807] {strides = array<i32>} : memref<4096xf32, #tpu.memory_space<vmem>>, vector<16xf32>,
      %swap3A_809 = vector.shape_cast %swap3A_808 : vector<16xf32> to vector<16xf32>
      %swap3A_810 = vector.shape_cast %broadcast_in_dim3A_3 : vector<16xf32> to vector<16xf32>
      tpu.vector_store %arg9[%swap3A_807], %swap3A_810 {strides = array<i32>} : memref<4096xf32, #tpu.memory_space<vmem>>, vector<16xf32>,
      %swap3A_811 = arith.constant 3232 : index
      %swap3A_812 = tpu.vector_load %arg9[%swap3A_811] {strides = array<i32>} : memref<4096xf32, #tpu.memory_space<vmem>>, vector<16xf32>,
      %swap3A_813 = vector.shape_cast %swap3A_812 : vector<16xf32> to vector<16xf32>
      %swap3A_814 = vector.shape_cast %broadcast_in_dim3A_3 : vector<16xf32> to vector<16xf32>
      tpu.vector_store %arg9[%swap3A_811], %swap3A_814 {strides = array<i32>} : memref<4096xf32, #tpu.memory_space<vmem>>, vector<16xf32>,
      %swap3A_815 = arith.constant 3248 : index
      %swap3A_816 = tpu.vector_load %arg9[%swap3A_815] {strides = array<i32>} : memref<4096xf32, #tpu.memory_space<vmem>>, vector<16xf32>,
      %swap3A_817 = vector.shape_cast %swap3A_816 : vector<16xf32> to vector<16xf32>
      %swap3A_818 = vector.shape_cast %broadcast_in_dim3A_3 : vector<16xf32> to vector<16xf32>
      tpu.vector_store %arg9[%swap3A_815], %swap3A_818 {strides = array<i32>} : memref<4096xf32, #tpu.memory_space<vmem>>, vector<16xf32>,
      %swap3A_819 = arith.constant 3264 : index
      %swap3A_820 = tpu.vector_load %arg9[%swap3A_819] {strides = array<i32>} : memref<4096xf32, #tpu.memory_space<vmem>>, vector<16xf32>,
      %swap3A_821 = vector.shape_cast %swap3A_820 : vector<16xf32> to vector<16xf32>
      %swap3A_822 = vector.shape_cast %broadcast_in_dim3A_3 : vector<16xf32> to vector<16xf32>
      tpu.vector_store %arg9[%swap3A_819], %swap3A_822 {strides = array<i32>} : memref<4096xf32, #tpu.memory_space<vmem>>, vector<16xf32>,
      %swap3A_823 = arith.constant 3280 : index
      %swap3A_824 = tpu.vector_load %arg9[%swap3A_823] {strides = array<i32>} : memref<4096xf32, #tpu.memory_space<vmem>>, vector<16xf32>,
      %swap3A_825 = vector.shape_cast %swap3A_824 : vector<16xf32> to vector<16xf32>
      %swap3A_826 = vector.shape_cast %broadcast_in_dim3A_3 : vector<16xf32> to vector<16xf32>
      tpu.vector_store %arg9[%swap3A_823], %swap3A_826 {strides = array<i32>} : memref<4096xf32, #tpu.memory_space<vmem>>, vector<16xf32>,
      %swap3A_827 = arith.constant 3296 : index
      %swap3A_828 = tpu.vector_load %arg9[%swap3A_827] {strides = array<i32>} : memref<4096xf32, #tpu.memory_space<vmem>>, vector<16xf32>,
      %swap3A_829 = vector.shape_cast %swap3A_828 : vector<16xf32> to vector<16xf32>
      %swap3A_830 = vector.shape_cast %broadcast_in_dim3A_3 : vector<16xf32> to vector<16xf32>
      tpu.vector_store %arg9[%swap3A_827], %swap3A_830 {strides = array<i32>} : memref<4096xf32, #tpu.memory_space<vmem>>, vector<16xf32>,
      %swap3A_831 = arith.constant 3312 : index
      %swap3A_832 = tpu.vector_load %arg9[%swap3A_831] {strides = array<i32>} : memref<4096xf32, #tpu.memory_space<vmem>>, vector<16xf32>,
      %swap3A_833 = vector.shape_cast %swap3A_832 : vector<16xf32> to vector<16xf32>
      %swap3A_834 = vector.shape_cast %broadcast_in_dim3A_3 : vector<16xf32> to vector<16xf32>
      tpu.vector_store %arg9[%swap3A_831], %swap3A_834 {strides = array<i32>} : memref<4096xf32, #tpu.memory_space<vmem>>, vector<16xf32>,
      %swap3A_835 = arith.constant 3328 : index
      %swap3A_836 = tpu.vector_load %arg9[%swap3A_835] {strides = array<i32>} : memref<4096xf32, #tpu.memory_space<vmem>>, vector<16xf32>,
      %swap3A_837 = vector.shape_cast %swap3A_836 : vector<16xf32> to vector<16xf32>
      %swap3A_838 = vector.shape_cast %broadcast_in_dim3A_3 : vector<16xf32> to vector<16xf32>
      tpu.vector_store %arg9[%swap3A_835], %swap3A_838 {strides = array<i32>} : memref<4096xf32, #tpu.memory_space<vmem>>, vector<16xf32>,
      %swap3A_839 = arith.constant 3344 : index
      %swap3A_840 = tpu.vector_load %arg9[%swap3A_839] {strides = array<i32>} : memref<4096xf32, #tpu.memory_space<vmem>>, vector<16xf32>,
      %swap3A_841 = vector.shape_cast %swap3A_840 : vector<16xf32> to vector<16xf32>
      %swap3A_842 = vector.shape_cast %broadcast_in_dim3A_3 : vector<16xf32> to vector<16xf32>
      tpu.vector_store %arg9[%swap3A_839], %swap3A_842 {strides = array<i32>} : memref<4096xf32, #tpu.memory_space<vmem>>, vector<16xf32>,
      %swap3A_843 = arith.constant 3360 : index
      %swap3A_844 = tpu.vector_load %arg9[%swap3A_843] {strides = array<i32>} : memref<4096xf32, #tpu.memory_space<vmem>>, vector<16xf32>,
      %swap3A_845 = vector.shape_cast %swap3A_844 : vector<16xf32> to vector<16xf32>
      %swap3A_846 = vector.shape_cast %broadcast_in_dim3A_3 : vector<16xf32> to vector<16xf32>
      tpu.vector_store %arg9[%swap3A_843], %swap3A_846 {strides = array<i32>} : memref<4096xf32, #tpu.memory_space<vmem>>, vector<16xf32>,
      %swap3A_847 = arith.constant 3376 : index
      %swap3A_848 = tpu.vector_load %arg9[%swap3A_847] {strides = array<i32>} : memref<4096xf32, #tpu.memory_space<vmem>>, vector<16xf32>,
      %swap3A_849 = vector.shape_cast %swap3A_848 : vector<16xf32> to vector<16xf32>
      %swap3A_850 = vector.shape_cast %broadcast_in_dim3A_3 : vector<16xf32> to vector<16xf32>
      tpu.vector_store %arg9[%swap3A_847], %swap3A_850 {strides = array<i32>} : memref<4096xf32, #tpu.memory_space<vmem>>, vector<16xf32>,
      %swap3A_851 = arith.constant 3392 : index
      %swap3A_852 = tpu.vector_load %arg9[%swap3A_851] {strides = array<i32>} : memref<4096xf32, #tpu.memory_space<vmem>>, vector<16xf32>,
      %swap3A_853 = vector.shape_cast %swap3A_852 : vector<16xf32> to vector<16xf32>
      %swap3A_854 = vector.shape_cast %broadcast_in_dim3A_3 : vector<16xf32> to vector<16xf32>
      tpu.vector_store %arg9[%swap3A_851], %swap3A_854 {strides = array<i32>} : memref<4096xf32, #tpu.memory_space<vmem>>, vector<16xf32>,
      %swap3A_855 = arith.constant 3408 : index
      %swap3A_856 = tpu.vector_load %arg9[%swap3A_855] {strides = array<i32>} : memref<4096xf32, #tpu.memory_space<vmem>>, vector<16xf32>,
      %swap3A_857 = vector.shape_cast %swap3A_856 : vector<16xf32> to vector<16xf32>
      %swap3A_858 = vector.shape_cast %broadcast_in_dim3A_3 : vector<16xf32> to vector<16xf32>
      tpu.vector_store %arg9[%swap3A_855], %swap3A_858 {strides = array<i32>} : memref<4096xf32, #tpu.memory_space<vmem>>, vector<16xf32>,
      %swap3A_859 = arith.constant 3424 : index
      %swap3A_860 = tpu.vector_load %arg9[%swap3A_859] {strides = array<i32>} : memref<4096xf32, #tpu.memory_space<vmem>>, vector<16xf32>,
      %swap3A_861 = vector.shape_cast %swap3A_860 : vector<16xf32> to vector<16xf32>
      %swap3A_862 = vector.shape_cast %broadcast_in_dim3A_3 : vector<16xf32> to vector<16xf32>
      tpu.vector_store %arg9[%swap3A_859], %swap3A_862 {strides = array<i32>} : memref<4096xf32, #tpu.memory_space<vmem>>, vector<16xf32>,
      %swap3A_863 = arith.constant 3440 : index
      %swap3A_864 = tpu.vector_load %arg9[%swap3A_863] {strides = array<i32>} : memref<4096xf32, #tpu.memory_space<vmem>>, vector<16xf32>,
      %swap3A_865 = vector.shape_cast %swap3A_864 : vector<16xf32> to vector<16xf32>
      %swap3A_866 = vector.shape_cast %broadcast_in_dim3A_3 : vector<16xf32> to vector<16xf32>
      tpu.vector_store %arg9[%swap3A_863], %swap3A_866 {strides = array<i32>} : memref<4096xf32, #tpu.memory_space<vmem>>, vector<16xf32>,
      %swap3A_867 = arith.constant 3456 : index
      %swap3A_868 = tpu.vector_load %arg9[%swap3A_867] {strides = array<i32>} : memref<4096xf32, #tpu.memory_space<vmem>>, vector<16xf32>,
      %swap3A_869 = vector.shape_cast %swap3A_868 : vector<16xf32> to vector<16xf32>
      %swap3A_870 = vector.shape_cast %broadcast_in_dim3A_3 : vector<16xf32> to vector<16xf32>
      tpu.vector_store %arg9[%swap3A_867], %swap3A_870 {strides = array<i32>} : memref<4096xf32, #tpu.memory_space<vmem>>, vector<16xf32>,
      %swap3A_871 = arith.constant 3472 : index
      %swap3A_872 = tpu.vector_load %arg9[%swap3A_871] {strides = array<i32>} : memref<4096xf32, #tpu.memory_space<vmem>>, vector<16xf32>,
      %swap3A_873 = vector.shape_cast %swap3A_872 : vector<16xf32> to vector<16xf32>
      %swap3A_874 = vector.shape_cast %broadcast_in_dim3A_3 : vector<16xf32> to vector<16xf32>
      tpu.vector_store %arg9[%swap3A_871], %swap3A_874 {strides = array<i32>} : memref<4096xf32, #tpu.memory_space<vmem>>, vector<16xf32>,
      %swap3A_875 = arith.constant 3488 : index
      %swap3A_876 = tpu.vector_load %arg9[%swap3A_875] {strides = array<i32>} : memref<4096xf32, #tpu.memory_space<vmem>>, vector<16xf32>,
      %swap3A_877 = vector.shape_cast %swap3A_876 : vector<16xf32> to vector<16xf32>
      %swap3A_878 = vector.shape_cast %broadcast_in_dim3A_3 : vector<16xf32> to vector<16xf32>
      tpu.vector_store %arg9[%swap3A_875], %swap3A_878 {strides = array<i32>} : memref<4096xf32, #tpu.memory_space<vmem>>, vector<16xf32>,
      %swap3A_879 = arith.constant 3504 : index
      %swap3A_880 = tpu.vector_load %arg9[%swap3A_879] {strides = array<i32>} : memref<4096xf32, #tpu.memory_space<vmem>>, vector<16xf32>,
      %swap3A_881 = vector.shape_cast %swap3A_880 : vector<16xf32> to vector<16xf32>
      %swap3A_882 = vector.shape_cast %broadcast_in_dim3A_3 : vector<16xf32> to vector<16xf32>
      tpu.vector_store %arg9[%swap3A_879], %swap3A_882 {strides = array<i32>} : memref<4096xf32, #tpu.memory_space<vmem>>, vector<16xf32>,
      %swap3A_883 = arith.constant 3520 : index
      %swap3A_884 = tpu.vector_load %arg9[%swap3A_883] {strides = array<i32>} : memref<4096xf32, #tpu.memory_space<vmem>>, vector<16xf32>,
      %swap3A_885 = vector.shape_cast %swap3A_884 : vector<16xf32> to vector<16xf32>
      %swap3A_886 = vector.shape_cast %broadcast_in_dim3A_3 : vector<16xf32> to vector<16xf32>
      tpu.vector_store %arg9[%swap3A_883], %swap3A_886 {strides = array<i32>} : memref<4096xf32, #tpu.memory_space<vmem>>, vector<16xf32>,
      %swap3A_887 = arith.constant 3536 : index
      %swap3A_888 = tpu.vector_load %arg9[%swap3A_887] {strides = array<i32>} : memref<4096xf32, #tpu.memory_space<vmem>>, vector<16xf32>,
      %swap3A_889 = vector.shape_cast %swap3A_888 : vector<16xf32> to vector<16xf32>
      %swap3A_890 = vector.shape_cast %broadcast_in_dim3A_3 : vector<16xf32> to vector<16xf32>
      tpu.vector_store %arg9[%swap3A_887], %swap3A_890 {strides = array<i32>} : memref<4096xf32, #tpu.memory_space<vmem>>, vector<16xf32>,
      %swap3A_891 = arith.constant 3552 : index
      %swap3A_892 = tpu.vector_load %arg9[%swap3A_891] {strides = array<i32>} : memref<4096xf32, #tpu.memory_space<vmem>>, vector<16xf32>,
      %swap3A_893 = vector.shape_cast %swap3A_892 : vector<16xf32> to vector<16xf32>
      %swap3A_894 = vector.shape_cast %broadcast_in_dim3A_3 : vector<16xf32> to vector<16xf32>
      tpu.vector_store %arg9[%swap3A_891], %swap3A_894 {strides = array<i32>} : memref<4096xf32, #tpu.memory_space<vmem>>, vector<16xf32>,
      %swap3A_895 = arith.constant 3568 : index
      %swap3A_896 = tpu.vector_load %arg9[%swap3A_895] {strides = array<i32>} : memref<4096xf32, #tpu.memory_space<vmem>>, vector<16xf32>,
      %swap3A_897 = vector.shape_cast %swap3A_896 : vector<16xf32> to vector<16xf32>
      %swap3A_898 = vector.shape_cast %broadcast_in_dim3A_3 : vector<16xf32> to vector<16xf32>
      tpu.vector_store %arg9[%swap3A_895], %swap3A_898 {strides = array<i32>} : memref<4096xf32, #tpu.memory_space<vmem>>, vector<16xf32>,
      %swap3A_899 = arith.constant 3584 : index
      %swap3A_900 = tpu.vector_load %arg9[%swap3A_899] {strides = array<i32>} : memref<4096xf32, #tpu.memory_space<vmem>>, vector<16xf32>,
      %swap3A_901 = vector.shape_cast %swap3A_900 : vector<16xf32> to vector<16xf32>
      %swap3A_902 = vector.shape_cast %broadcast_in_dim3A_3 : vector<16xf32> to vector<16xf32>
      tpu.vector_store %arg9[%swap3A_899], %swap3A_902 {strides = array<i32>} : memref<4096xf32, #tpu.memory_space<vmem>>, vector<16xf32>,
      %swap3A_903 = arith.constant 3600 : index
      %swap3A_904 = tpu.vector_load %arg9[%swap3A_903] {strides = array<i32>} : memref<4096xf32, #tpu.memory_space<vmem>>, vector<16xf32>,
      %swap3A_905 = vector.shape_cast %swap3A_904 : vector<16xf32> to vector<16xf32>
      %swap3A_906 = vector.shape_cast %broadcast_in_dim3A_3 : vector<16xf32> to vector<16xf32>
      tpu.vector_store %arg9[%swap3A_903], %swap3A_906 {strides = array<i32>} : memref<4096xf32, #tpu.memory_space<vmem>>, vector<16xf32>,
      %swap3A_907 = arith.constant 3616 : index
      %swap3A_908 = tpu.vector_load %arg9[%swap3A_907] {strides = array<i32>} : memref<4096xf32, #tpu.memory_space<vmem>>, vector<16xf32>,
      %swap3A_909 = vector.shape_cast %swap3A_908 : vector<16xf32> to vector<16xf32>
      %swap3A_910 = vector.shape_cast %broadcast_in_dim3A_3 : vector<16xf32> to vector<16xf32>
      tpu.vector_store %arg9[%swap3A_907], %swap3A_910 {strides = array<i32>} : memref<4096xf32, #tpu.memory_space<vmem>>, vector<16xf32>,
      %swap3A_911 = arith.constant 3632 : index
      %swap3A_912 = tpu.vector_load %arg9[%swap3A_911] {strides = array<i32>} : memref<4096xf32, #tpu.memory_space<vmem>>, vector<16xf32>,
      %swap3A_913 = vector.shape_cast %swap3A_912 : vector<16xf32> to vector<16xf32>
      %swap3A_914 = vector.shape_cast %broadcast_in_dim3A_3 : vector<16xf32> to vector<16xf32>
      tpu.vector_store %arg9[%swap3A_911], %swap3A_914 {strides = array<i32>} : memref<4096xf32, #tpu.memory_space<vmem>>, vector<16xf32>,
      %swap3A_915 = arith.constant 3648 : index
      %swap3A_916 = tpu.vector_load %arg9[%swap3A_915] {strides = array<i32>} : memref<4096xf32, #tpu.memory_space<vmem>>, vector<16xf32>,
      %swap3A_917 = vector.shape_cast %swap3A_916 : vector<16xf32> to vector<16xf32>
      %swap3A_918 = vector.shape_cast %broadcast_in_dim3A_3 : vector<16xf32> to vector<16xf32>
      tpu.vector_store %arg9[%swap3A_915], %swap3A_918 {strides = array<i32>} : memref<4096xf32, #tpu.memory_space<vmem>>, vector<16xf32>,
      %swap3A_919 = arith.constant 3664 : index
      %swap3A_920 = tpu.vector_load %arg9[%swap3A_919] {strides = array<i32>} : memref<4096xf32, #tpu.memory_space<vmem>>, vector<16xf32>,
      %swap3A_921 = vector.shape_cast %swap3A_920 : vector<16xf32> to vector<16xf32>
      %swap3A_922 = vector.shape_cast %broadcast_in_dim3A_3 : vector<16xf32> to vector<16xf32>
      tpu.vector_store %arg9[%swap3A_919], %swap3A_922 {strides = array<i32>} : memref<4096xf32, #tpu.memory_space<vmem>>, vector<16xf32>,
      %swap3A_923 = arith.constant 3680 : index
      %swap3A_924 = tpu.vector_load %arg9[%swap3A_923] {strides = array<i32>} : memref<4096xf32, #tpu.memory_space<vmem>>, vector<16xf32>,
      %swap3A_925 = vector.shape_cast %swap3A_924 : vector<16xf32> to vector<16xf32>
      %swap3A_926 = vector.shape_cast %broadcast_in_dim3A_3 : vector<16xf32> to vector<16xf32>
      tpu.vector_store %arg9[%swap3A_923], %swap3A_926 {strides = array<i32>} : memref<4096xf32, #tpu.memory_space<vmem>>, vector<16xf32>,
      %swap3A_927 = arith.constant 3696 : index
      %swap3A_928 = tpu.vector_load %arg9[%swap3A_927] {strides = array<i32>} : memref<4096xf32, #tpu.memory_space<vmem>>, vector<16xf32>,
      %swap3A_929 = vector.shape_cast %swap3A_928 : vector<16xf32> to vector<16xf32>
      %swap3A_930 = vector.shape_cast %broadcast_in_dim3A_3 : vector<16xf32> to vector<16xf32>
      tpu.vector_store %arg9[%swap3A_927], %swap3A_930 {strides = array<i32>} : memref<4096xf32, #tpu.memory_space<vmem>>, vector<16xf32>,
      %swap3A_931 = arith.constant 3712 : index
      %swap3A_932 = tpu.vector_load %arg9[%swap3A_931] {strides = array<i32>} : memref<4096xf32, #tpu.memory_space<vmem>>, vector<16xf32>,
      %swap3A_933 = vector.shape_cast %swap3A_932 : vector<16xf32> to vector<16xf32>
      %swap3A_934 = vector.shape_cast %broadcast_in_dim3A_3 : vector<16xf32> to vector<16xf32>
      tpu.vector_store %arg9[%swap3A_931], %swap3A_934 {strides = array<i32>} : memref<4096xf32, #tpu.memory_space<vmem>>, vector<16xf32>,
      %swap3A_935 = arith.constant 3728 : index
      %swap3A_936 = tpu.vector_load %arg9[%swap3A_935] {strides = array<i32>} : memref<4096xf32, #tpu.memory_space<vmem>>, vector<16xf32>,
      %swap3A_937 = vector.shape_cast %swap3A_936 : vector<16xf32> to vector<16xf32>
      %swap3A_938 = vector.shape_cast %broadcast_in_dim3A_3 : vector<16xf32> to vector<16xf32>
      tpu.vector_store %arg9[%swap3A_935], %swap3A_938 {strides = array<i32>} : memref<4096xf32, #tpu.memory_space<vmem>>, vector<16xf32>,
      %swap3A_939 = arith.constant 3744 : index
      %swap3A_940 = tpu.vector_load %arg9[%swap3A_939] {strides = array<i32>} : memref<4096xf32, #tpu.memory_space<vmem>>, vector<16xf32>,
      %swap3A_941 = vector.shape_cast %swap3A_940 : vector<16xf32> to vector<16xf32>
      %swap3A_942 = vector.shape_cast %broadcast_in_dim3A_3 : vector<16xf32> to vector<16xf32>
      tpu.vector_store %arg9[%swap3A_939], %swap3A_942 {strides = array<i32>} : memref<4096xf32, #tpu.memory_space<vmem>>, vector<16xf32>,
      %swap3A_943 = arith.constant 3760 : index
      %swap3A_944 = tpu.vector_load %arg9[%swap3A_943] {strides = array<i32>} : memref<4096xf32, #tpu.memory_space<vmem>>, vector<16xf32>,
      %swap3A_945 = vector.shape_cast %swap3A_944 : vector<16xf32> to vector<16xf32>
      %swap3A_946 = vector.shape_cast %broadcast_in_dim3A_3 : vector<16xf32> to vector<16xf32>
      tpu.vector_store %arg9[%swap3A_943], %swap3A_946 {strides = array<i32>} : memref<4096xf32, #tpu.memory_space<vmem>>, vector<16xf32>,
      %swap3A_947 = arith.constant 3776 : index
      %swap3A_948 = tpu.vector_load %arg9[%swap3A_947] {strides = array<i32>} : memref<4096xf32, #tpu.memory_space<vmem>>, vector<16xf32>,
      %swap3A_949 = vector.shape_cast %swap3A_948 : vector<16xf32> to vector<16xf32>
      %swap3A_950 = vector.shape_cast %broadcast_in_dim3A_3 : vector<16xf32> to vector<16xf32>
      tpu.vector_store %arg9[%swap3A_947], %swap3A_950 {strides = array<i32>} : memref<4096xf32, #tpu.memory_space<vmem>>, vector<16xf32>,
      %swap3A_951 = arith.constant 3792 : index
      %swap3A_952 = tpu.vector_load %arg9[%swap3A_951] {strides = array<i32>} : memref<4096xf32, #tpu.memory_space<vmem>>, vector<16xf32>,
      %swap3A_953 = vector.shape_cast %swap3A_952 : vector<16xf32> to vector<16xf32>
      %swap3A_954 = vector.shape_cast %broadcast_in_dim3A_3 : vector<16xf32> to vector<16xf32>
      tpu.vector_store %arg9[%swap3A_951], %swap3A_954 {strides = array<i32>} : memref<4096xf32, #tpu.memory_space<vmem>>, vector<16xf32>,
      %swap3A_955 = arith.constant 3808 : index
      %swap3A_956 = tpu.vector_load %arg9[%swap3A_955] {strides = array<i32>} : memref<4096xf32, #tpu.memory_space<vmem>>, vector<16xf32>,
      %swap3A_957 = vector.shape_cast %swap3A_956 : vector<16xf32> to vector<16xf32>
      %swap3A_958 = vector.shape_cast %broadcast_in_dim3A_3 : vector<16xf32> to vector<16xf32>
      tpu.vector_store %arg9[%swap3A_955], %swap3A_958 {strides = array<i32>} : memref<4096xf32, #tpu.memory_space<vmem>>, vector<16xf32>,
      %swap3A_959 = arith.constant 3824 : index
      %swap3A_960 = tpu.vector_load %arg9[%swap3A_959] {strides = array<i32>} : memref<4096xf32, #tpu.memory_space<vmem>>, vector<16xf32>,
      %swap3A_961 = vector.shape_cast %swap3A_960 : vector<16xf32> to vector<16xf32>
      %swap3A_962 = vector.shape_cast %broadcast_in_dim3A_3 : vector<16xf32> to vector<16xf32>
      tpu.vector_store %arg9[%swap3A_959], %swap3A_962 {strides = array<i32>} : memref<4096xf32, #tpu.memory_space<vmem>>, vector<16xf32>,
      %swap3A_963 = arith.constant 3840 : index
      %swap3A_964 = tpu.vector_load %arg9[%swap3A_963] {strides = array<i32>} : memref<4096xf32, #tpu.memory_space<vmem>>, vector<16xf32>,
      %swap3A_965 = vector.shape_cast %swap3A_964 : vector<16xf32> to vector<16xf32>
      %swap3A_966 = vector.shape_cast %broadcast_in_dim3A_3 : vector<16xf32> to vector<16xf32>
      tpu.vector_store %arg9[%swap3A_963], %swap3A_966 {strides = array<i32>} : memref<4096xf32, #tpu.memory_space<vmem>>, vector<16xf32>,
      %swap3A_967 = arith.constant 3856 : index
      %swap3A_968 = tpu.vector_load %arg9[%swap3A_967] {strides = array<i32>} : memref<4096xf32, #tpu.memory_space<vmem>>, vector<16xf32>,
      %swap3A_969 = vector.shape_cast %swap3A_968 : vector<16xf32> to vector<16xf32>
      %swap3A_970 = vector.shape_cast %broadcast_in_dim3A_3 : vector<16xf32> to vector<16xf32>
      tpu.vector_store %arg9[%swap3A_967], %swap3A_970 {strides = array<i32>} : memref<4096xf32, #tpu.memory_space<vmem>>, vector<16xf32>,
      %swap3A_971 = arith.constant 3872 : index
      %swap3A_972 = tpu.vector_load %arg9[%swap3A_971] {strides = array<i32>} : memref<4096xf32, #tpu.memory_space<vmem>>, vector<16xf32>,
      %swap3A_973 = vector.shape_cast %swap3A_972 : vector<16xf32> to vector<16xf32>
      %swap3A_974 = vector.shape_cast %broadcast_in_dim3A_3 : vector<16xf32> to vector<16xf32>
      tpu.vector_store %arg9[%swap3A_971], %swap3A_974 {strides = array<i32>} : memref<4096xf32, #tpu.memory_space<vmem>>, vector<16xf32>,
      %swap3A_975 = arith.constant 3888 : index
      %swap3A_976 = tpu.vector_load %arg9[%swap3A_975] {strides = array<i32>} : memref<4096xf32, #tpu.memory_space<vmem>>, vector<16xf32>,
      %swap3A_977 = vector.shape_cast %swap3A_976 : vector<16xf32> to vector<16xf32>
      %swap3A_978 = vector.shape_cast %broadcast_in_dim3A_3 : vector<16xf32> to vector<16xf32>
      tpu.vector_store %arg9[%swap3A_975], %swap3A_978 {strides = array<i32>} : memref<4096xf32, #tpu.memory_space<vmem>>, vector<16xf32>,
      %swap3A_979 = arith.constant 3904 : index
      %swap3A_980 = tpu.vector_load %arg9[%swap3A_979] {strides = array<i32>} : memref<4096xf32, #tpu.memory_space<vmem>>, vector<16xf32>,
      %swap3A_981 = vector.shape_cast %swap3A_980 : vector<16xf32> to vector<16xf32>
      %swap3A_982 = vector.shape_cast %broadcast_in_dim3A_3 : vector<16xf32> to vector<16xf32>
      tpu.vector_store %arg9[%swap3A_979], %swap3A_982 {strides = array<i32>} : memref<4096xf32, #tpu.memory_space<vmem>>, vector<16xf32>,
      %swap3A_983 = arith.constant 3920 : index
      %swap3A_984 = tpu.vector_load %arg9[%swap3A_983] {strides = array<i32>} : memref<4096xf32, #tpu.memory_space<vmem>>, vector<16xf32>,
      %swap3A_985 = vector.shape_cast %swap3A_984 : vector<16xf32> to vector<16xf32>
      %swap3A_986 = vector.shape_cast %broadcast_in_dim3A_3 : vector<16xf32> to vector<16xf32>
      tpu.vector_store %arg9[%swap3A_983], %swap3A_986 {strides = array<i32>} : memref<4096xf32, #tpu.memory_space<vmem>>, vector<16xf32>,
      %swap3A_987 = arith.constant 3936 : index
      %swap3A_988 = tpu.vector_load %arg9[%swap3A_987] {strides = array<i32>} : memref<4096xf32, #tpu.memory_space<vmem>>, vector<16xf32>,
      %swap3A_989 = vector.shape_cast %swap3A_988 : vector<16xf32> to vector<16xf32>
      %swap3A_990 = vector.shape_cast %broadcast_in_dim3A_3 : vector<16xf32> to vector<16xf32>
      tpu.vector_store %arg9[%swap3A_987], %swap3A_990 {strides = array<i32>} : memref<4096xf32, #tpu.memory_space<vmem>>, vector<16xf32>,
      %swap3A_991 = arith.constant 3952 : index
      %swap3A_992 = tpu.vector_load %arg9[%swap3A_991] {strides = array<i32>} : memref<4096xf32, #tpu.memory_space<vmem>>, vector<16xf32>,
      %swap3A_993 = vector.shape_cast %swap3A_992 : vector<16xf32> to vector<16xf32>
      %swap3A_994 = vector.shape_cast %broadcast_in_dim3A_3 : vector<16xf32> to vector<16xf32>
      tpu.vector_store %arg9[%swap3A_991], %swap3A_994 {strides = array<i32>} : memref<4096xf32, #tpu.memory_space<vmem>>, vector<16xf32>,
      %swap3A_995 = arith.constant 3968 : index
      %swap3A_996 = tpu.vector_load %arg9[%swap3A_995] {strides = array<i32>} : memref<4096xf32, #tpu.memory_space<vmem>>, vector<16xf32>,
      %swap3A_997 = vector.shape_cast %swap3A_996 : vector<16xf32> to vector<16xf32>
      %swap3A_998 = vector.shape_cast %broadcast_in_dim3A_3 : vector<16xf32> to vector<16xf32>
      tpu.vector_store %arg9[%swap3A_995], %swap3A_998 {strides = array<i32>} : memref<4096xf32, #tpu.memory_space<vmem>>, vector<16xf32>,
      %swap3A_999 = arith.constant 3984 : index
      %swap3A_1000 = tpu.vector_load %arg9[%swap3A_999] {strides = array<i32>} : memref<4096xf32, #tpu.memory_space<vmem>>, vector<16xf32>,
      %swap3A_1001 = vector.shape_cast %swap3A_1000 : vector<16xf32> to vector<16xf32>
      %swap3A_1002 = vector.shape_cast %broadcast_in_dim3A_3 : vector<16xf32> to vector<16xf32>
      tpu.vector_store %arg9[%swap3A_999], %swap3A_1002 {strides = array<i32>} : memref<4096xf32, #tpu.memory_space<vmem>>, vector<16xf32>,
      %swap3A_1003 = arith.constant 4000 : index
      %swap3A_1004 = tpu.vector_load %arg9[%swap3A_1003] {strides = array<i32>} : memref<4096xf32, #tpu.memory_space<vmem>>, vector<16xf32>,
      %swap3A_1005 = vector.shape_cast %swap3A_1004 : vector<16xf32> to vector<16xf32>
      %swap3A_1006 = vector.shape_cast %broadcast_in_dim3A_3 : vector<16xf32> to vector<16xf32>
      tpu.vector_store %arg9[%swap3A_1003], %swap3A_1006 {strides = array<i32>} : memref<4096xf32, #tpu.memory_space<vmem>>, vector<16xf32>,
      %swap3A_1007 = arith.constant 4016 : index
      %swap3A_1008 = tpu.vector_load %arg9[%swap3A_1007] {strides = array<i32>} : memref<4096xf32, #tpu.memory_space<vmem>>, vector<16xf32>,
      %swap3A_1009 = vector.shape_cast %swap3A_1008 : vector<16xf32> to vector<16xf32>
      %swap3A_1010 = vector.shape_cast %broadcast_in_dim3A_3 : vector<16xf32> to vector<16xf32>
      tpu.vector_store %arg9[%swap3A_1007], %swap3A_1010 {strides = array<i32>} : memref<4096xf32, #tpu.memory_space<vmem>>, vector<16xf32>,
      %swap3A_1011 = arith.constant 4032 : index
      %swap3A_1012 = tpu.vector_load %arg9[%swap3A_1011] {strides = array<i32>} : memref<4096xf32, #tpu.memory_space<vmem>>, vector<16xf32>,
      %swap3A_1013 = vector.shape_cast %swap3A_1012 : vector<16xf32> to vector<16xf32>
      %swap3A_1014 = vector.shape_cast %broadcast_in_dim3A_3 : vector<16xf32> to vector<16xf32>
      tpu.vector_store %arg9[%swap3A_1011], %swap3A_1014 {strides = array<i32>} : memref<4096xf32, #tpu.memory_space<vmem>>, vector<16xf32>,
      %swap3A_1015 = arith.constant 4048 : index
      %swap3A_1016 = tpu.vector_load %arg9[%swap3A_1015] {strides = array<i32>} : memref<4096xf32, #tpu.memory_space<vmem>>, vector<16xf32>,
      %swap3A_1017 = vector.shape_cast %swap3A_1016 : vector<16xf32> to vector<16xf32>
      %swap3A_1018 = vector.shape_cast %broadcast_in_dim3A_3 : vector<16xf32> to vector<16xf32>
      tpu.vector_store %arg9[%swap3A_1015], %swap3A_1018 {strides = array<i32>} : memref<4096xf32, #tpu.memory_space<vmem>>, vector<16xf32>,
      %swap3A_1019 = arith.constant 4064 : index
      %swap3A_1020 = tpu.vector_load %arg9[%swap3A_1019] {strides = array<i32>} : memref<4096xf32, #tpu.memory_space<vmem>>, vector<16xf32>,
      %swap3A_1021 = vector.shape_cast %swap3A_1020 : vector<16xf32> to vector<16xf32>
      %swap3A_1022 = vector.shape_cast %broadcast_in_dim3A_3 : vector<16xf32> to vector<16xf32>
      tpu.vector_store %arg9[%swap3A_1019], %swap3A_1022 {strides = array<i32>} : memref<4096xf32, #tpu.memory_space<vmem>>, vector<16xf32>,
      %swap3A_1023 = arith.constant 4080 : index
      %swap3A_1024 = tpu.vector_load %arg9[%swap3A_1023] {strides = array<i32>} : memref<4096xf32, #tpu.memory_space<vmem>>, vector<16xf32>,
      %swap3A_1025 = vector.shape_cast %swap3A_1024 : vector<16xf32> to vector<16xf32>
      %swap3A_1026 = vector.shape_cast %broadcast_in_dim3A_3 : vector<16xf32> to vector<16xf32>
      tpu.vector_store %arg9[%swap3A_1023], %swap3A_1026 {strides = array<i32>} : memref<4096xf32, #tpu.memory_space<vmem>>, vector<16xf32>,
      "tpu.region"() ({
        %run_scoped3A_2091 = tpu.sem_alloc : memref<!tpu.dma_semaphore, #tpu.memory_space<semaphore_mem>>
        tpu.enqueue_dma source(%arg9 : memref<4096xf32, #tpu.memory_space<vmem>>) target(%arg10 : memref<4096xf32, #tpu.memory_space<vmem_shared>>) target_semaphore(%run_scoped3A_2091 : memref<!tpu.dma_semaphore, #tpu.memory_space<semaphore_mem>>)
        tpu.wait_dma2 semaphore(%run_scoped3A_2091 : memref<!tpu.dma_semaphore, #tpu.memory_space<semaphore_mem>>) src(%arg9 : memref<4096xf32, #tpu.memory_space<vmem>>) dst(%arg10 : memref<4096xf32, #tpu.memory_space<vmem_shared>>)
        tpu.yield
      }) : () -> ()
      %broadcast_in_dim3A_1027 = arith.constant 1.000000e+00 : f32
      %broadcast_in_dim3A_1028 = vector.broadcast %broadcast_in_dim3A_1027 : f32 to vector<16xf32>
      %swap3A_1029 = arith.constant 0 : index
      %swap3A_1030 = tpu.vector_load %arg8[%swap3A_1029] {strides = array<i32>} : memref<128xf32, #tpu.memory_space<vmem>>, vector<16xf32>,
      %swap3A_1031 = vector.shape_cast %swap3A_1030 : vector<16xf32> to vector<16xf32>
      %swap3A_1032 = vector.shape_cast %broadcast_in_dim3A_1028 : vector<16xf32> to vector<16xf32>
      tpu.vector_store %arg8[%swap3A_1029], %swap3A_1032 {strides = array<i32>} : memref<128xf32, #tpu.memory_space<vmem>>, vector<16xf32>,
      %swap3A_1033 = arith.constant 16 : index
      %swap3A_1034 = tpu.vector_load %arg8[%swap3A_1033] {strides = array<i32>} : memref<128xf32, #tpu.memory_space<vmem>>, vector<16xf32>,
      %swap3A_1035 = vector.shape_cast %swap3A_1034 : vector<16xf32> to vector<16xf32>
      %swap3A_1036 = vector.shape_cast %broadcast_in_dim3A_1028 : vector<16xf32> to vector<16xf32>
      tpu.vector_store %arg8[%swap3A_1033], %swap3A_1036 {strides = array<i32>} : memref<128xf32, #tpu.memory_space<vmem>>, vector<16xf32>,
      %swap3A_1037 = arith.constant 32 : index
      %swap3A_1038 = tpu.vector_load %arg8[%swap3A_1037] {strides = array<i32>} : memref<128xf32, #tpu.memory_space<vmem>>, vector<16xf32>,
      %swap3A_1039 = vector.shape_cast %swap3A_1038 : vector<16xf32> to vector<16xf32>
      %swap3A_1040 = vector.shape_cast %broadcast_in_dim3A_1028 : vector<16xf32> to vector<16xf32>
      tpu.vector_store %arg8[%swap3A_1037], %swap3A_1040 {strides = array<i32>} : memref<128xf32, #tpu.memory_space<vmem>>, vector<16xf32>,
      %swap3A_1041 = arith.constant 48 : index
      %swap3A_1042 = tpu.vector_load %arg8[%swap3A_1041] {strides = array<i32>} : memref<128xf32, #tpu.memory_space<vmem>>, vector<16xf32>,
      %swap3A_1043 = vector.shape_cast %swap3A_1042 : vector<16xf32> to vector<16xf32>
      %swap3A_1044 = vector.shape_cast %broadcast_in_dim3A_1028 : vector<16xf32> to vector<16xf32>
      tpu.vector_store %arg8[%swap3A_1041], %swap3A_1044 {strides = array<i32>} : memref<128xf32, #tpu.memory_space<vmem>>, vector<16xf32>,
      %swap3A_1045 = arith.constant 64 : index
      %swap3A_1046 = tpu.vector_load %arg8[%swap3A_1045] {strides = array<i32>} : memref<128xf32, #tpu.memory_space<vmem>>, vector<16xf32>,
      %swap3A_1047 = vector.shape_cast %swap3A_1046 : vector<16xf32> to vector<16xf32>
      %swap3A_1048 = vector.shape_cast %broadcast_in_dim3A_1028 : vector<16xf32> to vector<16xf32>
      tpu.vector_store %arg8[%swap3A_1045], %swap3A_1048 {strides = array<i32>} : memref<128xf32, #tpu.memory_space<vmem>>, vector<16xf32>,
      %swap3A_1049 = arith.constant 80 : index
      %swap3A_1050 = tpu.vector_load %arg8[%swap3A_1049] {strides = array<i32>} : memref<128xf32, #tpu.memory_space<vmem>>, vector<16xf32>,
      %swap3A_1051 = vector.shape_cast %swap3A_1050 : vector<16xf32> to vector<16xf32>
      %swap3A_1052 = vector.shape_cast %broadcast_in_dim3A_1028 : vector<16xf32> to vector<16xf32>
      tpu.vector_store %arg8[%swap3A_1049], %swap3A_1052 {strides = array<i32>} : memref<128xf32, #tpu.memory_space<vmem>>, vector<16xf32>,
      %swap3A_1053 = arith.constant 96 : index
      %swap3A_1054 = tpu.vector_load %arg8[%swap3A_1053] {strides = array<i32>} : memref<128xf32, #tpu.memory_space<vmem>>, vector<16xf32>,
      %swap3A_1055 = vector.shape_cast %swap3A_1054 : vector<16xf32> to vector<16xf32>
      %swap3A_1056 = vector.shape_cast %broadcast_in_dim3A_1028 : vector<16xf32> to vector<16xf32>
      tpu.vector_store %arg8[%swap3A_1053], %swap3A_1056 {strides = array<i32>} : memref<128xf32, #tpu.memory_space<vmem>>, vector<16xf32>,
      %swap3A_1057 = arith.constant 112 : index
      %swap3A_1058 = tpu.vector_load %arg8[%swap3A_1057] {strides = array<i32>} : memref<128xf32, #tpu.memory_space<vmem>>, vector<16xf32>,
      %swap3A_1059 = vector.shape_cast %swap3A_1058 : vector<16xf32> to vector<16xf32>
      %swap3A_1060 = vector.shape_cast %broadcast_in_dim3A_1028 : vector<16xf32> to vector<16xf32>
      tpu.vector_store %arg8[%swap3A_1057], %swap3A_1060 {strides = array<i32>} : memref<128xf32, #tpu.memory_space<vmem>>, vector<16xf32>,
      %get3A = arith.constant 0 : index
      %get3A_1061 = tpu.vector_load %arg5[%get3A] {strides = array<i32>} : memref<1024xi32, #tpu.memory_space<vmem>>, vector<16xi32>,
      %get3A_1062 = vector.shape_cast %get3A_1061 : vector<16xi32> to vector<16xi32>
      %get3A_1063 = arith.constant 0 : index
      %get3A_1064 = tpu.vector_load %arg6[%get3A_1063] {strides = array<i32>} : memref<1024xi32, #tpu.memory_space<vmem>>, vector<16xi32>,
      %get3A_1065 = vector.shape_cast %get3A_1064 : vector<16xi32> to vector<16xi32>
      %mul3A_1066 = arith.constant 64 : i32
      %mul3A_1067 = vector.broadcast %mul3A_1066 : i32 to vector<16xi32>
      %mul3A_1068 = arith.muli %get3A_1065, %mul3A_1067 : vector<16xi32>
      %add3A_1069 = arith.addi %mul3A_1068, %get3A_1062 : vector<16xi32>
      %swap3A_1070 = arith.constant 0 : i32
      %swap3A_1071 = arith.index_cast %swap3A_1070 : i32 to index
      %swap3A_1072 = arith.constant 0 : index
      %swap3A_1073 = tpu.vector_load %arg7[%swap3A_1071, %swap3A_1072] {strides = array<i32>} : memref<8x128xi32, #tpu.memory_space<vmem>>, vector<1x16xi32>,
      %swap3A_1074 = vector.shape_cast %swap3A_1073 : vector<1x16xi32> to vector<16xi32>
      %swap3A_1075 = vector.shape_cast %add3A_1069 : vector<16xi32> to vector<1x16xi32>
      tpu.vector_store %arg7[%swap3A_1071, %swap3A_1072], %swap3A_1075 {strides = array<i32>} : memref<8x128xi32, #tpu.memory_space<vmem>>, vector<1x16xi32>,
      %get3A_1076 = arith.constant 16 : index
      %get3A_1077 = tpu.vector_load %arg5[%get3A_1076] {strides = array<i32>} : memref<1024xi32, #tpu.memory_space<vmem>>, vector<16xi32>,
      %get3A_1078 = vector.shape_cast %get3A_1077 : vector<16xi32> to vector<16xi32>
      %get3A_1079 = arith.constant 16 : index
      %get3A_1080 = tpu.vector_load %arg6[%get3A_1079] {strides = array<i32>} : memref<1024xi32, #tpu.memory_space<vmem>>, vector<16xi32>,
      %get3A_1081 = vector.shape_cast %get3A_1080 : vector<16xi32> to vector<16xi32>
      %mul3A_1082 = arith.constant 64 : i32
      %mul3A_1083 = vector.broadcast %mul3A_1082 : i32 to vector<16xi32>
      %mul3A_1084 = arith.muli %get3A_1081, %mul3A_1083 : vector<16xi32>
      %add3A_1085 = arith.addi %mul3A_1084, %get3A_1078 : vector<16xi32>
      %swap3A_1086 = arith.constant 0 : i32
      %swap3A_1087 = arith.index_cast %swap3A_1086 : i32 to index
      %swap3A_1088 = arith.constant 16 : index
      %swap3A_1089 = tpu.vector_load %arg7[%swap3A_1087, %swap3A_1088] {strides = array<i32>} : memref<8x128xi32, #tpu.memory_space<vmem>>, vector<1x16xi32>,
      %swap3A_1090 = vector.shape_cast %swap3A_1089 : vector<1x16xi32> to vector<16xi32>
      %swap3A_1091 = vector.shape_cast %add3A_1085 : vector<16xi32> to vector<1x16xi32>
      tpu.vector_store %arg7[%swap3A_1087, %swap3A_1088], %swap3A_1091 {strides = array<i32>} : memref<8x128xi32, #tpu.memory_space<vmem>>, vector<1x16xi32>,
      %get3A_1092 = arith.constant 32 : index
      %get3A_1093 = tpu.vector_load %arg5[%get3A_1092] {strides = array<i32>} : memref<1024xi32, #tpu.memory_space<vmem>>, vector<16xi32>,
      %get3A_1094 = vector.shape_cast %get3A_1093 : vector<16xi32> to vector<16xi32>
      %get3A_1095 = arith.constant 32 : index
      %get3A_1096 = tpu.vector_load %arg6[%get3A_1095] {strides = array<i32>} : memref<1024xi32, #tpu.memory_space<vmem>>, vector<16xi32>,
      %get3A_1097 = vector.shape_cast %get3A_1096 : vector<16xi32> to vector<16xi32>
      %mul3A_1098 = arith.constant 64 : i32
      %mul3A_1099 = vector.broadcast %mul3A_1098 : i32 to vector<16xi32>
      %mul3A_1100 = arith.muli %get3A_1097, %mul3A_1099 : vector<16xi32>
      %add3A_1101 = arith.addi %mul3A_1100, %get3A_1094 : vector<16xi32>
      %swap3A_1102 = arith.constant 0 : i32
      %swap3A_1103 = arith.index_cast %swap3A_1102 : i32 to index
      %swap3A_1104 = arith.constant 32 : index
      %swap3A_1105 = tpu.vector_load %arg7[%swap3A_1103, %swap3A_1104] {strides = array<i32>} : memref<8x128xi32, #tpu.memory_space<vmem>>, vector<1x16xi32>,
      %swap3A_1106 = vector.shape_cast %swap3A_1105 : vector<1x16xi32> to vector<16xi32>
      %swap3A_1107 = vector.shape_cast %add3A_1101 : vector<16xi32> to vector<1x16xi32>
      tpu.vector_store %arg7[%swap3A_1103, %swap3A_1104], %swap3A_1107 {strides = array<i32>} : memref<8x128xi32, #tpu.memory_space<vmem>>, vector<1x16xi32>,
      %get3A_1108 = arith.constant 48 : index
      %get3A_1109 = tpu.vector_load %arg5[%get3A_1108] {strides = array<i32>} : memref<1024xi32, #tpu.memory_space<vmem>>, vector<16xi32>,
      %get3A_1110 = vector.shape_cast %get3A_1109 : vector<16xi32> to vector<16xi32>
      %get3A_1111 = arith.constant 48 : index
      %get3A_1112 = tpu.vector_load %arg6[%get3A_1111] {strides = array<i32>} : memref<1024xi32, #tpu.memory_space<vmem>>, vector<16xi32>,
      %get3A_1113 = vector.shape_cast %get3A_1112 : vector<16xi32> to vector<16xi32>
      %mul3A_1114 = arith.constant 64 : i32
      %mul3A_1115 = vector.broadcast %mul3A_1114 : i32 to vector<16xi32>
      %mul3A_1116 = arith.muli %get3A_1113, %mul3A_1115 : vector<16xi32>
      %add3A_1117 = arith.addi %mul3A_1116, %get3A_1110 : vector<16xi32>
      %swap3A_1118 = arith.constant 0 : i32
      %swap3A_1119 = arith.index_cast %swap3A_1118 : i32 to index
      %swap3A_1120 = arith.constant 48 : index
      %swap3A_1121 = tpu.vector_load %arg7[%swap3A_1119, %swap3A_1120] {strides = array<i32>} : memref<8x128xi32, #tpu.memory_space<vmem>>, vector<1x16xi32>,
      %swap3A_1122 = vector.shape_cast %swap3A_1121 : vector<1x16xi32> to vector<16xi32>
      %swap3A_1123 = vector.shape_cast %add3A_1117 : vector<16xi32> to vector<1x16xi32>
      tpu.vector_store %arg7[%swap3A_1119, %swap3A_1120], %swap3A_1123 {strides = array<i32>} : memref<8x128xi32, #tpu.memory_space<vmem>>, vector<1x16xi32>,
      %get3A_1124 = arith.constant 64 : index
      %get3A_1125 = tpu.vector_load %arg5[%get3A_1124] {strides = array<i32>} : memref<1024xi32, #tpu.memory_space<vmem>>, vector<16xi32>,
      %get3A_1126 = vector.shape_cast %get3A_1125 : vector<16xi32> to vector<16xi32>
      %get3A_1127 = arith.constant 64 : index
      %get3A_1128 = tpu.vector_load %arg6[%get3A_1127] {strides = array<i32>} : memref<1024xi32, #tpu.memory_space<vmem>>, vector<16xi32>,
      %get3A_1129 = vector.shape_cast %get3A_1128 : vector<16xi32> to vector<16xi32>
      %mul3A_1130 = arith.constant 64 : i32
      %mul3A_1131 = vector.broadcast %mul3A_1130 : i32 to vector<16xi32>
      %mul3A_1132 = arith.muli %get3A_1129, %mul3A_1131 : vector<16xi32>
      %add3A_1133 = arith.addi %mul3A_1132, %get3A_1126 : vector<16xi32>
      %swap3A_1134 = arith.constant 0 : i32
      %swap3A_1135 = arith.index_cast %swap3A_1134 : i32 to index
      %swap3A_1136 = arith.constant 64 : index
      %swap3A_1137 = tpu.vector_load %arg7[%swap3A_1135, %swap3A_1136] {strides = array<i32>} : memref<8x128xi32, #tpu.memory_space<vmem>>, vector<1x16xi32>,
      %swap3A_1138 = vector.shape_cast %swap3A_1137 : vector<1x16xi32> to vector<16xi32>
      %swap3A_1139 = vector.shape_cast %add3A_1133 : vector<16xi32> to vector<1x16xi32>
      tpu.vector_store %arg7[%swap3A_1135, %swap3A_1136], %swap3A_1139 {strides = array<i32>} : memref<8x128xi32, #tpu.memory_space<vmem>>, vector<1x16xi32>,
      %get3A_1140 = arith.constant 80 : index
      %get3A_1141 = tpu.vector_load %arg5[%get3A_1140] {strides = array<i32>} : memref<1024xi32, #tpu.memory_space<vmem>>, vector<16xi32>,
      %get3A_1142 = vector.shape_cast %get3A_1141 : vector<16xi32> to vector<16xi32>
      %get3A_1143 = arith.constant 80 : index
      %get3A_1144 = tpu.vector_load %arg6[%get3A_1143] {strides = array<i32>} : memref<1024xi32, #tpu.memory_space<vmem>>, vector<16xi32>,
      %get3A_1145 = vector.shape_cast %get3A_1144 : vector<16xi32> to vector<16xi32>
      %mul3A_1146 = arith.constant 64 : i32
      %mul3A_1147 = vector.broadcast %mul3A_1146 : i32 to vector<16xi32>
      %mul3A_1148 = arith.muli %get3A_1145, %mul3A_1147 : vector<16xi32>
      %add3A_1149 = arith.addi %mul3A_1148, %get3A_1142 : vector<16xi32>
      %swap3A_1150 = arith.constant 0 : i32
      %swap3A_1151 = arith.index_cast %swap3A_1150 : i32 to index
      %swap3A_1152 = arith.constant 80 : index
      %swap3A_1153 = tpu.vector_load %arg7[%swap3A_1151, %swap3A_1152] {strides = array<i32>} : memref<8x128xi32, #tpu.memory_space<vmem>>, vector<1x16xi32>,
      %swap3A_1154 = vector.shape_cast %swap3A_1153 : vector<1x16xi32> to vector<16xi32>
      %swap3A_1155 = vector.shape_cast %add3A_1149 : vector<16xi32> to vector<1x16xi32>
      tpu.vector_store %arg7[%swap3A_1151, %swap3A_1152], %swap3A_1155 {strides = array<i32>} : memref<8x128xi32, #tpu.memory_space<vmem>>, vector<1x16xi32>,
      %get3A_1156 = arith.constant 96 : index
      %get3A_1157 = tpu.vector_load %arg5[%get3A_1156] {strides = array<i32>} : memref<1024xi32, #tpu.memory_space<vmem>>, vector<16xi32>,
      %get3A_1158 = vector.shape_cast %get3A_1157 : vector<16xi32> to vector<16xi32>
      %get3A_1159 = arith.constant 96 : index
      %get3A_1160 = tpu.vector_load %arg6[%get3A_1159] {strides = array<i32>} : memref<1024xi32, #tpu.memory_space<vmem>>, vector<16xi32>,
      %get3A_1161 = vector.shape_cast %get3A_1160 : vector<16xi32> to vector<16xi32>
      %mul3A_1162 = arith.constant 64 : i32
      %mul3A_1163 = vector.broadcast %mul3A_1162 : i32 to vector<16xi32>
      %mul3A_1164 = arith.muli %get3A_1161, %mul3A_1163 : vector<16xi32>
      %add3A_1165 = arith.addi %mul3A_1164, %get3A_1158 : vector<16xi32>
      %swap3A_1166 = arith.constant 0 : i32
      %swap3A_1167 = arith.index_cast %swap3A_1166 : i32 to index
      %swap3A_1168 = arith.constant 96 : index
      %swap3A_1169 = tpu.vector_load %arg7[%swap3A_1167, %swap3A_1168] {strides = array<i32>} : memref<8x128xi32, #tpu.memory_space<vmem>>, vector<1x16xi32>,
      %swap3A_1170 = vector.shape_cast %swap3A_1169 : vector<1x16xi32> to vector<16xi32>
      %swap3A_1171 = vector.shape_cast %add3A_1165 : vector<16xi32> to vector<1x16xi32>
      tpu.vector_store %arg7[%swap3A_1167, %swap3A_1168], %swap3A_1171 {strides = array<i32>} : memref<8x128xi32, #tpu.memory_space<vmem>>, vector<1x16xi32>,
      %get3A_1172 = arith.constant 112 : index
      %get3A_1173 = tpu.vector_load %arg5[%get3A_1172] {strides = array<i32>} : memref<1024xi32, #tpu.memory_space<vmem>>, vector<16xi32>,
      %get3A_1174 = vector.shape_cast %get3A_1173 : vector<16xi32> to vector<16xi32>
      %get3A_1175 = arith.constant 112 : index
      %get3A_1176 = tpu.vector_load %arg6[%get3A_1175] {strides = array<i32>} : memref<1024xi32, #tpu.memory_space<vmem>>, vector<16xi32>,
      %get3A_1177 = vector.shape_cast %get3A_1176 : vector<16xi32> to vector<16xi32>
      %mul3A_1178 = arith.constant 64 : i32
      %mul3A_1179 = vector.broadcast %mul3A_1178 : i32 to vector<16xi32>
      %mul3A_1180 = arith.muli %get3A_1177, %mul3A_1179 : vector<16xi32>
      %add3A_1181 = arith.addi %mul3A_1180, %get3A_1174 : vector<16xi32>
      %swap3A_1182 = arith.constant 0 : i32
      %swap3A_1183 = arith.index_cast %swap3A_1182 : i32 to index
      %swap3A_1184 = arith.constant 112 : index
      %swap3A_1185 = tpu.vector_load %arg7[%swap3A_1183, %swap3A_1184] {strides = array<i32>} : memref<8x128xi32, #tpu.memory_space<vmem>>, vector<1x16xi32>,
      %swap3A_1186 = vector.shape_cast %swap3A_1185 : vector<1x16xi32> to vector<16xi32>
      %swap3A_1187 = vector.shape_cast %add3A_1181 : vector<16xi32> to vector<1x16xi32>
      tpu.vector_store %arg7[%swap3A_1183, %swap3A_1184], %swap3A_1187 {strides = array<i32>} : memref<8x128xi32, #tpu.memory_space<vmem>>, vector<1x16xi32>,
      %get3A_1188 = arith.constant 128 : index
      %get3A_1189 = tpu.vector_load %arg5[%get3A_1188] {strides = array<i32>} : memref<1024xi32, #tpu.memory_space<vmem>>, vector<16xi32>,
      %get3A_1190 = vector.shape_cast %get3A_1189 : vector<16xi32> to vector<16xi32>
      %get3A_1191 = arith.constant 128 : index
      %get3A_1192 = tpu.vector_load %arg6[%get3A_1191] {strides = array<i32>} : memref<1024xi32, #tpu.memory_space<vmem>>, vector<16xi32>,
      %get3A_1193 = vector.shape_cast %get3A_1192 : vector<16xi32> to vector<16xi32>
      %mul3A_1194 = arith.constant 64 : i32
      %mul3A_1195 = vector.broadcast %mul3A_1194 : i32 to vector<16xi32>
      %mul3A_1196 = arith.muli %get3A_1193, %mul3A_1195 : vector<16xi32>
      %add3A_1197 = arith.addi %mul3A_1196, %get3A_1190 : vector<16xi32>
      %swap3A_1198 = arith.constant 1 : i32
      %swap3A_1199 = arith.index_cast %swap3A_1198 : i32 to index
      %swap3A_1200 = arith.constant 0 : index
      %swap3A_1201 = tpu.vector_load %arg7[%swap3A_1199, %swap3A_1200] {strides = array<i32>} : memref<8x128xi32, #tpu.memory_space<vmem>>, vector<1x16xi32>,
      %swap3A_1202 = vector.shape_cast %swap3A_1201 : vector<1x16xi32> to vector<16xi32>
      %swap3A_1203 = vector.shape_cast %add3A_1197 : vector<16xi32> to vector<1x16xi32>
      tpu.vector_store %arg7[%swap3A_1199, %swap3A_1200], %swap3A_1203 {strides = array<i32>} : memref<8x128xi32, #tpu.memory_space<vmem>>, vector<1x16xi32>,
      %get3A_1204 = arith.constant 144 : index
      %get3A_1205 = tpu.vector_load %arg5[%get3A_1204] {strides = array<i32>} : memref<1024xi32, #tpu.memory_space<vmem>>, vector<16xi32>,
      %get3A_1206 = vector.shape_cast %get3A_1205 : vector<16xi32> to vector<16xi32>
      %get3A_1207 = arith.constant 144 : index
      %get3A_1208 = tpu.vector_load %arg6[%get3A_1207] {strides = array<i32>} : memref<1024xi32, #tpu.memory_space<vmem>>, vector<16xi32>,
      %get3A_1209 = vector.shape_cast %get3A_1208 : vector<16xi32> to vector<16xi32>
      %mul3A_1210 = arith.constant 64 : i32
      %mul3A_1211 = vector.broadcast %mul3A_1210 : i32 to vector<16xi32>
      %mul3A_1212 = arith.muli %get3A_1209, %mul3A_1211 : vector<16xi32>
      %add3A_1213 = arith.addi %mul3A_1212, %get3A_1206 : vector<16xi32>
      %swap3A_1214 = arith.constant 1 : i32
      %swap3A_1215 = arith.index_cast %swap3A_1214 : i32 to index
      %swap3A_1216 = arith.constant 16 : index
      %swap3A_1217 = tpu.vector_load %arg7[%swap3A_1215, %swap3A_1216] {strides = array<i32>} : memref<8x128xi32, #tpu.memory_space<vmem>>, vector<1x16xi32>,
      %swap3A_1218 = vector.shape_cast %swap3A_1217 : vector<1x16xi32> to vector<16xi32>
      %swap3A_1219 = vector.shape_cast %add3A_1213 : vector<16xi32> to vector<1x16xi32>
      tpu.vector_store %arg7[%swap3A_1215, %swap3A_1216], %swap3A_1219 {strides = array<i32>} : memref<8x128xi32, #tpu.memory_space<vmem>>, vector<1x16xi32>,
      %get3A_1220 = arith.constant 160 : index
      %get3A_1221 = tpu.vector_load %arg5[%get3A_1220] {strides = array<i32>} : memref<1024xi32, #tpu.memory_space<vmem>>, vector<16xi32>,
      %get3A_1222 = vector.shape_cast %get3A_1221 : vector<16xi32> to vector<16xi32>
      %get3A_1223 = arith.constant 160 : index
      %get3A_1224 = tpu.vector_load %arg6[%get3A_1223] {strides = array<i32>} : memref<1024xi32, #tpu.memory_space<vmem>>, vector<16xi32>,
      %get3A_1225 = vector.shape_cast %get3A_1224 : vector<16xi32> to vector<16xi32>
      %mul3A_1226 = arith.constant 64 : i32
      %mul3A_1227 = vector.broadcast %mul3A_1226 : i32 to vector<16xi32>
      %mul3A_1228 = arith.muli %get3A_1225, %mul3A_1227 : vector<16xi32>
      %add3A_1229 = arith.addi %mul3A_1228, %get3A_1222 : vector<16xi32>
      %swap3A_1230 = arith.constant 1 : i32
      %swap3A_1231 = arith.index_cast %swap3A_1230 : i32 to index
      %swap3A_1232 = arith.constant 32 : index
      %swap3A_1233 = tpu.vector_load %arg7[%swap3A_1231, %swap3A_1232] {strides = array<i32>} : memref<8x128xi32, #tpu.memory_space<vmem>>, vector<1x16xi32>,
      %swap3A_1234 = vector.shape_cast %swap3A_1233 : vector<1x16xi32> to vector<16xi32>
      %swap3A_1235 = vector.shape_cast %add3A_1229 : vector<16xi32> to vector<1x16xi32>
      tpu.vector_store %arg7[%swap3A_1231, %swap3A_1232], %swap3A_1235 {strides = array<i32>} : memref<8x128xi32, #tpu.memory_space<vmem>>, vector<1x16xi32>,
      %get3A_1236 = arith.constant 176 : index
      %get3A_1237 = tpu.vector_load %arg5[%get3A_1236] {strides = array<i32>} : memref<1024xi32, #tpu.memory_space<vmem>>, vector<16xi32>,
      %get3A_1238 = vector.shape_cast %get3A_1237 : vector<16xi32> to vector<16xi32>
      %get3A_1239 = arith.constant 176 : index
      %get3A_1240 = tpu.vector_load %arg6[%get3A_1239] {strides = array<i32>} : memref<1024xi32, #tpu.memory_space<vmem>>, vector<16xi32>,
      %get3A_1241 = vector.shape_cast %get3A_1240 : vector<16xi32> to vector<16xi32>
      %mul3A_1242 = arith.constant 64 : i32
      %mul3A_1243 = vector.broadcast %mul3A_1242 : i32 to vector<16xi32>
      %mul3A_1244 = arith.muli %get3A_1241, %mul3A_1243 : vector<16xi32>
      %add3A_1245 = arith.addi %mul3A_1244, %get3A_1238 : vector<16xi32>
      %swap3A_1246 = arith.constant 1 : i32
      %swap3A_1247 = arith.index_cast %swap3A_1246 : i32 to index
      %swap3A_1248 = arith.constant 48 : index
      %swap3A_1249 = tpu.vector_load %arg7[%swap3A_1247, %swap3A_1248] {strides = array<i32>} : memref<8x128xi32, #tpu.memory_space<vmem>>, vector<1x16xi32>,
      %swap3A_1250 = vector.shape_cast %swap3A_1249 : vector<1x16xi32> to vector<16xi32>
      %swap3A_1251 = vector.shape_cast %add3A_1245 : vector<16xi32> to vector<1x16xi32>
      tpu.vector_store %arg7[%swap3A_1247, %swap3A_1248], %swap3A_1251 {strides = array<i32>} : memref<8x128xi32, #tpu.memory_space<vmem>>, vector<1x16xi32>,
      %get3A_1252 = arith.constant 192 : index
      %get3A_1253 = tpu.vector_load %arg5[%get3A_1252] {strides = array<i32>} : memref<1024xi32, #tpu.memory_space<vmem>>, vector<16xi32>,
      %get3A_1254 = vector.shape_cast %get3A_1253 : vector<16xi32> to vector<16xi32>
      %get3A_1255 = arith.constant 192 : index
      %get3A_1256 = tpu.vector_load %arg6[%get3A_1255] {strides = array<i32>} : memref<1024xi32, #tpu.memory_space<vmem>>, vector<16xi32>,
      %get3A_1257 = vector.shape_cast %get3A_1256 : vector<16xi32> to vector<16xi32>
      %mul3A_1258 = arith.constant 64 : i32
      %mul3A_1259 = vector.broadcast %mul3A_1258 : i32 to vector<16xi32>
      %mul3A_1260 = arith.muli %get3A_1257, %mul3A_1259 : vector<16xi32>
      %add3A_1261 = arith.addi %mul3A_1260, %get3A_1254 : vector<16xi32>
      %swap3A_1262 = arith.constant 1 : i32
      %swap3A_1263 = arith.index_cast %swap3A_1262 : i32 to index
      %swap3A_1264 = arith.constant 64 : index
      %swap3A_1265 = tpu.vector_load %arg7[%swap3A_1263, %swap3A_1264] {strides = array<i32>} : memref<8x128xi32, #tpu.memory_space<vmem>>, vector<1x16xi32>,
      %swap3A_1266 = vector.shape_cast %swap3A_1265 : vector<1x16xi32> to vector<16xi32>
      %swap3A_1267 = vector.shape_cast %add3A_1261 : vector<16xi32> to vector<1x16xi32>
      tpu.vector_store %arg7[%swap3A_1263, %swap3A_1264], %swap3A_1267 {strides = array<i32>} : memref<8x128xi32, #tpu.memory_space<vmem>>, vector<1x16xi32>,
      %get3A_1268 = arith.constant 208 : index
      %get3A_1269 = tpu.vector_load %arg5[%get3A_1268] {strides = array<i32>} : memref<1024xi32, #tpu.memory_space<vmem>>, vector<16xi32>,
      %get3A_1270 = vector.shape_cast %get3A_1269 : vector<16xi32> to vector<16xi32>
      %get3A_1271 = arith.constant 208 : index
      %get3A_1272 = tpu.vector_load %arg6[%get3A_1271] {strides = array<i32>} : memref<1024xi32, #tpu.memory_space<vmem>>, vector<16xi32>,
      %get3A_1273 = vector.shape_cast %get3A_1272 : vector<16xi32> to vector<16xi32>
      %mul3A_1274 = arith.constant 64 : i32
      %mul3A_1275 = vector.broadcast %mul3A_1274 : i32 to vector<16xi32>
      %mul3A_1276 = arith.muli %get3A_1273, %mul3A_1275 : vector<16xi32>
      %add3A_1277 = arith.addi %mul3A_1276, %get3A_1270 : vector<16xi32>
      %swap3A_1278 = arith.constant 1 : i32
      %swap3A_1279 = arith.index_cast %swap3A_1278 : i32 to index
      %swap3A_1280 = arith.constant 80 : index
      %swap3A_1281 = tpu.vector_load %arg7[%swap3A_1279, %swap3A_1280] {strides = array<i32>} : memref<8x128xi32, #tpu.memory_space<vmem>>, vector<1x16xi32>,
      %swap3A_1282 = vector.shape_cast %swap3A_1281 : vector<1x16xi32> to vector<16xi32>
      %swap3A_1283 = vector.shape_cast %add3A_1277 : vector<16xi32> to vector<1x16xi32>
      tpu.vector_store %arg7[%swap3A_1279, %swap3A_1280], %swap3A_1283 {strides = array<i32>} : memref<8x128xi32, #tpu.memory_space<vmem>>, vector<1x16xi32>,
      %get3A_1284 = arith.constant 224 : index
      %get3A_1285 = tpu.vector_load %arg5[%get3A_1284] {strides = array<i32>} : memref<1024xi32, #tpu.memory_space<vmem>>, vector<16xi32>,
      %get3A_1286 = vector.shape_cast %get3A_1285 : vector<16xi32> to vector<16xi32>
      %get3A_1287 = arith.constant 224 : index
      %get3A_1288 = tpu.vector_load %arg6[%get3A_1287] {strides = array<i32>} : memref<1024xi32, #tpu.memory_space<vmem>>, vector<16xi32>,
      %get3A_1289 = vector.shape_cast %get3A_1288 : vector<16xi32> to vector<16xi32>
      %mul3A_1290 = arith.constant 64 : i32
      %mul3A_1291 = vector.broadcast %mul3A_1290 : i32 to vector<16xi32>
      %mul3A_1292 = arith.muli %get3A_1289, %mul3A_1291 : vector<16xi32>
      %add3A_1293 = arith.addi %mul3A_1292, %get3A_1286 : vector<16xi32>
      %swap3A_1294 = arith.constant 1 : i32
      %swap3A_1295 = arith.index_cast %swap3A_1294 : i32 to index
      %swap3A_1296 = arith.constant 96 : index
      %swap3A_1297 = tpu.vector_load %arg7[%swap3A_1295, %swap3A_1296] {strides = array<i32>} : memref<8x128xi32, #tpu.memory_space<vmem>>, vector<1x16xi32>,
      %swap3A_1298 = vector.shape_cast %swap3A_1297 : vector<1x16xi32> to vector<16xi32>
      %swap3A_1299 = vector.shape_cast %add3A_1293 : vector<16xi32> to vector<1x16xi32>
      tpu.vector_store %arg7[%swap3A_1295, %swap3A_1296], %swap3A_1299 {strides = array<i32>} : memref<8x128xi32, #tpu.memory_space<vmem>>, vector<1x16xi32>,
      %get3A_1300 = arith.constant 240 : index
      %get3A_1301 = tpu.vector_load %arg5[%get3A_1300] {strides = array<i32>} : memref<1024xi32, #tpu.memory_space<vmem>>, vector<16xi32>,
      %get3A_1302 = vector.shape_cast %get3A_1301 : vector<16xi32> to vector<16xi32>
      %get3A_1303 = arith.constant 240 : index
      %get3A_1304 = tpu.vector_load %arg6[%get3A_1303] {strides = array<i32>} : memref<1024xi32, #tpu.memory_space<vmem>>, vector<16xi32>,
      %get3A_1305 = vector.shape_cast %get3A_1304 : vector<16xi32> to vector<16xi32>
      %mul3A_1306 = arith.constant 64 : i32
      %mul3A_1307 = vector.broadcast %mul3A_1306 : i32 to vector<16xi32>
      %mul3A_1308 = arith.muli %get3A_1305, %mul3A_1307 : vector<16xi32>
      %add3A_1309 = arith.addi %mul3A_1308, %get3A_1302 : vector<16xi32>
      %swap3A_1310 = arith.constant 1 : i32
      %swap3A_1311 = arith.index_cast %swap3A_1310 : i32 to index
      %swap3A_1312 = arith.constant 112 : index
      %swap3A_1313 = tpu.vector_load %arg7[%swap3A_1311, %swap3A_1312] {strides = array<i32>} : memref<8x128xi32, #tpu.memory_space<vmem>>, vector<1x16xi32>,
      %swap3A_1314 = vector.shape_cast %swap3A_1313 : vector<1x16xi32> to vector<16xi32>
      %swap3A_1315 = vector.shape_cast %add3A_1309 : vector<16xi32> to vector<1x16xi32>
      tpu.vector_store %arg7[%swap3A_1311, %swap3A_1312], %swap3A_1315 {strides = array<i32>} : memref<8x128xi32, #tpu.memory_space<vmem>>, vector<1x16xi32>,
      %get3A_1316 = arith.constant 256 : index
      %get3A_1317 = tpu.vector_load %arg5[%get3A_1316] {strides = array<i32>} : memref<1024xi32, #tpu.memory_space<vmem>>, vector<16xi32>,
      %get3A_1318 = vector.shape_cast %get3A_1317 : vector<16xi32> to vector<16xi32>
      %get3A_1319 = arith.constant 256 : index
      %get3A_1320 = tpu.vector_load %arg6[%get3A_1319] {strides = array<i32>} : memref<1024xi32, #tpu.memory_space<vmem>>, vector<16xi32>,
      %get3A_1321 = vector.shape_cast %get3A_1320 : vector<16xi32> to vector<16xi32>
      %mul3A_1322 = arith.constant 64 : i32
      %mul3A_1323 = vector.broadcast %mul3A_1322 : i32 to vector<16xi32>
      %mul3A_1324 = arith.muli %get3A_1321, %mul3A_1323 : vector<16xi32>
      %add3A_1325 = arith.addi %mul3A_1324, %get3A_1318 : vector<16xi32>
      %swap3A_1326 = arith.constant 2 : i32
      %swap3A_1327 = arith.index_cast %swap3A_1326 : i32 to index
      %swap3A_1328 = arith.constant 0 : index
      %swap3A_1329 = tpu.vector_load %arg7[%swap3A_1327, %swap3A_1328] {strides = array<i32>} : memref<8x128xi32, #tpu.memory_space<vmem>>, vector<1x16xi32>,
      %swap3A_1330 = vector.shape_cast %swap3A_1329 : vector<1x16xi32> to vector<16xi32>
      %swap3A_1331 = vector.shape_cast %add3A_1325 : vector<16xi32> to vector<1x16xi32>
      tpu.vector_store %arg7[%swap3A_1327, %swap3A_1328], %swap3A_1331 {strides = array<i32>} : memref<8x128xi32, #tpu.memory_space<vmem>>, vector<1x16xi32>,
      %get3A_1332 = arith.constant 272 : index
      %get3A_1333 = tpu.vector_load %arg5[%get3A_1332] {strides = array<i32>} : memref<1024xi32, #tpu.memory_space<vmem>>, vector<16xi32>,
      %get3A_1334 = vector.shape_cast %get3A_1333 : vector<16xi32> to vector<16xi32>
      %get3A_1335 = arith.constant 272 : index
      %get3A_1336 = tpu.vector_load %arg6[%get3A_1335] {strides = array<i32>} : memref<1024xi32, #tpu.memory_space<vmem>>, vector<16xi32>,
      %get3A_1337 = vector.shape_cast %get3A_1336 : vector<16xi32> to vector<16xi32>
      %mul3A_1338 = arith.constant 64 : i32
      %mul3A_1339 = vector.broadcast %mul3A_1338 : i32 to vector<16xi32>
      %mul3A_1340 = arith.muli %get3A_1337, %mul3A_1339 : vector<16xi32>
      %add3A_1341 = arith.addi %mul3A_1340, %get3A_1334 : vector<16xi32>
      %swap3A_1342 = arith.constant 2 : i32
      %swap3A_1343 = arith.index_cast %swap3A_1342 : i32 to index
      %swap3A_1344 = arith.constant 16 : index
      %swap3A_1345 = tpu.vector_load %arg7[%swap3A_1343, %swap3A_1344] {strides = array<i32>} : memref<8x128xi32, #tpu.memory_space<vmem>>, vector<1x16xi32>,
      %swap3A_1346 = vector.shape_cast %swap3A_1345 : vector<1x16xi32> to vector<16xi32>
      %swap3A_1347 = vector.shape_cast %add3A_1341 : vector<16xi32> to vector<1x16xi32>
      tpu.vector_store %arg7[%swap3A_1343, %swap3A_1344], %swap3A_1347 {strides = array<i32>} : memref<8x128xi32, #tpu.memory_space<vmem>>, vector<1x16xi32>,
      %get3A_1348 = arith.constant 288 : index
      %get3A_1349 = tpu.vector_load %arg5[%get3A_1348] {strides = array<i32>} : memref<1024xi32, #tpu.memory_space<vmem>>, vector<16xi32>,
      %get3A_1350 = vector.shape_cast %get3A_1349 : vector<16xi32> to vector<16xi32>
      %get3A_1351 = arith.constant 288 : index
      %get3A_1352 = tpu.vector_load %arg6[%get3A_1351] {strides = array<i32>} : memref<1024xi32, #tpu.memory_space<vmem>>, vector<16xi32>,
      %get3A_1353 = vector.shape_cast %get3A_1352 : vector<16xi32> to vector<16xi32>
      %mul3A_1354 = arith.constant 64 : i32
      %mul3A_1355 = vector.broadcast %mul3A_1354 : i32 to vector<16xi32>
      %mul3A_1356 = arith.muli %get3A_1353, %mul3A_1355 : vector<16xi32>
      %add3A_1357 = arith.addi %mul3A_1356, %get3A_1350 : vector<16xi32>
      %swap3A_1358 = arith.constant 2 : i32
      %swap3A_1359 = arith.index_cast %swap3A_1358 : i32 to index
      %swap3A_1360 = arith.constant 32 : index
      %swap3A_1361 = tpu.vector_load %arg7[%swap3A_1359, %swap3A_1360] {strides = array<i32>} : memref<8x128xi32, #tpu.memory_space<vmem>>, vector<1x16xi32>,
      %swap3A_1362 = vector.shape_cast %swap3A_1361 : vector<1x16xi32> to vector<16xi32>
      %swap3A_1363 = vector.shape_cast %add3A_1357 : vector<16xi32> to vector<1x16xi32>
      tpu.vector_store %arg7[%swap3A_1359, %swap3A_1360], %swap3A_1363 {strides = array<i32>} : memref<8x128xi32, #tpu.memory_space<vmem>>, vector<1x16xi32>,
      %get3A_1364 = arith.constant 304 : index
      %get3A_1365 = tpu.vector_load %arg5[%get3A_1364] {strides = array<i32>} : memref<1024xi32, #tpu.memory_space<vmem>>, vector<16xi32>,
      %get3A_1366 = vector.shape_cast %get3A_1365 : vector<16xi32> to vector<16xi32>
      %get3A_1367 = arith.constant 304 : index
      %get3A_1368 = tpu.vector_load %arg6[%get3A_1367] {strides = array<i32>} : memref<1024xi32, #tpu.memory_space<vmem>>, vector<16xi32>,
      %get3A_1369 = vector.shape_cast %get3A_1368 : vector<16xi32> to vector<16xi32>
      %mul3A_1370 = arith.constant 64 : i32
      %mul3A_1371 = vector.broadcast %mul3A_1370 : i32 to vector<16xi32>
      %mul3A_1372 = arith.muli %get3A_1369, %mul3A_1371 : vector<16xi32>
      %add3A_1373 = arith.addi %mul3A_1372, %get3A_1366 : vector<16xi32>
      %swap3A_1374 = arith.constant 2 : i32
      %swap3A_1375 = arith.index_cast %swap3A_1374 : i32 to index
      %swap3A_1376 = arith.constant 48 : index
      %swap3A_1377 = tpu.vector_load %arg7[%swap3A_1375, %swap3A_1376] {strides = array<i32>} : memref<8x128xi32, #tpu.memory_space<vmem>>, vector<1x16xi32>,
      %swap3A_1378 = vector.shape_cast %swap3A_1377 : vector<1x16xi32> to vector<16xi32>
      %swap3A_1379 = vector.shape_cast %add3A_1373 : vector<16xi32> to vector<1x16xi32>
      tpu.vector_store %arg7[%swap3A_1375, %swap3A_1376], %swap3A_1379 {strides = array<i32>} : memref<8x128xi32, #tpu.memory_space<vmem>>, vector<1x16xi32>,
      %get3A_1380 = arith.constant 320 : index
      %get3A_1381 = tpu.vector_load %arg5[%get3A_1380] {strides = array<i32>} : memref<1024xi32, #tpu.memory_space<vmem>>, vector<16xi32>,
      %get3A_1382 = vector.shape_cast %get3A_1381 : vector<16xi32> to vector<16xi32>
      %get3A_1383 = arith.constant 320 : index
      %get3A_1384 = tpu.vector_load %arg6[%get3A_1383] {strides = array<i32>} : memref<1024xi32, #tpu.memory_space<vmem>>, vector<16xi32>,
      %get3A_1385 = vector.shape_cast %get3A_1384 : vector<16xi32> to vector<16xi32>
      %mul3A_1386 = arith.constant 64 : i32
      %mul3A_1387 = vector.broadcast %mul3A_1386 : i32 to vector<16xi32>
      %mul3A_1388 = arith.muli %get3A_1385, %mul3A_1387 : vector<16xi32>
      %add3A_1389 = arith.addi %mul3A_1388, %get3A_1382 : vector<16xi32>
      %swap3A_1390 = arith.constant 2 : i32
      %swap3A_1391 = arith.index_cast %swap3A_1390 : i32 to index
      %swap3A_1392 = arith.constant 64 : index
      %swap3A_1393 = tpu.vector_load %arg7[%swap3A_1391, %swap3A_1392] {strides = array<i32>} : memref<8x128xi32, #tpu.memory_space<vmem>>, vector<1x16xi32>,
      %swap3A_1394 = vector.shape_cast %swap3A_1393 : vector<1x16xi32> to vector<16xi32>
      %swap3A_1395 = vector.shape_cast %add3A_1389 : vector<16xi32> to vector<1x16xi32>
      tpu.vector_store %arg7[%swap3A_1391, %swap3A_1392], %swap3A_1395 {strides = array<i32>} : memref<8x128xi32, #tpu.memory_space<vmem>>, vector<1x16xi32>,
      %get3A_1396 = arith.constant 336 : index
      %get3A_1397 = tpu.vector_load %arg5[%get3A_1396] {strides = array<i32>} : memref<1024xi32, #tpu.memory_space<vmem>>, vector<16xi32>,
      %get3A_1398 = vector.shape_cast %get3A_1397 : vector<16xi32> to vector<16xi32>
      %get3A_1399 = arith.constant 336 : index
      %get3A_1400 = tpu.vector_load %arg6[%get3A_1399] {strides = array<i32>} : memref<1024xi32, #tpu.memory_space<vmem>>, vector<16xi32>,
      %get3A_1401 = vector.shape_cast %get3A_1400 : vector<16xi32> to vector<16xi32>
      %mul3A_1402 = arith.constant 64 : i32
      %mul3A_1403 = vector.broadcast %mul3A_1402 : i32 to vector<16xi32>
      %mul3A_1404 = arith.muli %get3A_1401, %mul3A_1403 : vector<16xi32>
      %add3A_1405 = arith.addi %mul3A_1404, %get3A_1398 : vector<16xi32>
      %swap3A_1406 = arith.constant 2 : i32
      %swap3A_1407 = arith.index_cast %swap3A_1406 : i32 to index
      %swap3A_1408 = arith.constant 80 : index
      %swap3A_1409 = tpu.vector_load %arg7[%swap3A_1407, %swap3A_1408] {strides = array<i32>} : memref<8x128xi32, #tpu.memory_space<vmem>>, vector<1x16xi32>,
      %swap3A_1410 = vector.shape_cast %swap3A_1409 : vector<1x16xi32> to vector<16xi32>
      %swap3A_1411 = vector.shape_cast %add3A_1405 : vector<16xi32> to vector<1x16xi32>
      tpu.vector_store %arg7[%swap3A_1407, %swap3A_1408], %swap3A_1411 {strides = array<i32>} : memref<8x128xi32, #tpu.memory_space<vmem>>, vector<1x16xi32>,
      %get3A_1412 = arith.constant 352 : index
      %get3A_1413 = tpu.vector_load %arg5[%get3A_1412] {strides = array<i32>} : memref<1024xi32, #tpu.memory_space<vmem>>, vector<16xi32>,
      %get3A_1414 = vector.shape_cast %get3A_1413 : vector<16xi32> to vector<16xi32>
      %get3A_1415 = arith.constant 352 : index
      %get3A_1416 = tpu.vector_load %arg6[%get3A_1415] {strides = array<i32>} : memref<1024xi32, #tpu.memory_space<vmem>>, vector<16xi32>,
      %get3A_1417 = vector.shape_cast %get3A_1416 : vector<16xi32> to vector<16xi32>
      %mul3A_1418 = arith.constant 64 : i32
      %mul3A_1419 = vector.broadcast %mul3A_1418 : i32 to vector<16xi32>
      %mul3A_1420 = arith.muli %get3A_1417, %mul3A_1419 : vector<16xi32>
      %add3A_1421 = arith.addi %mul3A_1420, %get3A_1414 : vector<16xi32>
      %swap3A_1422 = arith.constant 2 : i32
      %swap3A_1423 = arith.index_cast %swap3A_1422 : i32 to index
      %swap3A_1424 = arith.constant 96 : index
      %swap3A_1425 = tpu.vector_load %arg7[%swap3A_1423, %swap3A_1424] {strides = array<i32>} : memref<8x128xi32, #tpu.memory_space<vmem>>, vector<1x16xi32>,
      %swap3A_1426 = vector.shape_cast %swap3A_1425 : vector<1x16xi32> to vector<16xi32>
      %swap3A_1427 = vector.shape_cast %add3A_1421 : vector<16xi32> to vector<1x16xi32>
      tpu.vector_store %arg7[%swap3A_1423, %swap3A_1424], %swap3A_1427 {strides = array<i32>} : memref<8x128xi32, #tpu.memory_space<vmem>>, vector<1x16xi32>,
      %get3A_1428 = arith.constant 368 : index
      %get3A_1429 = tpu.vector_load %arg5[%get3A_1428] {strides = array<i32>} : memref<1024xi32, #tpu.memory_space<vmem>>, vector<16xi32>,
      %get3A_1430 = vector.shape_cast %get3A_1429 : vector<16xi32> to vector<16xi32>
      %get3A_1431 = arith.constant 368 : index
      %get3A_1432 = tpu.vector_load %arg6[%get3A_1431] {strides = array<i32>} : memref<1024xi32, #tpu.memory_space<vmem>>, vector<16xi32>,
      %get3A_1433 = vector.shape_cast %get3A_1432 : vector<16xi32> to vector<16xi32>
      %mul3A_1434 = arith.constant 64 : i32
      %mul3A_1435 = vector.broadcast %mul3A_1434 : i32 to vector<16xi32>
      %mul3A_1436 = arith.muli %get3A_1433, %mul3A_1435 : vector<16xi32>
      %add3A_1437 = arith.addi %mul3A_1436, %get3A_1430 : vector<16xi32>
      %swap3A_1438 = arith.constant 2 : i32
      %swap3A_1439 = arith.index_cast %swap3A_1438 : i32 to index
      %swap3A_1440 = arith.constant 112 : index
      %swap3A_1441 = tpu.vector_load %arg7[%swap3A_1439, %swap3A_1440] {strides = array<i32>} : memref<8x128xi32, #tpu.memory_space<vmem>>, vector<1x16xi32>,
      %swap3A_1442 = vector.shape_cast %swap3A_1441 : vector<1x16xi32> to vector<16xi32>
      %swap3A_1443 = vector.shape_cast %add3A_1437 : vector<16xi32> to vector<1x16xi32>
      tpu.vector_store %arg7[%swap3A_1439, %swap3A_1440], %swap3A_1443 {strides = array<i32>} : memref<8x128xi32, #tpu.memory_space<vmem>>, vector<1x16xi32>,
      %get3A_1444 = arith.constant 384 : index
      %get3A_1445 = tpu.vector_load %arg5[%get3A_1444] {strides = array<i32>} : memref<1024xi32, #tpu.memory_space<vmem>>, vector<16xi32>,
      %get3A_1446 = vector.shape_cast %get3A_1445 : vector<16xi32> to vector<16xi32>
      %get3A_1447 = arith.constant 384 : index
      %get3A_1448 = tpu.vector_load %arg6[%get3A_1447] {strides = array<i32>} : memref<1024xi32, #tpu.memory_space<vmem>>, vector<16xi32>,
      %get3A_1449 = vector.shape_cast %get3A_1448 : vector<16xi32> to vector<16xi32>
      %mul3A_1450 = arith.constant 64 : i32
      %mul3A_1451 = vector.broadcast %mul3A_1450 : i32 to vector<16xi32>
      %mul3A_1452 = arith.muli %get3A_1449, %mul3A_1451 : vector<16xi32>
      %add3A_1453 = arith.addi %mul3A_1452, %get3A_1446 : vector<16xi32>
      %swap3A_1454 = arith.constant 3 : i32
      %swap3A_1455 = arith.index_cast %swap3A_1454 : i32 to index
      %swap3A_1456 = arith.constant 0 : index
      %swap3A_1457 = tpu.vector_load %arg7[%swap3A_1455, %swap3A_1456] {strides = array<i32>} : memref<8x128xi32, #tpu.memory_space<vmem>>, vector<1x16xi32>,
      %swap3A_1458 = vector.shape_cast %swap3A_1457 : vector<1x16xi32> to vector<16xi32>
      %swap3A_1459 = vector.shape_cast %add3A_1453 : vector<16xi32> to vector<1x16xi32>
      tpu.vector_store %arg7[%swap3A_1455, %swap3A_1456], %swap3A_1459 {strides = array<i32>} : memref<8x128xi32, #tpu.memory_space<vmem>>, vector<1x16xi32>,
      %get3A_1460 = arith.constant 400 : index
      %get3A_1461 = tpu.vector_load %arg5[%get3A_1460] {strides = array<i32>} : memref<1024xi32, #tpu.memory_space<vmem>>, vector<16xi32>,
      %get3A_1462 = vector.shape_cast %get3A_1461 : vector<16xi32> to vector<16xi32>
      %get3A_1463 = arith.constant 400 : index
      %get3A_1464 = tpu.vector_load %arg6[%get3A_1463] {strides = array<i32>} : memref<1024xi32, #tpu.memory_space<vmem>>, vector<16xi32>,
      %get3A_1465 = vector.shape_cast %get3A_1464 : vector<16xi32> to vector<16xi32>
      %mul3A_1466 = arith.constant 64 : i32
      %mul3A_1467 = vector.broadcast %mul3A_1466 : i32 to vector<16xi32>
      %mul3A_1468 = arith.muli %get3A_1465, %mul3A_1467 : vector<16xi32>
      %add3A_1469 = arith.addi %mul3A_1468, %get3A_1462 : vector<16xi32>
      %swap3A_1470 = arith.constant 3 : i32
      %swap3A_1471 = arith.index_cast %swap3A_1470 : i32 to index
      %swap3A_1472 = arith.constant 16 : index
      %swap3A_1473 = tpu.vector_load %arg7[%swap3A_1471, %swap3A_1472] {strides = array<i32>} : memref<8x128xi32, #tpu.memory_space<vmem>>, vector<1x16xi32>,
      %swap3A_1474 = vector.shape_cast %swap3A_1473 : vector<1x16xi32> to vector<16xi32>
      %swap3A_1475 = vector.shape_cast %add3A_1469 : vector<16xi32> to vector<1x16xi32>
      tpu.vector_store %arg7[%swap3A_1471, %swap3A_1472], %swap3A_1475 {strides = array<i32>} : memref<8x128xi32, #tpu.memory_space<vmem>>, vector<1x16xi32>,
      %get3A_1476 = arith.constant 416 : index
      %get3A_1477 = tpu.vector_load %arg5[%get3A_1476] {strides = array<i32>} : memref<1024xi32, #tpu.memory_space<vmem>>, vector<16xi32>,
      %get3A_1478 = vector.shape_cast %get3A_1477 : vector<16xi32> to vector<16xi32>
      %get3A_1479 = arith.constant 416 : index
      %get3A_1480 = tpu.vector_load %arg6[%get3A_1479] {strides = array<i32>} : memref<1024xi32, #tpu.memory_space<vmem>>, vector<16xi32>,
      %get3A_1481 = vector.shape_cast %get3A_1480 : vector<16xi32> to vector<16xi32>
      %mul3A_1482 = arith.constant 64 : i32
      %mul3A_1483 = vector.broadcast %mul3A_1482 : i32 to vector<16xi32>
      %mul3A_1484 = arith.muli %get3A_1481, %mul3A_1483 : vector<16xi32>
      %add3A_1485 = arith.addi %mul3A_1484, %get3A_1478 : vector<16xi32>
      %swap3A_1486 = arith.constant 3 : i32
      %swap3A_1487 = arith.index_cast %swap3A_1486 : i32 to index
      %swap3A_1488 = arith.constant 32 : index
      %swap3A_1489 = tpu.vector_load %arg7[%swap3A_1487, %swap3A_1488] {strides = array<i32>} : memref<8x128xi32, #tpu.memory_space<vmem>>, vector<1x16xi32>,
      %swap3A_1490 = vector.shape_cast %swap3A_1489 : vector<1x16xi32> to vector<16xi32>
      %swap3A_1491 = vector.shape_cast %add3A_1485 : vector<16xi32> to vector<1x16xi32>
      tpu.vector_store %arg7[%swap3A_1487, %swap3A_1488], %swap3A_1491 {strides = array<i32>} : memref<8x128xi32, #tpu.memory_space<vmem>>, vector<1x16xi32>,
      %get3A_1492 = arith.constant 432 : index
      %get3A_1493 = tpu.vector_load %arg5[%get3A_1492] {strides = array<i32>} : memref<1024xi32, #tpu.memory_space<vmem>>, vector<16xi32>,
      %get3A_1494 = vector.shape_cast %get3A_1493 : vector<16xi32> to vector<16xi32>
      %get3A_1495 = arith.constant 432 : index
      %get3A_1496 = tpu.vector_load %arg6[%get3A_1495] {strides = array<i32>} : memref<1024xi32, #tpu.memory_space<vmem>>, vector<16xi32>,
      %get3A_1497 = vector.shape_cast %get3A_1496 : vector<16xi32> to vector<16xi32>
      %mul3A_1498 = arith.constant 64 : i32
      %mul3A_1499 = vector.broadcast %mul3A_1498 : i32 to vector<16xi32>
      %mul3A_1500 = arith.muli %get3A_1497, %mul3A_1499 : vector<16xi32>
      %add3A_1501 = arith.addi %mul3A_1500, %get3A_1494 : vector<16xi32>
      %swap3A_1502 = arith.constant 3 : i32
      %swap3A_1503 = arith.index_cast %swap3A_1502 : i32 to index
      %swap3A_1504 = arith.constant 48 : index
      %swap3A_1505 = tpu.vector_load %arg7[%swap3A_1503, %swap3A_1504] {strides = array<i32>} : memref<8x128xi32, #tpu.memory_space<vmem>>, vector<1x16xi32>,
      %swap3A_1506 = vector.shape_cast %swap3A_1505 : vector<1x16xi32> to vector<16xi32>
      %swap3A_1507 = vector.shape_cast %add3A_1501 : vector<16xi32> to vector<1x16xi32>
      tpu.vector_store %arg7[%swap3A_1503, %swap3A_1504], %swap3A_1507 {strides = array<i32>} : memref<8x128xi32, #tpu.memory_space<vmem>>, vector<1x16xi32>,
      %get3A_1508 = arith.constant 448 : index
      %get3A_1509 = tpu.vector_load %arg5[%get3A_1508] {strides = array<i32>} : memref<1024xi32, #tpu.memory_space<vmem>>, vector<16xi32>,
      %get3A_1510 = vector.shape_cast %get3A_1509 : vector<16xi32> to vector<16xi32>
      %get3A_1511 = arith.constant 448 : index
      %get3A_1512 = tpu.vector_load %arg6[%get3A_1511] {strides = array<i32>} : memref<1024xi32, #tpu.memory_space<vmem>>, vector<16xi32>,
      %get3A_1513 = vector.shape_cast %get3A_1512 : vector<16xi32> to vector<16xi32>
      %mul3A_1514 = arith.constant 64 : i32
      %mul3A_1515 = vector.broadcast %mul3A_1514 : i32 to vector<16xi32>
      %mul3A_1516 = arith.muli %get3A_1513, %mul3A_1515 : vector<16xi32>
      %add3A_1517 = arith.addi %mul3A_1516, %get3A_1510 : vector<16xi32>
      %swap3A_1518 = arith.constant 3 : i32
      %swap3A_1519 = arith.index_cast %swap3A_1518 : i32 to index
      %swap3A_1520 = arith.constant 64 : index
      %swap3A_1521 = tpu.vector_load %arg7[%swap3A_1519, %swap3A_1520] {strides = array<i32>} : memref<8x128xi32, #tpu.memory_space<vmem>>, vector<1x16xi32>,
      %swap3A_1522 = vector.shape_cast %swap3A_1521 : vector<1x16xi32> to vector<16xi32>
      %swap3A_1523 = vector.shape_cast %add3A_1517 : vector<16xi32> to vector<1x16xi32>
      tpu.vector_store %arg7[%swap3A_1519, %swap3A_1520], %swap3A_1523 {strides = array<i32>} : memref<8x128xi32, #tpu.memory_space<vmem>>, vector<1x16xi32>,
      %get3A_1524 = arith.constant 464 : index
      %get3A_1525 = tpu.vector_load %arg5[%get3A_1524] {strides = array<i32>} : memref<1024xi32, #tpu.memory_space<vmem>>, vector<16xi32>,
      %get3A_1526 = vector.shape_cast %get3A_1525 : vector<16xi32> to vector<16xi32>
      %get3A_1527 = arith.constant 464 : index
      %get3A_1528 = tpu.vector_load %arg6[%get3A_1527] {strides = array<i32>} : memref<1024xi32, #tpu.memory_space<vmem>>, vector<16xi32>,
      %get3A_1529 = vector.shape_cast %get3A_1528 : vector<16xi32> to vector<16xi32>
      %mul3A_1530 = arith.constant 64 : i32
      %mul3A_1531 = vector.broadcast %mul3A_1530 : i32 to vector<16xi32>
      %mul3A_1532 = arith.muli %get3A_1529, %mul3A_1531 : vector<16xi32>
      %add3A_1533 = arith.addi %mul3A_1532, %get3A_1526 : vector<16xi32>
      %swap3A_1534 = arith.constant 3 : i32
      %swap3A_1535 = arith.index_cast %swap3A_1534 : i32 to index
      %swap3A_1536 = arith.constant 80 : index
      %swap3A_1537 = tpu.vector_load %arg7[%swap3A_1535, %swap3A_1536] {strides = array<i32>} : memref<8x128xi32, #tpu.memory_space<vmem>>, vector<1x16xi32>,
      %swap3A_1538 = vector.shape_cast %swap3A_1537 : vector<1x16xi32> to vector<16xi32>
      %swap3A_1539 = vector.shape_cast %add3A_1533 : vector<16xi32> to vector<1x16xi32>
      tpu.vector_store %arg7[%swap3A_1535, %swap3A_1536], %swap3A_1539 {strides = array<i32>} : memref<8x128xi32, #tpu.memory_space<vmem>>, vector<1x16xi32>,
      %get3A_1540 = arith.constant 480 : index
      %get3A_1541 = tpu.vector_load %arg5[%get3A_1540] {strides = array<i32>} : memref<1024xi32, #tpu.memory_space<vmem>>, vector<16xi32>,
      %get3A_1542 = vector.shape_cast %get3A_1541 : vector<16xi32> to vector<16xi32>
      %get3A_1543 = arith.constant 480 : index
      %get3A_1544 = tpu.vector_load %arg6[%get3A_1543] {strides = array<i32>} : memref<1024xi32, #tpu.memory_space<vmem>>, vector<16xi32>,
      %get3A_1545 = vector.shape_cast %get3A_1544 : vector<16xi32> to vector<16xi32>
      %mul3A_1546 = arith.constant 64 : i32
      %mul3A_1547 = vector.broadcast %mul3A_1546 : i32 to vector<16xi32>
      %mul3A_1548 = arith.muli %get3A_1545, %mul3A_1547 : vector<16xi32>
      %add3A_1549 = arith.addi %mul3A_1548, %get3A_1542 : vector<16xi32>
      %swap3A_1550 = arith.constant 3 : i32
      %swap3A_1551 = arith.index_cast %swap3A_1550 : i32 to index
      %swap3A_1552 = arith.constant 96 : index
      %swap3A_1553 = tpu.vector_load %arg7[%swap3A_1551, %swap3A_1552] {strides = array<i32>} : memref<8x128xi32, #tpu.memory_space<vmem>>, vector<1x16xi32>,
      %swap3A_1554 = vector.shape_cast %swap3A_1553 : vector<1x16xi32> to vector<16xi32>
      %swap3A_1555 = vector.shape_cast %add3A_1549 : vector<16xi32> to vector<1x16xi32>
      tpu.vector_store %arg7[%swap3A_1551, %swap3A_1552], %swap3A_1555 {strides = array<i32>} : memref<8x128xi32, #tpu.memory_space<vmem>>, vector<1x16xi32>,
      %get3A_1556 = arith.constant 496 : index
      %get3A_1557 = tpu.vector_load %arg5[%get3A_1556] {strides = array<i32>} : memref<1024xi32, #tpu.memory_space<vmem>>, vector<16xi32>,
      %get3A_1558 = vector.shape_cast %get3A_1557 : vector<16xi32> to vector<16xi32>
      %get3A_1559 = arith.constant 496 : index
      %get3A_1560 = tpu.vector_load %arg6[%get3A_1559] {strides = array<i32>} : memref<1024xi32, #tpu.memory_space<vmem>>, vector<16xi32>,
      %get3A_1561 = vector.shape_cast %get3A_1560 : vector<16xi32> to vector<16xi32>
      %mul3A_1562 = arith.constant 64 : i32
      %mul3A_1563 = vector.broadcast %mul3A_1562 : i32 to vector<16xi32>
      %mul3A_1564 = arith.muli %get3A_1561, %mul3A_1563 : vector<16xi32>
      %add3A_1565 = arith.addi %mul3A_1564, %get3A_1558 : vector<16xi32>
      %swap3A_1566 = arith.constant 3 : i32
      %swap3A_1567 = arith.index_cast %swap3A_1566 : i32 to index
      %swap3A_1568 = arith.constant 112 : index
      %swap3A_1569 = tpu.vector_load %arg7[%swap3A_1567, %swap3A_1568] {strides = array<i32>} : memref<8x128xi32, #tpu.memory_space<vmem>>, vector<1x16xi32>,
      %swap3A_1570 = vector.shape_cast %swap3A_1569 : vector<1x16xi32> to vector<16xi32>
      %swap3A_1571 = vector.shape_cast %add3A_1565 : vector<16xi32> to vector<1x16xi32>
      tpu.vector_store %arg7[%swap3A_1567, %swap3A_1568], %swap3A_1571 {strides = array<i32>} : memref<8x128xi32, #tpu.memory_space<vmem>>, vector<1x16xi32>,
      %get3A_1572 = arith.constant 512 : index
      %get3A_1573 = tpu.vector_load %arg5[%get3A_1572] {strides = array<i32>} : memref<1024xi32, #tpu.memory_space<vmem>>, vector<16xi32>,
      %get3A_1574 = vector.shape_cast %get3A_1573 : vector<16xi32> to vector<16xi32>
      %get3A_1575 = arith.constant 512 : index
      %get3A_1576 = tpu.vector_load %arg6[%get3A_1575] {strides = array<i32>} : memref<1024xi32, #tpu.memory_space<vmem>>, vector<16xi32>,
      %get3A_1577 = vector.shape_cast %get3A_1576 : vector<16xi32> to vector<16xi32>
      %mul3A_1578 = arith.constant 64 : i32
      %mul3A_1579 = vector.broadcast %mul3A_1578 : i32 to vector<16xi32>
      %mul3A_1580 = arith.muli %get3A_1577, %mul3A_1579 : vector<16xi32>
      %add3A_1581 = arith.addi %mul3A_1580, %get3A_1574 : vector<16xi32>
      %swap3A_1582 = arith.constant 4 : i32
      %swap3A_1583 = arith.index_cast %swap3A_1582 : i32 to index
      %swap3A_1584 = arith.constant 0 : index
      %swap3A_1585 = tpu.vector_load %arg7[%swap3A_1583, %swap3A_1584] {strides = array<i32>} : memref<8x128xi32, #tpu.memory_space<vmem>>, vector<1x16xi32>,
      %swap3A_1586 = vector.shape_cast %swap3A_1585 : vector<1x16xi32> to vector<16xi32>
      %swap3A_1587 = vector.shape_cast %add3A_1581 : vector<16xi32> to vector<1x16xi32>
      tpu.vector_store %arg7[%swap3A_1583, %swap3A_1584], %swap3A_1587 {strides = array<i32>} : memref<8x128xi32, #tpu.memory_space<vmem>>, vector<1x16xi32>,
      %get3A_1588 = arith.constant 528 : index
      %get3A_1589 = tpu.vector_load %arg5[%get3A_1588] {strides = array<i32>} : memref<1024xi32, #tpu.memory_space<vmem>>, vector<16xi32>,
      %get3A_1590 = vector.shape_cast %get3A_1589 : vector<16xi32> to vector<16xi32>
      %get3A_1591 = arith.constant 528 : index
      %get3A_1592 = tpu.vector_load %arg6[%get3A_1591] {strides = array<i32>} : memref<1024xi32, #tpu.memory_space<vmem>>, vector<16xi32>,
      %get3A_1593 = vector.shape_cast %get3A_1592 : vector<16xi32> to vector<16xi32>
      %mul3A_1594 = arith.constant 64 : i32
      %mul3A_1595 = vector.broadcast %mul3A_1594 : i32 to vector<16xi32>
      %mul3A_1596 = arith.muli %get3A_1593, %mul3A_1595 : vector<16xi32>
      %add3A_1597 = arith.addi %mul3A_1596, %get3A_1590 : vector<16xi32>
      %swap3A_1598 = arith.constant 4 : i32
      %swap3A_1599 = arith.index_cast %swap3A_1598 : i32 to index
      %swap3A_1600 = arith.constant 16 : index
      %swap3A_1601 = tpu.vector_load %arg7[%swap3A_1599, %swap3A_1600] {strides = array<i32>} : memref<8x128xi32, #tpu.memory_space<vmem>>, vector<1x16xi32>,
      %swap3A_1602 = vector.shape_cast %swap3A_1601 : vector<1x16xi32> to vector<16xi32>
      %swap3A_1603 = vector.shape_cast %add3A_1597 : vector<16xi32> to vector<1x16xi32>
      tpu.vector_store %arg7[%swap3A_1599, %swap3A_1600], %swap3A_1603 {strides = array<i32>} : memref<8x128xi32, #tpu.memory_space<vmem>>, vector<1x16xi32>,
      %get3A_1604 = arith.constant 544 : index
      %get3A_1605 = tpu.vector_load %arg5[%get3A_1604] {strides = array<i32>} : memref<1024xi32, #tpu.memory_space<vmem>>, vector<16xi32>,
      %get3A_1606 = vector.shape_cast %get3A_1605 : vector<16xi32> to vector<16xi32>
      %get3A_1607 = arith.constant 544 : index
      %get3A_1608 = tpu.vector_load %arg6[%get3A_1607] {strides = array<i32>} : memref<1024xi32, #tpu.memory_space<vmem>>, vector<16xi32>,
      %get3A_1609 = vector.shape_cast %get3A_1608 : vector<16xi32> to vector<16xi32>
      %mul3A_1610 = arith.constant 64 : i32
      %mul3A_1611 = vector.broadcast %mul3A_1610 : i32 to vector<16xi32>
      %mul3A_1612 = arith.muli %get3A_1609, %mul3A_1611 : vector<16xi32>
      %add3A_1613 = arith.addi %mul3A_1612, %get3A_1606 : vector<16xi32>
      %swap3A_1614 = arith.constant 4 : i32
      %swap3A_1615 = arith.index_cast %swap3A_1614 : i32 to index
      %swap3A_1616 = arith.constant 32 : index
      %swap3A_1617 = tpu.vector_load %arg7[%swap3A_1615, %swap3A_1616] {strides = array<i32>} : memref<8x128xi32, #tpu.memory_space<vmem>>, vector<1x16xi32>,
      %swap3A_1618 = vector.shape_cast %swap3A_1617 : vector<1x16xi32> to vector<16xi32>
      %swap3A_1619 = vector.shape_cast %add3A_1613 : vector<16xi32> to vector<1x16xi32>
      tpu.vector_store %arg7[%swap3A_1615, %swap3A_1616], %swap3A_1619 {strides = array<i32>} : memref<8x128xi32, #tpu.memory_space<vmem>>, vector<1x16xi32>,
      %get3A_1620 = arith.constant 560 : index
      %get3A_1621 = tpu.vector_load %arg5[%get3A_1620] {strides = array<i32>} : memref<1024xi32, #tpu.memory_space<vmem>>, vector<16xi32>,
      %get3A_1622 = vector.shape_cast %get3A_1621 : vector<16xi32> to vector<16xi32>
      %get3A_1623 = arith.constant 560 : index
      %get3A_1624 = tpu.vector_load %arg6[%get3A_1623] {strides = array<i32>} : memref<1024xi32, #tpu.memory_space<vmem>>, vector<16xi32>,
      %get3A_1625 = vector.shape_cast %get3A_1624 : vector<16xi32> to vector<16xi32>
      %mul3A_1626 = arith.constant 64 : i32
      %mul3A_1627 = vector.broadcast %mul3A_1626 : i32 to vector<16xi32>
      %mul3A_1628 = arith.muli %get3A_1625, %mul3A_1627 : vector<16xi32>
      %add3A_1629 = arith.addi %mul3A_1628, %get3A_1622 : vector<16xi32>
      %swap3A_1630 = arith.constant 4 : i32
      %swap3A_1631 = arith.index_cast %swap3A_1630 : i32 to index
      %swap3A_1632 = arith.constant 48 : index
      %swap3A_1633 = tpu.vector_load %arg7[%swap3A_1631, %swap3A_1632] {strides = array<i32>} : memref<8x128xi32, #tpu.memory_space<vmem>>, vector<1x16xi32>,
      %swap3A_1634 = vector.shape_cast %swap3A_1633 : vector<1x16xi32> to vector<16xi32>
      %swap3A_1635 = vector.shape_cast %add3A_1629 : vector<16xi32> to vector<1x16xi32>
      tpu.vector_store %arg7[%swap3A_1631, %swap3A_1632], %swap3A_1635 {strides = array<i32>} : memref<8x128xi32, #tpu.memory_space<vmem>>, vector<1x16xi32>,
      %get3A_1636 = arith.constant 576 : index
      %get3A_1637 = tpu.vector_load %arg5[%get3A_1636] {strides = array<i32>} : memref<1024xi32, #tpu.memory_space<vmem>>, vector<16xi32>,
      %get3A_1638 = vector.shape_cast %get3A_1637 : vector<16xi32> to vector<16xi32>
      %get3A_1639 = arith.constant 576 : index
      %get3A_1640 = tpu.vector_load %arg6[%get3A_1639] {strides = array<i32>} : memref<1024xi32, #tpu.memory_space<vmem>>, vector<16xi32>,
      %get3A_1641 = vector.shape_cast %get3A_1640 : vector<16xi32> to vector<16xi32>
      %mul3A_1642 = arith.constant 64 : i32
      %mul3A_1643 = vector.broadcast %mul3A_1642 : i32 to vector<16xi32>
      %mul3A_1644 = arith.muli %get3A_1641, %mul3A_1643 : vector<16xi32>
      %add3A_1645 = arith.addi %mul3A_1644, %get3A_1638 : vector<16xi32>
      %swap3A_1646 = arith.constant 4 : i32
      %swap3A_1647 = arith.index_cast %swap3A_1646 : i32 to index
      %swap3A_1648 = arith.constant 64 : index
      %swap3A_1649 = tpu.vector_load %arg7[%swap3A_1647, %swap3A_1648] {strides = array<i32>} : memref<8x128xi32, #tpu.memory_space<vmem>>, vector<1x16xi32>,
      %swap3A_1650 = vector.shape_cast %swap3A_1649 : vector<1x16xi32> to vector<16xi32>
      %swap3A_1651 = vector.shape_cast %add3A_1645 : vector<16xi32> to vector<1x16xi32>
      tpu.vector_store %arg7[%swap3A_1647, %swap3A_1648], %swap3A_1651 {strides = array<i32>} : memref<8x128xi32, #tpu.memory_space<vmem>>, vector<1x16xi32>,
      %get3A_1652 = arith.constant 592 : index
      %get3A_1653 = tpu.vector_load %arg5[%get3A_1652] {strides = array<i32>} : memref<1024xi32, #tpu.memory_space<vmem>>, vector<16xi32>,
      %get3A_1654 = vector.shape_cast %get3A_1653 : vector<16xi32> to vector<16xi32>
      %get3A_1655 = arith.constant 592 : index
      %get3A_1656 = tpu.vector_load %arg6[%get3A_1655] {strides = array<i32>} : memref<1024xi32, #tpu.memory_space<vmem>>, vector<16xi32>,
      %get3A_1657 = vector.shape_cast %get3A_1656 : vector<16xi32> to vector<16xi32>
      %mul3A_1658 = arith.constant 64 : i32
      %mul3A_1659 = vector.broadcast %mul3A_1658 : i32 to vector<16xi32>
      %mul3A_1660 = arith.muli %get3A_1657, %mul3A_1659 : vector<16xi32>
      %add3A_1661 = arith.addi %mul3A_1660, %get3A_1654 : vector<16xi32>
      %swap3A_1662 = arith.constant 4 : i32
      %swap3A_1663 = arith.index_cast %swap3A_1662 : i32 to index
      %swap3A_1664 = arith.constant 80 : index
      %swap3A_1665 = tpu.vector_load %arg7[%swap3A_1663, %swap3A_1664] {strides = array<i32>} : memref<8x128xi32, #tpu.memory_space<vmem>>, vector<1x16xi32>,
      %swap3A_1666 = vector.shape_cast %swap3A_1665 : vector<1x16xi32> to vector<16xi32>
      %swap3A_1667 = vector.shape_cast %add3A_1661 : vector<16xi32> to vector<1x16xi32>
      tpu.vector_store %arg7[%swap3A_1663, %swap3A_1664], %swap3A_1667 {strides = array<i32>} : memref<8x128xi32, #tpu.memory_space<vmem>>, vector<1x16xi32>,
      %get3A_1668 = arith.constant 608 : index
      %get3A_1669 = tpu.vector_load %arg5[%get3A_1668] {strides = array<i32>} : memref<1024xi32, #tpu.memory_space<vmem>>, vector<16xi32>,
      %get3A_1670 = vector.shape_cast %get3A_1669 : vector<16xi32> to vector<16xi32>
      %get3A_1671 = arith.constant 608 : index
      %get3A_1672 = tpu.vector_load %arg6[%get3A_1671] {strides = array<i32>} : memref<1024xi32, #tpu.memory_space<vmem>>, vector<16xi32>,
      %get3A_1673 = vector.shape_cast %get3A_1672 : vector<16xi32> to vector<16xi32>
      %mul3A_1674 = arith.constant 64 : i32
      %mul3A_1675 = vector.broadcast %mul3A_1674 : i32 to vector<16xi32>
      %mul3A_1676 = arith.muli %get3A_1673, %mul3A_1675 : vector<16xi32>
      %add3A_1677 = arith.addi %mul3A_1676, %get3A_1670 : vector<16xi32>
      %swap3A_1678 = arith.constant 4 : i32
      %swap3A_1679 = arith.index_cast %swap3A_1678 : i32 to index
      %swap3A_1680 = arith.constant 96 : index
      %swap3A_1681 = tpu.vector_load %arg7[%swap3A_1679, %swap3A_1680] {strides = array<i32>} : memref<8x128xi32, #tpu.memory_space<vmem>>, vector<1x16xi32>,
      %swap3A_1682 = vector.shape_cast %swap3A_1681 : vector<1x16xi32> to vector<16xi32>
      %swap3A_1683 = vector.shape_cast %add3A_1677 : vector<16xi32> to vector<1x16xi32>
      tpu.vector_store %arg7[%swap3A_1679, %swap3A_1680], %swap3A_1683 {strides = array<i32>} : memref<8x128xi32, #tpu.memory_space<vmem>>, vector<1x16xi32>,
      %get3A_1684 = arith.constant 624 : index
      %get3A_1685 = tpu.vector_load %arg5[%get3A_1684] {strides = array<i32>} : memref<1024xi32, #tpu.memory_space<vmem>>, vector<16xi32>,
      %get3A_1686 = vector.shape_cast %get3A_1685 : vector<16xi32> to vector<16xi32>
      %get3A_1687 = arith.constant 624 : index
      %get3A_1688 = tpu.vector_load %arg6[%get3A_1687] {strides = array<i32>} : memref<1024xi32, #tpu.memory_space<vmem>>, vector<16xi32>,
      %get3A_1689 = vector.shape_cast %get3A_1688 : vector<16xi32> to vector<16xi32>
      %mul3A_1690 = arith.constant 64 : i32
      %mul3A_1691 = vector.broadcast %mul3A_1690 : i32 to vector<16xi32>
      %mul3A_1692 = arith.muli %get3A_1689, %mul3A_1691 : vector<16xi32>
      %add3A_1693 = arith.addi %mul3A_1692, %get3A_1686 : vector<16xi32>
      %swap3A_1694 = arith.constant 4 : i32
      %swap3A_1695 = arith.index_cast %swap3A_1694 : i32 to index
      %swap3A_1696 = arith.constant 112 : index
      %swap3A_1697 = tpu.vector_load %arg7[%swap3A_1695, %swap3A_1696] {strides = array<i32>} : memref<8x128xi32, #tpu.memory_space<vmem>>, vector<1x16xi32>,
      %swap3A_1698 = vector.shape_cast %swap3A_1697 : vector<1x16xi32> to vector<16xi32>
      %swap3A_1699 = vector.shape_cast %add3A_1693 : vector<16xi32> to vector<1x16xi32>
      tpu.vector_store %arg7[%swap3A_1695, %swap3A_1696], %swap3A_1699 {strides = array<i32>} : memref<8x128xi32, #tpu.memory_space<vmem>>, vector<1x16xi32>,
      %get3A_1700 = arith.constant 640 : index
      %get3A_1701 = tpu.vector_load %arg5[%get3A_1700] {strides = array<i32>} : memref<1024xi32, #tpu.memory_space<vmem>>, vector<16xi32>,
      %get3A_1702 = vector.shape_cast %get3A_1701 : vector<16xi32> to vector<16xi32>
      %get3A_1703 = arith.constant 640 : index
      %get3A_1704 = tpu.vector_load %arg6[%get3A_1703] {strides = array<i32>} : memref<1024xi32, #tpu.memory_space<vmem>>, vector<16xi32>,
      %get3A_1705 = vector.shape_cast %get3A_1704 : vector<16xi32> to vector<16xi32>
      %mul3A_1706 = arith.constant 64 : i32
      %mul3A_1707 = vector.broadcast %mul3A_1706 : i32 to vector<16xi32>
      %mul3A_1708 = arith.muli %get3A_1705, %mul3A_1707 : vector<16xi32>
      %add3A_1709 = arith.addi %mul3A_1708, %get3A_1702 : vector<16xi32>
      %swap3A_1710 = arith.constant 5 : i32
      %swap3A_1711 = arith.index_cast %swap3A_1710 : i32 to index
      %swap3A_1712 = arith.constant 0 : index
      %swap3A_1713 = tpu.vector_load %arg7[%swap3A_1711, %swap3A_1712] {strides = array<i32>} : memref<8x128xi32, #tpu.memory_space<vmem>>, vector<1x16xi32>,
      %swap3A_1714 = vector.shape_cast %swap3A_1713 : vector<1x16xi32> to vector<16xi32>
      %swap3A_1715 = vector.shape_cast %add3A_1709 : vector<16xi32> to vector<1x16xi32>
      tpu.vector_store %arg7[%swap3A_1711, %swap3A_1712], %swap3A_1715 {strides = array<i32>} : memref<8x128xi32, #tpu.memory_space<vmem>>, vector<1x16xi32>,
      %get3A_1716 = arith.constant 656 : index
      %get3A_1717 = tpu.vector_load %arg5[%get3A_1716] {strides = array<i32>} : memref<1024xi32, #tpu.memory_space<vmem>>, vector<16xi32>,
      %get3A_1718 = vector.shape_cast %get3A_1717 : vector<16xi32> to vector<16xi32>
      %get3A_1719 = arith.constant 656 : index
      %get3A_1720 = tpu.vector_load %arg6[%get3A_1719] {strides = array<i32>} : memref<1024xi32, #tpu.memory_space<vmem>>, vector<16xi32>,
      %get3A_1721 = vector.shape_cast %get3A_1720 : vector<16xi32> to vector<16xi32>
      %mul3A_1722 = arith.constant 64 : i32
      %mul3A_1723 = vector.broadcast %mul3A_1722 : i32 to vector<16xi32>
      %mul3A_1724 = arith.muli %get3A_1721, %mul3A_1723 : vector<16xi32>
      %add3A_1725 = arith.addi %mul3A_1724, %get3A_1718 : vector<16xi32>
      %swap3A_1726 = arith.constant 5 : i32
      %swap3A_1727 = arith.index_cast %swap3A_1726 : i32 to index
      %swap3A_1728 = arith.constant 16 : index
      %swap3A_1729 = tpu.vector_load %arg7[%swap3A_1727, %swap3A_1728] {strides = array<i32>} : memref<8x128xi32, #tpu.memory_space<vmem>>, vector<1x16xi32>,
      %swap3A_1730 = vector.shape_cast %swap3A_1729 : vector<1x16xi32> to vector<16xi32>
      %swap3A_1731 = vector.shape_cast %add3A_1725 : vector<16xi32> to vector<1x16xi32>
      tpu.vector_store %arg7[%swap3A_1727, %swap3A_1728], %swap3A_1731 {strides = array<i32>} : memref<8x128xi32, #tpu.memory_space<vmem>>, vector<1x16xi32>,
      %get3A_1732 = arith.constant 672 : index
      %get3A_1733 = tpu.vector_load %arg5[%get3A_1732] {strides = array<i32>} : memref<1024xi32, #tpu.memory_space<vmem>>, vector<16xi32>,
      %get3A_1734 = vector.shape_cast %get3A_1733 : vector<16xi32> to vector<16xi32>
      %get3A_1735 = arith.constant 672 : index
      %get3A_1736 = tpu.vector_load %arg6[%get3A_1735] {strides = array<i32>} : memref<1024xi32, #tpu.memory_space<vmem>>, vector<16xi32>,
      %get3A_1737 = vector.shape_cast %get3A_1736 : vector<16xi32> to vector<16xi32>
      %mul3A_1738 = arith.constant 64 : i32
      %mul3A_1739 = vector.broadcast %mul3A_1738 : i32 to vector<16xi32>
      %mul3A_1740 = arith.muli %get3A_1737, %mul3A_1739 : vector<16xi32>
      %add3A_1741 = arith.addi %mul3A_1740, %get3A_1734 : vector<16xi32>
      %swap3A_1742 = arith.constant 5 : i32
      %swap3A_1743 = arith.index_cast %swap3A_1742 : i32 to index
      %swap3A_1744 = arith.constant 32 : index
      %swap3A_1745 = tpu.vector_load %arg7[%swap3A_1743, %swap3A_1744] {strides = array<i32>} : memref<8x128xi32, #tpu.memory_space<vmem>>, vector<1x16xi32>,
      %swap3A_1746 = vector.shape_cast %swap3A_1745 : vector<1x16xi32> to vector<16xi32>
      %swap3A_1747 = vector.shape_cast %add3A_1741 : vector<16xi32> to vector<1x16xi32>
      tpu.vector_store %arg7[%swap3A_1743, %swap3A_1744], %swap3A_1747 {strides = array<i32>} : memref<8x128xi32, #tpu.memory_space<vmem>>, vector<1x16xi32>,
      %get3A_1748 = arith.constant 688 : index
      %get3A_1749 = tpu.vector_load %arg5[%get3A_1748] {strides = array<i32>} : memref<1024xi32, #tpu.memory_space<vmem>>, vector<16xi32>,
      %get3A_1750 = vector.shape_cast %get3A_1749 : vector<16xi32> to vector<16xi32>
      %get3A_1751 = arith.constant 688 : index
      %get3A_1752 = tpu.vector_load %arg6[%get3A_1751] {strides = array<i32>} : memref<1024xi32, #tpu.memory_space<vmem>>, vector<16xi32>,
      %get3A_1753 = vector.shape_cast %get3A_1752 : vector<16xi32> to vector<16xi32>
      %mul3A_1754 = arith.constant 64 : i32
      %mul3A_1755 = vector.broadcast %mul3A_1754 : i32 to vector<16xi32>
      %mul3A_1756 = arith.muli %get3A_1753, %mul3A_1755 : vector<16xi32>
      %add3A_1757 = arith.addi %mul3A_1756, %get3A_1750 : vector<16xi32>
      %swap3A_1758 = arith.constant 5 : i32
      %swap3A_1759 = arith.index_cast %swap3A_1758 : i32 to index
      %swap3A_1760 = arith.constant 48 : index
      %swap3A_1761 = tpu.vector_load %arg7[%swap3A_1759, %swap3A_1760] {strides = array<i32>} : memref<8x128xi32, #tpu.memory_space<vmem>>, vector<1x16xi32>,
      %swap3A_1762 = vector.shape_cast %swap3A_1761 : vector<1x16xi32> to vector<16xi32>
      %swap3A_1763 = vector.shape_cast %add3A_1757 : vector<16xi32> to vector<1x16xi32>
      tpu.vector_store %arg7[%swap3A_1759, %swap3A_1760], %swap3A_1763 {strides = array<i32>} : memref<8x128xi32, #tpu.memory_space<vmem>>, vector<1x16xi32>,
      %get3A_1764 = arith.constant 704 : index
      %get3A_1765 = tpu.vector_load %arg5[%get3A_1764] {strides = array<i32>} : memref<1024xi32, #tpu.memory_space<vmem>>, vector<16xi32>,
      %get3A_1766 = vector.shape_cast %get3A_1765 : vector<16xi32> to vector<16xi32>
      %get3A_1767 = arith.constant 704 : index
      %get3A_1768 = tpu.vector_load %arg6[%get3A_1767] {strides = array<i32>} : memref<1024xi32, #tpu.memory_space<vmem>>, vector<16xi32>,
      %get3A_1769 = vector.shape_cast %get3A_1768 : vector<16xi32> to vector<16xi32>
      %mul3A_1770 = arith.constant 64 : i32
      %mul3A_1771 = vector.broadcast %mul3A_1770 : i32 to vector<16xi32>
      %mul3A_1772 = arith.muli %get3A_1769, %mul3A_1771 : vector<16xi32>
      %add3A_1773 = arith.addi %mul3A_1772, %get3A_1766 : vector<16xi32>
      %swap3A_1774 = arith.constant 5 : i32
      %swap3A_1775 = arith.index_cast %swap3A_1774 : i32 to index
      %swap3A_1776 = arith.constant 64 : index
      %swap3A_1777 = tpu.vector_load %arg7[%swap3A_1775, %swap3A_1776] {strides = array<i32>} : memref<8x128xi32, #tpu.memory_space<vmem>>, vector<1x16xi32>,
      %swap3A_1778 = vector.shape_cast %swap3A_1777 : vector<1x16xi32> to vector<16xi32>
      %swap3A_1779 = vector.shape_cast %add3A_1773 : vector<16xi32> to vector<1x16xi32>
      tpu.vector_store %arg7[%swap3A_1775, %swap3A_1776], %swap3A_1779 {strides = array<i32>} : memref<8x128xi32, #tpu.memory_space<vmem>>, vector<1x16xi32>,
      %get3A_1780 = arith.constant 720 : index
      %get3A_1781 = tpu.vector_load %arg5[%get3A_1780] {strides = array<i32>} : memref<1024xi32, #tpu.memory_space<vmem>>, vector<16xi32>,
      %get3A_1782 = vector.shape_cast %get3A_1781 : vector<16xi32> to vector<16xi32>
      %get3A_1783 = arith.constant 720 : index
      %get3A_1784 = tpu.vector_load %arg6[%get3A_1783] {strides = array<i32>} : memref<1024xi32, #tpu.memory_space<vmem>>, vector<16xi32>,
      %get3A_1785 = vector.shape_cast %get3A_1784 : vector<16xi32> to vector<16xi32>
      %mul3A_1786 = arith.constant 64 : i32
      %mul3A_1787 = vector.broadcast %mul3A_1786 : i32 to vector<16xi32>
      %mul3A_1788 = arith.muli %get3A_1785, %mul3A_1787 : vector<16xi32>
      %add3A_1789 = arith.addi %mul3A_1788, %get3A_1782 : vector<16xi32>
      %swap3A_1790 = arith.constant 5 : i32
      %swap3A_1791 = arith.index_cast %swap3A_1790 : i32 to index
      %swap3A_1792 = arith.constant 80 : index
      %swap3A_1793 = tpu.vector_load %arg7[%swap3A_1791, %swap3A_1792] {strides = array<i32>} : memref<8x128xi32, #tpu.memory_space<vmem>>, vector<1x16xi32>,
      %swap3A_1794 = vector.shape_cast %swap3A_1793 : vector<1x16xi32> to vector<16xi32>
      %swap3A_1795 = vector.shape_cast %add3A_1789 : vector<16xi32> to vector<1x16xi32>
      tpu.vector_store %arg7[%swap3A_1791, %swap3A_1792], %swap3A_1795 {strides = array<i32>} : memref<8x128xi32, #tpu.memory_space<vmem>>, vector<1x16xi32>,
      %get3A_1796 = arith.constant 736 : index
      %get3A_1797 = tpu.vector_load %arg5[%get3A_1796] {strides = array<i32>} : memref<1024xi32, #tpu.memory_space<vmem>>, vector<16xi32>,
      %get3A_1798 = vector.shape_cast %get3A_1797 : vector<16xi32> to vector<16xi32>
      %get3A_1799 = arith.constant 736 : index
      %get3A_1800 = tpu.vector_load %arg6[%get3A_1799] {strides = array<i32>} : memref<1024xi32, #tpu.memory_space<vmem>>, vector<16xi32>,
      %get3A_1801 = vector.shape_cast %get3A_1800 : vector<16xi32> to vector<16xi32>
      %mul3A_1802 = arith.constant 64 : i32
      %mul3A_1803 = vector.broadcast %mul3A_1802 : i32 to vector<16xi32>
      %mul3A_1804 = arith.muli %get3A_1801, %mul3A_1803 : vector<16xi32>
      %add3A_1805 = arith.addi %mul3A_1804, %get3A_1798 : vector<16xi32>
      %swap3A_1806 = arith.constant 5 : i32
      %swap3A_1807 = arith.index_cast %swap3A_1806 : i32 to index
      %swap3A_1808 = arith.constant 96 : index
      %swap3A_1809 = tpu.vector_load %arg7[%swap3A_1807, %swap3A_1808] {strides = array<i32>} : memref<8x128xi32, #tpu.memory_space<vmem>>, vector<1x16xi32>,
      %swap3A_1810 = vector.shape_cast %swap3A_1809 : vector<1x16xi32> to vector<16xi32>
      %swap3A_1811 = vector.shape_cast %add3A_1805 : vector<16xi32> to vector<1x16xi32>
      tpu.vector_store %arg7[%swap3A_1807, %swap3A_1808], %swap3A_1811 {strides = array<i32>} : memref<8x128xi32, #tpu.memory_space<vmem>>, vector<1x16xi32>,
      %get3A_1812 = arith.constant 752 : index
      %get3A_1813 = tpu.vector_load %arg5[%get3A_1812] {strides = array<i32>} : memref<1024xi32, #tpu.memory_space<vmem>>, vector<16xi32>,
      %get3A_1814 = vector.shape_cast %get3A_1813 : vector<16xi32> to vector<16xi32>
      %get3A_1815 = arith.constant 752 : index
      %get3A_1816 = tpu.vector_load %arg6[%get3A_1815] {strides = array<i32>} : memref<1024xi32, #tpu.memory_space<vmem>>, vector<16xi32>,
      %get3A_1817 = vector.shape_cast %get3A_1816 : vector<16xi32> to vector<16xi32>
      %mul3A_1818 = arith.constant 64 : i32
      %mul3A_1819 = vector.broadcast %mul3A_1818 : i32 to vector<16xi32>
      %mul3A_1820 = arith.muli %get3A_1817, %mul3A_1819 : vector<16xi32>
      %add3A_1821 = arith.addi %mul3A_1820, %get3A_1814 : vector<16xi32>
      %swap3A_1822 = arith.constant 5 : i32
      %swap3A_1823 = arith.index_cast %swap3A_1822 : i32 to index
      %swap3A_1824 = arith.constant 112 : index
      %swap3A_1825 = tpu.vector_load %arg7[%swap3A_1823, %swap3A_1824] {strides = array<i32>} : memref<8x128xi32, #tpu.memory_space<vmem>>, vector<1x16xi32>,
      %swap3A_1826 = vector.shape_cast %swap3A_1825 : vector<1x16xi32> to vector<16xi32>
      %swap3A_1827 = vector.shape_cast %add3A_1821 : vector<16xi32> to vector<1x16xi32>
      tpu.vector_store %arg7[%swap3A_1823, %swap3A_1824], %swap3A_1827 {strides = array<i32>} : memref<8x128xi32, #tpu.memory_space<vmem>>, vector<1x16xi32>,
      %get3A_1828 = arith.constant 768 : index
      %get3A_1829 = tpu.vector_load %arg5[%get3A_1828] {strides = array<i32>} : memref<1024xi32, #tpu.memory_space<vmem>>, vector<16xi32>,
      %get3A_1830 = vector.shape_cast %get3A_1829 : vector<16xi32> to vector<16xi32>
      %get3A_1831 = arith.constant 768 : index
      %get3A_1832 = tpu.vector_load %arg6[%get3A_1831] {strides = array<i32>} : memref<1024xi32, #tpu.memory_space<vmem>>, vector<16xi32>,
      %get3A_1833 = vector.shape_cast %get3A_1832 : vector<16xi32> to vector<16xi32>
      %mul3A_1834 = arith.constant 64 : i32
      %mul3A_1835 = vector.broadcast %mul3A_1834 : i32 to vector<16xi32>
      %mul3A_1836 = arith.muli %get3A_1833, %mul3A_1835 : vector<16xi32>
      %add3A_1837 = arith.addi %mul3A_1836, %get3A_1830 : vector<16xi32>
      %swap3A_1838 = arith.constant 6 : i32
      %swap3A_1839 = arith.index_cast %swap3A_1838 : i32 to index
      %swap3A_1840 = arith.constant 0 : index
      %swap3A_1841 = tpu.vector_load %arg7[%swap3A_1839, %swap3A_1840] {strides = array<i32>} : memref<8x128xi32, #tpu.memory_space<vmem>>, vector<1x16xi32>,
      %swap3A_1842 = vector.shape_cast %swap3A_1841 : vector<1x16xi32> to vector<16xi32>
      %swap3A_1843 = vector.shape_cast %add3A_1837 : vector<16xi32> to vector<1x16xi32>
      tpu.vector_store %arg7[%swap3A_1839, %swap3A_1840], %swap3A_1843 {strides = array<i32>} : memref<8x128xi32, #tpu.memory_space<vmem>>, vector<1x16xi32>,
      %get3A_1844 = arith.constant 784 : index
      %get3A_1845 = tpu.vector_load %arg5[%get3A_1844] {strides = array<i32>} : memref<1024xi32, #tpu.memory_space<vmem>>, vector<16xi32>,
      %get3A_1846 = vector.shape_cast %get3A_1845 : vector<16xi32> to vector<16xi32>
      %get3A_1847 = arith.constant 784 : index
      %get3A_1848 = tpu.vector_load %arg6[%get3A_1847] {strides = array<i32>} : memref<1024xi32, #tpu.memory_space<vmem>>, vector<16xi32>,
      %get3A_1849 = vector.shape_cast %get3A_1848 : vector<16xi32> to vector<16xi32>
      %mul3A_1850 = arith.constant 64 : i32
      %mul3A_1851 = vector.broadcast %mul3A_1850 : i32 to vector<16xi32>
      %mul3A_1852 = arith.muli %get3A_1849, %mul3A_1851 : vector<16xi32>
      %add3A_1853 = arith.addi %mul3A_1852, %get3A_1846 : vector<16xi32>
      %swap3A_1854 = arith.constant 6 : i32
      %swap3A_1855 = arith.index_cast %swap3A_1854 : i32 to index
      %swap3A_1856 = arith.constant 16 : index
      %swap3A_1857 = tpu.vector_load %arg7[%swap3A_1855, %swap3A_1856] {strides = array<i32>} : memref<8x128xi32, #tpu.memory_space<vmem>>, vector<1x16xi32>,
      %swap3A_1858 = vector.shape_cast %swap3A_1857 : vector<1x16xi32> to vector<16xi32>
      %swap3A_1859 = vector.shape_cast %add3A_1853 : vector<16xi32> to vector<1x16xi32>
      tpu.vector_store %arg7[%swap3A_1855, %swap3A_1856], %swap3A_1859 {strides = array<i32>} : memref<8x128xi32, #tpu.memory_space<vmem>>, vector<1x16xi32>,
      %get3A_1860 = arith.constant 800 : index
      %get3A_1861 = tpu.vector_load %arg5[%get3A_1860] {strides = array<i32>} : memref<1024xi32, #tpu.memory_space<vmem>>, vector<16xi32>,
      %get3A_1862 = vector.shape_cast %get3A_1861 : vector<16xi32> to vector<16xi32>
      %get3A_1863 = arith.constant 800 : index
      %get3A_1864 = tpu.vector_load %arg6[%get3A_1863] {strides = array<i32>} : memref<1024xi32, #tpu.memory_space<vmem>>, vector<16xi32>,
      %get3A_1865 = vector.shape_cast %get3A_1864 : vector<16xi32> to vector<16xi32>
      %mul3A_1866 = arith.constant 64 : i32
      %mul3A_1867 = vector.broadcast %mul3A_1866 : i32 to vector<16xi32>
      %mul3A_1868 = arith.muli %get3A_1865, %mul3A_1867 : vector<16xi32>
      %add3A_1869 = arith.addi %mul3A_1868, %get3A_1862 : vector<16xi32>
      %swap3A_1870 = arith.constant 6 : i32
      %swap3A_1871 = arith.index_cast %swap3A_1870 : i32 to index
      %swap3A_1872 = arith.constant 32 : index
      %swap3A_1873 = tpu.vector_load %arg7[%swap3A_1871, %swap3A_1872] {strides = array<i32>} : memref<8x128xi32, #tpu.memory_space<vmem>>, vector<1x16xi32>,
      %swap3A_1874 = vector.shape_cast %swap3A_1873 : vector<1x16xi32> to vector<16xi32>
      %swap3A_1875 = vector.shape_cast %add3A_1869 : vector<16xi32> to vector<1x16xi32>
      tpu.vector_store %arg7[%swap3A_1871, %swap3A_1872], %swap3A_1875 {strides = array<i32>} : memref<8x128xi32, #tpu.memory_space<vmem>>, vector<1x16xi32>,
      %get3A_1876 = arith.constant 816 : index
      %get3A_1877 = tpu.vector_load %arg5[%get3A_1876] {strides = array<i32>} : memref<1024xi32, #tpu.memory_space<vmem>>, vector<16xi32>,
      %get3A_1878 = vector.shape_cast %get3A_1877 : vector<16xi32> to vector<16xi32>
      %get3A_1879 = arith.constant 816 : index
      %get3A_1880 = tpu.vector_load %arg6[%get3A_1879] {strides = array<i32>} : memref<1024xi32, #tpu.memory_space<vmem>>, vector<16xi32>,
      %get3A_1881 = vector.shape_cast %get3A_1880 : vector<16xi32> to vector<16xi32>
      %mul3A_1882 = arith.constant 64 : i32
      %mul3A_1883 = vector.broadcast %mul3A_1882 : i32 to vector<16xi32>
      %mul3A_1884 = arith.muli %get3A_1881, %mul3A_1883 : vector<16xi32>
      %add3A_1885 = arith.addi %mul3A_1884, %get3A_1878 : vector<16xi32>
      %swap3A_1886 = arith.constant 6 : i32
      %swap3A_1887 = arith.index_cast %swap3A_1886 : i32 to index
      %swap3A_1888 = arith.constant 48 : index
      %swap3A_1889 = tpu.vector_load %arg7[%swap3A_1887, %swap3A_1888] {strides = array<i32>} : memref<8x128xi32, #tpu.memory_space<vmem>>, vector<1x16xi32>,
      %swap3A_1890 = vector.shape_cast %swap3A_1889 : vector<1x16xi32> to vector<16xi32>
      %swap3A_1891 = vector.shape_cast %add3A_1885 : vector<16xi32> to vector<1x16xi32>
      tpu.vector_store %arg7[%swap3A_1887, %swap3A_1888], %swap3A_1891 {strides = array<i32>} : memref<8x128xi32, #tpu.memory_space<vmem>>, vector<1x16xi32>,
      %get3A_1892 = arith.constant 832 : index
      %get3A_1893 = tpu.vector_load %arg5[%get3A_1892] {strides = array<i32>} : memref<1024xi32, #tpu.memory_space<vmem>>, vector<16xi32>,
      %get3A_1894 = vector.shape_cast %get3A_1893 : vector<16xi32> to vector<16xi32>
      %get3A_1895 = arith.constant 832 : index
      %get3A_1896 = tpu.vector_load %arg6[%get3A_1895] {strides = array<i32>} : memref<1024xi32, #tpu.memory_space<vmem>>, vector<16xi32>,
      %get3A_1897 = vector.shape_cast %get3A_1896 : vector<16xi32> to vector<16xi32>
      %mul3A_1898 = arith.constant 64 : i32
      %mul3A_1899 = vector.broadcast %mul3A_1898 : i32 to vector<16xi32>
      %mul3A_1900 = arith.muli %get3A_1897, %mul3A_1899 : vector<16xi32>
      %add3A_1901 = arith.addi %mul3A_1900, %get3A_1894 : vector<16xi32>
      %swap3A_1902 = arith.constant 6 : i32
      %swap3A_1903 = arith.index_cast %swap3A_1902 : i32 to index
      %swap3A_1904 = arith.constant 64 : index
      %swap3A_1905 = tpu.vector_load %arg7[%swap3A_1903, %swap3A_1904] {strides = array<i32>} : memref<8x128xi32, #tpu.memory_space<vmem>>, vector<1x16xi32>,
      %swap3A_1906 = vector.shape_cast %swap3A_1905 : vector<1x16xi32> to vector<16xi32>
      %swap3A_1907 = vector.shape_cast %add3A_1901 : vector<16xi32> to vector<1x16xi32>
      tpu.vector_store %arg7[%swap3A_1903, %swap3A_1904], %swap3A_1907 {strides = array<i32>} : memref<8x128xi32, #tpu.memory_space<vmem>>, vector<1x16xi32>,
      %get3A_1908 = arith.constant 848 : index
      %get3A_1909 = tpu.vector_load %arg5[%get3A_1908] {strides = array<i32>} : memref<1024xi32, #tpu.memory_space<vmem>>, vector<16xi32>,
      %get3A_1910 = vector.shape_cast %get3A_1909 : vector<16xi32> to vector<16xi32>
      %get3A_1911 = arith.constant 848 : index
      %get3A_1912 = tpu.vector_load %arg6[%get3A_1911] {strides = array<i32>} : memref<1024xi32, #tpu.memory_space<vmem>>, vector<16xi32>,
      %get3A_1913 = vector.shape_cast %get3A_1912 : vector<16xi32> to vector<16xi32>
      %mul3A_1914 = arith.constant 64 : i32
      %mul3A_1915 = vector.broadcast %mul3A_1914 : i32 to vector<16xi32>
      %mul3A_1916 = arith.muli %get3A_1913, %mul3A_1915 : vector<16xi32>
      %add3A_1917 = arith.addi %mul3A_1916, %get3A_1910 : vector<16xi32>
      %swap3A_1918 = arith.constant 6 : i32
      %swap3A_1919 = arith.index_cast %swap3A_1918 : i32 to index
      %swap3A_1920 = arith.constant 80 : index
      %swap3A_1921 = tpu.vector_load %arg7[%swap3A_1919, %swap3A_1920] {strides = array<i32>} : memref<8x128xi32, #tpu.memory_space<vmem>>, vector<1x16xi32>,
      %swap3A_1922 = vector.shape_cast %swap3A_1921 : vector<1x16xi32> to vector<16xi32>
      %swap3A_1923 = vector.shape_cast %add3A_1917 : vector<16xi32> to vector<1x16xi32>
      tpu.vector_store %arg7[%swap3A_1919, %swap3A_1920], %swap3A_1923 {strides = array<i32>} : memref<8x128xi32, #tpu.memory_space<vmem>>, vector<1x16xi32>,
      %get3A_1924 = arith.constant 864 : index
      %get3A_1925 = tpu.vector_load %arg5[%get3A_1924] {strides = array<i32>} : memref<1024xi32, #tpu.memory_space<vmem>>, vector<16xi32>,
      %get3A_1926 = vector.shape_cast %get3A_1925 : vector<16xi32> to vector<16xi32>
      %get3A_1927 = arith.constant 864 : index
      %get3A_1928 = tpu.vector_load %arg6[%get3A_1927] {strides = array<i32>} : memref<1024xi32, #tpu.memory_space<vmem>>, vector<16xi32>,
      %get3A_1929 = vector.shape_cast %get3A_1928 : vector<16xi32> to vector<16xi32>
      %mul3A_1930 = arith.constant 64 : i32
      %mul3A_1931 = vector.broadcast %mul3A_1930 : i32 to vector<16xi32>
      %mul3A_1932 = arith.muli %get3A_1929, %mul3A_1931 : vector<16xi32>
      %add3A_1933 = arith.addi %mul3A_1932, %get3A_1926 : vector<16xi32>
      %swap3A_1934 = arith.constant 6 : i32
      %swap3A_1935 = arith.index_cast %swap3A_1934 : i32 to index
      %swap3A_1936 = arith.constant 96 : index
      %swap3A_1937 = tpu.vector_load %arg7[%swap3A_1935, %swap3A_1936] {strides = array<i32>} : memref<8x128xi32, #tpu.memory_space<vmem>>, vector<1x16xi32>,
      %swap3A_1938 = vector.shape_cast %swap3A_1937 : vector<1x16xi32> to vector<16xi32>
      %swap3A_1939 = vector.shape_cast %add3A_1933 : vector<16xi32> to vector<1x16xi32>
      tpu.vector_store %arg7[%swap3A_1935, %swap3A_1936], %swap3A_1939 {strides = array<i32>} : memref<8x128xi32, #tpu.memory_space<vmem>>, vector<1x16xi32>,
      %get3A_1940 = arith.constant 880 : index
      %get3A_1941 = tpu.vector_load %arg5[%get3A_1940] {strides = array<i32>} : memref<1024xi32, #tpu.memory_space<vmem>>, vector<16xi32>,
      %get3A_1942 = vector.shape_cast %get3A_1941 : vector<16xi32> to vector<16xi32>
      %get3A_1943 = arith.constant 880 : index
      %get3A_1944 = tpu.vector_load %arg6[%get3A_1943] {strides = array<i32>} : memref<1024xi32, #tpu.memory_space<vmem>>, vector<16xi32>,
      %get3A_1945 = vector.shape_cast %get3A_1944 : vector<16xi32> to vector<16xi32>
      %mul3A_1946 = arith.constant 64 : i32
      %mul3A_1947 = vector.broadcast %mul3A_1946 : i32 to vector<16xi32>
      %mul3A_1948 = arith.muli %get3A_1945, %mul3A_1947 : vector<16xi32>
      %add3A_1949 = arith.addi %mul3A_1948, %get3A_1942 : vector<16xi32>
      %swap3A_1950 = arith.constant 6 : i32
      %swap3A_1951 = arith.index_cast %swap3A_1950 : i32 to index
      %swap3A_1952 = arith.constant 112 : index
      %swap3A_1953 = tpu.vector_load %arg7[%swap3A_1951, %swap3A_1952] {strides = array<i32>} : memref<8x128xi32, #tpu.memory_space<vmem>>, vector<1x16xi32>,
      %swap3A_1954 = vector.shape_cast %swap3A_1953 : vector<1x16xi32> to vector<16xi32>
      %swap3A_1955 = vector.shape_cast %add3A_1949 : vector<16xi32> to vector<1x16xi32>
      tpu.vector_store %arg7[%swap3A_1951, %swap3A_1952], %swap3A_1955 {strides = array<i32>} : memref<8x128xi32, #tpu.memory_space<vmem>>, vector<1x16xi32>,
      %get3A_1956 = arith.constant 896 : index
      %get3A_1957 = tpu.vector_load %arg5[%get3A_1956] {strides = array<i32>} : memref<1024xi32, #tpu.memory_space<vmem>>, vector<16xi32>,
      %get3A_1958 = vector.shape_cast %get3A_1957 : vector<16xi32> to vector<16xi32>
      %get3A_1959 = arith.constant 896 : index
      %get3A_1960 = tpu.vector_load %arg6[%get3A_1959] {strides = array<i32>} : memref<1024xi32, #tpu.memory_space<vmem>>, vector<16xi32>,
      %get3A_1961 = vector.shape_cast %get3A_1960 : vector<16xi32> to vector<16xi32>
      %mul3A_1962 = arith.constant 64 : i32
      %mul3A_1963 = vector.broadcast %mul3A_1962 : i32 to vector<16xi32>
      %mul3A_1964 = arith.muli %get3A_1961, %mul3A_1963 : vector<16xi32>
      %add3A_1965 = arith.addi %mul3A_1964, %get3A_1958 : vector<16xi32>
      %swap3A_1966 = arith.constant 7 : i32
      %swap3A_1967 = arith.index_cast %swap3A_1966 : i32 to index
      %swap3A_1968 = arith.constant 0 : index
      %swap3A_1969 = tpu.vector_load %arg7[%swap3A_1967, %swap3A_1968] {strides = array<i32>} : memref<8x128xi32, #tpu.memory_space<vmem>>, vector<1x16xi32>,
      %swap3A_1970 = vector.shape_cast %swap3A_1969 : vector<1x16xi32> to vector<16xi32>
      %swap3A_1971 = vector.shape_cast %add3A_1965 : vector<16xi32> to vector<1x16xi32>
      tpu.vector_store %arg7[%swap3A_1967, %swap3A_1968], %swap3A_1971 {strides = array<i32>} : memref<8x128xi32, #tpu.memory_space<vmem>>, vector<1x16xi32>,
      %get3A_1972 = arith.constant 912 : index
      %get3A_1973 = tpu.vector_load %arg5[%get3A_1972] {strides = array<i32>} : memref<1024xi32, #tpu.memory_space<vmem>>, vector<16xi32>,
      %get3A_1974 = vector.shape_cast %get3A_1973 : vector<16xi32> to vector<16xi32>
      %get3A_1975 = arith.constant 912 : index
      %get3A_1976 = tpu.vector_load %arg6[%get3A_1975] {strides = array<i32>} : memref<1024xi32, #tpu.memory_space<vmem>>, vector<16xi32>,
      %get3A_1977 = vector.shape_cast %get3A_1976 : vector<16xi32> to vector<16xi32>
      %mul3A_1978 = arith.constant 64 : i32
      %mul3A_1979 = vector.broadcast %mul3A_1978 : i32 to vector<16xi32>
      %mul3A_1980 = arith.muli %get3A_1977, %mul3A_1979 : vector<16xi32>
      %add3A_1981 = arith.addi %mul3A_1980, %get3A_1974 : vector<16xi32>
      %swap3A_1982 = arith.constant 7 : i32
      %swap3A_1983 = arith.index_cast %swap3A_1982 : i32 to index
      %swap3A_1984 = arith.constant 16 : index
      %swap3A_1985 = tpu.vector_load %arg7[%swap3A_1983, %swap3A_1984] {strides = array<i32>} : memref<8x128xi32, #tpu.memory_space<vmem>>, vector<1x16xi32>,
      %swap3A_1986 = vector.shape_cast %swap3A_1985 : vector<1x16xi32> to vector<16xi32>
      %swap3A_1987 = vector.shape_cast %add3A_1981 : vector<16xi32> to vector<1x16xi32>
      tpu.vector_store %arg7[%swap3A_1983, %swap3A_1984], %swap3A_1987 {strides = array<i32>} : memref<8x128xi32, #tpu.memory_space<vmem>>, vector<1x16xi32>,
      %get3A_1988 = arith.constant 928 : index
      %get3A_1989 = tpu.vector_load %arg5[%get3A_1988] {strides = array<i32>} : memref<1024xi32, #tpu.memory_space<vmem>>, vector<16xi32>,
      %get3A_1990 = vector.shape_cast %get3A_1989 : vector<16xi32> to vector<16xi32>
      %get3A_1991 = arith.constant 928 : index
      %get3A_1992 = tpu.vector_load %arg6[%get3A_1991] {strides = array<i32>} : memref<1024xi32, #tpu.memory_space<vmem>>, vector<16xi32>,
      %get3A_1993 = vector.shape_cast %get3A_1992 : vector<16xi32> to vector<16xi32>
      %mul3A_1994 = arith.constant 64 : i32
      %mul3A_1995 = vector.broadcast %mul3A_1994 : i32 to vector<16xi32>
      %mul3A_1996 = arith.muli %get3A_1993, %mul3A_1995 : vector<16xi32>
      %add3A_1997 = arith.addi %mul3A_1996, %get3A_1990 : vector<16xi32>
      %swap3A_1998 = arith.constant 7 : i32
      %swap3A_1999 = arith.index_cast %swap3A_1998 : i32 to index
      %swap3A_2000 = arith.constant 32 : index
      %swap3A_2001 = tpu.vector_load %arg7[%swap3A_1999, %swap3A_2000] {strides = array<i32>} : memref<8x128xi32, #tpu.memory_space<vmem>>, vector<1x16xi32>,
      %swap3A_2002 = vector.shape_cast %swap3A_2001 : vector<1x16xi32> to vector<16xi32>
      %swap3A_2003 = vector.shape_cast %add3A_1997 : vector<16xi32> to vector<1x16xi32>
      tpu.vector_store %arg7[%swap3A_1999, %swap3A_2000], %swap3A_2003 {strides = array<i32>} : memref<8x128xi32, #tpu.memory_space<vmem>>, vector<1x16xi32>,
      %get3A_2004 = arith.constant 944 : index
      %get3A_2005 = tpu.vector_load %arg5[%get3A_2004] {strides = array<i32>} : memref<1024xi32, #tpu.memory_space<vmem>>, vector<16xi32>,
      %get3A_2006 = vector.shape_cast %get3A_2005 : vector<16xi32> to vector<16xi32>
      %get3A_2007 = arith.constant 944 : index
      %get3A_2008 = tpu.vector_load %arg6[%get3A_2007] {strides = array<i32>} : memref<1024xi32, #tpu.memory_space<vmem>>, vector<16xi32>,
      %get3A_2009 = vector.shape_cast %get3A_2008 : vector<16xi32> to vector<16xi32>
      %mul3A_2010 = arith.constant 64 : i32
      %mul3A_2011 = vector.broadcast %mul3A_2010 : i32 to vector<16xi32>
      %mul3A_2012 = arith.muli %get3A_2009, %mul3A_2011 : vector<16xi32>
      %add3A_2013 = arith.addi %mul3A_2012, %get3A_2006 : vector<16xi32>
      %swap3A_2014 = arith.constant 7 : i32
      %swap3A_2015 = arith.index_cast %swap3A_2014 : i32 to index
      %swap3A_2016 = arith.constant 48 : index
      %swap3A_2017 = tpu.vector_load %arg7[%swap3A_2015, %swap3A_2016] {strides = array<i32>} : memref<8x128xi32, #tpu.memory_space<vmem>>, vector<1x16xi32>,
      %swap3A_2018 = vector.shape_cast %swap3A_2017 : vector<1x16xi32> to vector<16xi32>
      %swap3A_2019 = vector.shape_cast %add3A_2013 : vector<16xi32> to vector<1x16xi32>
      tpu.vector_store %arg7[%swap3A_2015, %swap3A_2016], %swap3A_2019 {strides = array<i32>} : memref<8x128xi32, #tpu.memory_space<vmem>>, vector<1x16xi32>,
      %get3A_2020 = arith.constant 960 : index
      %get3A_2021 = tpu.vector_load %arg5[%get3A_2020] {strides = array<i32>} : memref<1024xi32, #tpu.memory_space<vmem>>, vector<16xi32>,
      %get3A_2022 = vector.shape_cast %get3A_2021 : vector<16xi32> to vector<16xi32>
      %get3A_2023 = arith.constant 960 : index
      %get3A_2024 = tpu.vector_load %arg6[%get3A_2023] {strides = array<i32>} : memref<1024xi32, #tpu.memory_space<vmem>>, vector<16xi32>,
      %get3A_2025 = vector.shape_cast %get3A_2024 : vector<16xi32> to vector<16xi32>
      %mul3A_2026 = arith.constant 64 : i32
      %mul3A_2027 = vector.broadcast %mul3A_2026 : i32 to vector<16xi32>
      %mul3A_2028 = arith.muli %get3A_2025, %mul3A_2027 : vector<16xi32>
      %add3A_2029 = arith.addi %mul3A_2028, %get3A_2022 : vector<16xi32>
      %swap3A_2030 = arith.constant 7 : i32
      %swap3A_2031 = arith.index_cast %swap3A_2030 : i32 to index
      %swap3A_2032 = arith.constant 64 : index
      %swap3A_2033 = tpu.vector_load %arg7[%swap3A_2031, %swap3A_2032] {strides = array<i32>} : memref<8x128xi32, #tpu.memory_space<vmem>>, vector<1x16xi32>,
      %swap3A_2034 = vector.shape_cast %swap3A_2033 : vector<1x16xi32> to vector<16xi32>
      %swap3A_2035 = vector.shape_cast %add3A_2029 : vector<16xi32> to vector<1x16xi32>
      tpu.vector_store %arg7[%swap3A_2031, %swap3A_2032], %swap3A_2035 {strides = array<i32>} : memref<8x128xi32, #tpu.memory_space<vmem>>, vector<1x16xi32>,
      %get3A_2036 = arith.constant 976 : index
      %get3A_2037 = tpu.vector_load %arg5[%get3A_2036] {strides = array<i32>} : memref<1024xi32, #tpu.memory_space<vmem>>, vector<16xi32>,
      %get3A_2038 = vector.shape_cast %get3A_2037 : vector<16xi32> to vector<16xi32>
      %get3A_2039 = arith.constant 976 : index
      %get3A_2040 = tpu.vector_load %arg6[%get3A_2039] {strides = array<i32>} : memref<1024xi32, #tpu.memory_space<vmem>>, vector<16xi32>,
      %get3A_2041 = vector.shape_cast %get3A_2040 : vector<16xi32> to vector<16xi32>
      %mul3A_2042 = arith.constant 64 : i32
      %mul3A_2043 = vector.broadcast %mul3A_2042 : i32 to vector<16xi32>
      %mul3A_2044 = arith.muli %get3A_2041, %mul3A_2043 : vector<16xi32>
      %add3A_2045 = arith.addi %mul3A_2044, %get3A_2038 : vector<16xi32>
      %swap3A_2046 = arith.constant 7 : i32
      %swap3A_2047 = arith.index_cast %swap3A_2046 : i32 to index
      %swap3A_2048 = arith.constant 80 : index
      %swap3A_2049 = tpu.vector_load %arg7[%swap3A_2047, %swap3A_2048] {strides = array<i32>} : memref<8x128xi32, #tpu.memory_space<vmem>>, vector<1x16xi32>,
      %swap3A_2050 = vector.shape_cast %swap3A_2049 : vector<1x16xi32> to vector<16xi32>
      %swap3A_2051 = vector.shape_cast %add3A_2045 : vector<16xi32> to vector<1x16xi32>
      tpu.vector_store %arg7[%swap3A_2047, %swap3A_2048], %swap3A_2051 {strides = array<i32>} : memref<8x128xi32, #tpu.memory_space<vmem>>, vector<1x16xi32>,
      %get3A_2052 = arith.constant 992 : index
      %get3A_2053 = tpu.vector_load %arg5[%get3A_2052] {strides = array<i32>} : memref<1024xi32, #tpu.memory_space<vmem>>, vector<16xi32>,
      %get3A_2054 = vector.shape_cast %get3A_2053 : vector<16xi32> to vector<16xi32>
      %get3A_2055 = arith.constant 992 : index
      %get3A_2056 = tpu.vector_load %arg6[%get3A_2055] {strides = array<i32>} : memref<1024xi32, #tpu.memory_space<vmem>>, vector<16xi32>,
      %get3A_2057 = vector.shape_cast %get3A_2056 : vector<16xi32> to vector<16xi32>
      %mul3A_2058 = arith.constant 64 : i32
      %mul3A_2059 = vector.broadcast %mul3A_2058 : i32 to vector<16xi32>
      %mul3A_2060 = arith.muli %get3A_2057, %mul3A_2059 : vector<16xi32>
      %add3A_2061 = arith.addi %mul3A_2060, %get3A_2054 : vector<16xi32>
      %swap3A_2062 = arith.constant 7 : i32
      %swap3A_2063 = arith.index_cast %swap3A_2062 : i32 to index
      %swap3A_2064 = arith.constant 96 : index
      %swap3A_2065 = tpu.vector_load %arg7[%swap3A_2063, %swap3A_2064] {strides = array<i32>} : memref<8x128xi32, #tpu.memory_space<vmem>>, vector<1x16xi32>,
      %swap3A_2066 = vector.shape_cast %swap3A_2065 : vector<1x16xi32> to vector<16xi32>
      %swap3A_2067 = vector.shape_cast %add3A_2061 : vector<16xi32> to vector<1x16xi32>
      tpu.vector_store %arg7[%swap3A_2063, %swap3A_2064], %swap3A_2067 {strides = array<i32>} : memref<8x128xi32, #tpu.memory_space<vmem>>, vector<1x16xi32>,
      %get3A_2068 = arith.constant 1008 : index
      %get3A_2069 = tpu.vector_load %arg5[%get3A_2068] {strides = array<i32>} : memref<1024xi32, #tpu.memory_space<vmem>>, vector<16xi32>,
      %get3A_2070 = vector.shape_cast %get3A_2069 : vector<16xi32> to vector<16xi32>
      %get3A_2071 = arith.constant 1008 : index
      %get3A_2072 = tpu.vector_load %arg6[%get3A_2071] {strides = array<i32>} : memref<1024xi32, #tpu.memory_space<vmem>>, vector<16xi32>,
      %get3A_2073 = vector.shape_cast %get3A_2072 : vector<16xi32> to vector<16xi32>
      %mul3A_2074 = arith.constant 64 : i32
      %mul3A_2075 = vector.broadcast %mul3A_2074 : i32 to vector<16xi32>
      %mul3A_2076 = arith.muli %get3A_2073, %mul3A_2075 : vector<16xi32>
      %add3A_2077 = arith.addi %mul3A_2076, %get3A_2070 : vector<16xi32>
      %swap3A_2078 = arith.constant 7 : i32
      %swap3A_2079 = arith.index_cast %swap3A_2078 : i32 to index
      %swap3A_2080 = arith.constant 112 : index
      %swap3A_2081 = tpu.vector_load %arg7[%swap3A_2079, %swap3A_2080] {strides = array<i32>} : memref<8x128xi32, #tpu.memory_space<vmem>>, vector<1x16xi32>,
      %swap3A_2082 = vector.shape_cast %swap3A_2081 : vector<1x16xi32> to vector<16xi32>
      %swap3A_2083 = vector.shape_cast %add3A_2077 : vector<16xi32> to vector<1x16xi32>
      tpu.vector_store %arg7[%swap3A_2079, %swap3A_2080], %swap3A_2083 {strides = array<i32>} : memref<8x128xi32, #tpu.memory_space<vmem>>, vector<1x16xi32>,
      %run_scoped3A = arith.constant 0 : i32
      "tpu.region"() ({
        %run_scoped3A_2091 = tpu.sem_alloc : memref<!tpu.dma_semaphore, #tpu.memory_space<semaphore_mem>>
        %dma_start3A = arith.constant 0 : i32
        %dma_start3A_2092 = tpu.memref_slice %arg7[%run_scoped3A, %dma_start3A] : memref<8x128xi32, #tpu.memory_space<vmem>> -> memref<1x128xi32, #tpu.memory_space<vmem>>
        %dma_start3A_2093 = tpu.memref_squeeze %dma_start3A_2092 : memref<1x128xi32, #tpu.memory_space<vmem>> -> memref<128xi32, #tpu.memory_space<vmem>>
        %dma_start3A_2094 = arith.constant 0 : i32
        %dma_start3A_2095 = tpu.memref_slice %arg10[%dma_start3A_2094] : memref<4096xf32, #tpu.memory_space<vmem_shared>> -> memref<4096xf32, #tpu.memory_space<vmem_shared>>
        tpu.enqueue_indirect_dma source(%arg8 : memref<128xf32, #tpu.memory_space<vmem>>) target(%dma_start3A_2095 : memref<4096xf32, #tpu.memory_space<vmem_shared>>) offsets(%dma_start3A_2093 : memref<128xi32, #tpu.memory_space<vmem>>) semaphore(%run_scoped3A_2091 : memref<!tpu.dma_semaphore, #tpu.memory_space<semaphore_mem>>) {add = true}
        %dma_wait3A = arith.constant 0 : i32
        %dma_wait3A_2096 = tpu.memref_slice %arg7[%run_scoped3A, %dma_wait3A] : memref<8x128xi32, #tpu.memory_space<vmem>> -> memref<1x128xi32, #tpu.memory_space<vmem>>
        %dma_wait3A_2097 = tpu.memref_squeeze %dma_wait3A_2096 : memref<1x128xi32, #tpu.memory_space<vmem>> -> memref<128xi32, #tpu.memory_space<vmem>>
        %dma_wait3A_2098 = arith.constant 0 : i32
        %dma_wait3A_2099 = tpu.memref_slice %arg10[%dma_wait3A_2098] : memref<4096xf32, #tpu.memory_space<vmem_shared>> -> memref<4096xf32, #tpu.memory_space<vmem_shared>>
        tpu.wait_indirect_dma semaphore(%run_scoped3A_2091 : memref<!tpu.dma_semaphore, #tpu.memory_space<semaphore_mem>>) src(%arg8 : memref<128xf32, #tpu.memory_space<vmem>>) dst(%dma_wait3A_2099 : memref<4096xf32, #tpu.memory_space<vmem_shared>>)
        tpu.yield
      }) : () -> ()
      %run_scoped3A_2084 = arith.constant 1 : i32
      "tpu.region"() ({
        %run_scoped3A_2091 = tpu.sem_alloc : memref<!tpu.dma_semaphore, #tpu.memory_space<semaphore_mem>>
        %dma_start3A = arith.constant 0 : i32
        %dma_start3A_2092 = tpu.memref_slice %arg7[%run_scoped3A_2084, %dma_start3A] : memref<8x128xi32, #tpu.memory_space<vmem>> -> memref<1x128xi32, #tpu.memory_space<vmem>>
        %dma_start3A_2093 = tpu.memref_squeeze %dma_start3A_2092 : memref<1x128xi32, #tpu.memory_space<vmem>> -> memref<128xi32, #tpu.memory_space<vmem>>
        %dma_start3A_2094 = arith.constant 0 : i32
        %dma_start3A_2095 = tpu.memref_slice %arg10[%dma_start3A_2094] : memref<4096xf32, #tpu.memory_space<vmem_shared>> -> memref<4096xf32, #tpu.memory_space<vmem_shared>>
        tpu.enqueue_indirect_dma source(%arg8 : memref<128xf32, #tpu.memory_space<vmem>>) target(%dma_start3A_2095 : memref<4096xf32, #tpu.memory_space<vmem_shared>>) offsets(%dma_start3A_2093 : memref<128xi32, #tpu.memory_space<vmem>>) semaphore(%run_scoped3A_2091 : memref<!tpu.dma_semaphore, #tpu.memory_space<semaphore_mem>>) {add = true}
        %dma_wait3A = arith.constant 0 : i32
        %dma_wait3A_2096 = tpu.memref_slice %arg7[%run_scoped3A_2084, %dma_wait3A] : memref<8x128xi32, #tpu.memory_space<vmem>> -> memref<1x128xi32, #tpu.memory_space<vmem>>
        %dma_wait3A_2097 = tpu.memref_squeeze %dma_wait3A_2096 : memref<1x128xi32, #tpu.memory_space<vmem>> -> memref<128xi32, #tpu.memory_space<vmem>>
        %dma_wait3A_2098 = arith.constant 0 : i32
        %dma_wait3A_2099 = tpu.memref_slice %arg10[%dma_wait3A_2098] : memref<4096xf32, #tpu.memory_space<vmem_shared>> -> memref<4096xf32, #tpu.memory_space<vmem_shared>>
        tpu.wait_indirect_dma semaphore(%run_scoped3A_2091 : memref<!tpu.dma_semaphore, #tpu.memory_space<semaphore_mem>>) src(%arg8 : memref<128xf32, #tpu.memory_space<vmem>>) dst(%dma_wait3A_2099 : memref<4096xf32, #tpu.memory_space<vmem_shared>>)
        tpu.yield
      }) : () -> ()
      %run_scoped3A_2085 = arith.constant 2 : i32
      "tpu.region"() ({
        %run_scoped3A_2091 = tpu.sem_alloc : memref<!tpu.dma_semaphore, #tpu.memory_space<semaphore_mem>>
        %dma_start3A = arith.constant 0 : i32
        %dma_start3A_2092 = tpu.memref_slice %arg7[%run_scoped3A_2085, %dma_start3A] : memref<8x128xi32, #tpu.memory_space<vmem>> -> memref<1x128xi32, #tpu.memory_space<vmem>>
        %dma_start3A_2093 = tpu.memref_squeeze %dma_start3A_2092 : memref<1x128xi32, #tpu.memory_space<vmem>> -> memref<128xi32, #tpu.memory_space<vmem>>
        %dma_start3A_2094 = arith.constant 0 : i32
        %dma_start3A_2095 = tpu.memref_slice %arg10[%dma_start3A_2094] : memref<4096xf32, #tpu.memory_space<vmem_shared>> -> memref<4096xf32, #tpu.memory_space<vmem_shared>>
        tpu.enqueue_indirect_dma source(%arg8 : memref<128xf32, #tpu.memory_space<vmem>>) target(%dma_start3A_2095 : memref<4096xf32, #tpu.memory_space<vmem_shared>>) offsets(%dma_start3A_2093 : memref<128xi32, #tpu.memory_space<vmem>>) semaphore(%run_scoped3A_2091 : memref<!tpu.dma_semaphore, #tpu.memory_space<semaphore_mem>>) {add = true}
        %dma_wait3A = arith.constant 0 : i32
        %dma_wait3A_2096 = tpu.memref_slice %arg7[%run_scoped3A_2085, %dma_wait3A] : memref<8x128xi32, #tpu.memory_space<vmem>> -> memref<1x128xi32, #tpu.memory_space<vmem>>
        %dma_wait3A_2097 = tpu.memref_squeeze %dma_wait3A_2096 : memref<1x128xi32, #tpu.memory_space<vmem>> -> memref<128xi32, #tpu.memory_space<vmem>>
        %dma_wait3A_2098 = arith.constant 0 : i32
        %dma_wait3A_2099 = tpu.memref_slice %arg10[%dma_wait3A_2098] : memref<4096xf32, #tpu.memory_space<vmem_shared>> -> memref<4096xf32, #tpu.memory_space<vmem_shared>>
        tpu.wait_indirect_dma semaphore(%run_scoped3A_2091 : memref<!tpu.dma_semaphore, #tpu.memory_space<semaphore_mem>>) src(%arg8 : memref<128xf32, #tpu.memory_space<vmem>>) dst(%dma_wait3A_2099 : memref<4096xf32, #tpu.memory_space<vmem_shared>>)
        tpu.yield
      }) : () -> ()
      %run_scoped3A_2086 = arith.constant 3 : i32
      "tpu.region"() ({
        %run_scoped3A_2091 = tpu.sem_alloc : memref<!tpu.dma_semaphore, #tpu.memory_space<semaphore_mem>>
        %dma_start3A = arith.constant 0 : i32
        %dma_start3A_2092 = tpu.memref_slice %arg7[%run_scoped3A_2086, %dma_start3A] : memref<8x128xi32, #tpu.memory_space<vmem>> -> memref<1x128xi32, #tpu.memory_space<vmem>>
        %dma_start3A_2093 = tpu.memref_squeeze %dma_start3A_2092 : memref<1x128xi32, #tpu.memory_space<vmem>> -> memref<128xi32, #tpu.memory_space<vmem>>
        %dma_start3A_2094 = arith.constant 0 : i32
        %dma_start3A_2095 = tpu.memref_slice %arg10[%dma_start3A_2094] : memref<4096xf32, #tpu.memory_space<vmem_shared>> -> memref<4096xf32, #tpu.memory_space<vmem_shared>>
        tpu.enqueue_indirect_dma source(%arg8 : memref<128xf32, #tpu.memory_space<vmem>>) target(%dma_start3A_2095 : memref<4096xf32, #tpu.memory_space<vmem_shared>>) offsets(%dma_start3A_2093 : memref<128xi32, #tpu.memory_space<vmem>>) semaphore(%run_scoped3A_2091 : memref<!tpu.dma_semaphore, #tpu.memory_space<semaphore_mem>>) {add = true}
        %dma_wait3A = arith.constant 0 : i32
        %dma_wait3A_2096 = tpu.memref_slice %arg7[%run_scoped3A_2086, %dma_wait3A] : memref<8x128xi32, #tpu.memory_space<vmem>> -> memref<1x128xi32, #tpu.memory_space<vmem>>
        %dma_wait3A_2097 = tpu.memref_squeeze %dma_wait3A_2096 : memref<1x128xi32, #tpu.memory_space<vmem>> -> memref<128xi32, #tpu.memory_space<vmem>>
        %dma_wait3A_2098 = arith.constant 0 : i32
        %dma_wait3A_2099 = tpu.memref_slice %arg10[%dma_wait3A_2098] : memref<4096xf32, #tpu.memory_space<vmem_shared>> -> memref<4096xf32, #tpu.memory_space<vmem_shared>>
        tpu.wait_indirect_dma semaphore(%run_scoped3A_2091 : memref<!tpu.dma_semaphore, #tpu.memory_space<semaphore_mem>>) src(%arg8 : memref<128xf32, #tpu.memory_space<vmem>>) dst(%dma_wait3A_2099 : memref<4096xf32, #tpu.memory_space<vmem_shared>>)
        tpu.yield
      }) : () -> ()
      %run_scoped3A_2087 = arith.constant 4 : i32
      "tpu.region"() ({
        %run_scoped3A_2091 = tpu.sem_alloc : memref<!tpu.dma_semaphore, #tpu.memory_space<semaphore_mem>>
        %dma_start3A = arith.constant 0 : i32
        %dma_start3A_2092 = tpu.memref_slice %arg7[%run_scoped3A_2087, %dma_start3A] : memref<8x128xi32, #tpu.memory_space<vmem>> -> memref<1x128xi32, #tpu.memory_space<vmem>>
        %dma_start3A_2093 = tpu.memref_squeeze %dma_start3A_2092 : memref<1x128xi32, #tpu.memory_space<vmem>> -> memref<128xi32, #tpu.memory_space<vmem>>
        %dma_start3A_2094 = arith.constant 0 : i32
        %dma_start3A_2095 = tpu.memref_slice %arg10[%dma_start3A_2094] : memref<4096xf32, #tpu.memory_space<vmem_shared>> -> memref<4096xf32, #tpu.memory_space<vmem_shared>>
        tpu.enqueue_indirect_dma source(%arg8 : memref<128xf32, #tpu.memory_space<vmem>>) target(%dma_start3A_2095 : memref<4096xf32, #tpu.memory_space<vmem_shared>>) offsets(%dma_start3A_2093 : memref<128xi32, #tpu.memory_space<vmem>>) semaphore(%run_scoped3A_2091 : memref<!tpu.dma_semaphore, #tpu.memory_space<semaphore_mem>>) {add = true}
        %dma_wait3A = arith.constant 0 : i32
        %dma_wait3A_2096 = tpu.memref_slice %arg7[%run_scoped3A_2087, %dma_wait3A] : memref<8x128xi32, #tpu.memory_space<vmem>> -> memref<1x128xi32, #tpu.memory_space<vmem>>
        %dma_wait3A_2097 = tpu.memref_squeeze %dma_wait3A_2096 : memref<1x128xi32, #tpu.memory_space<vmem>> -> memref<128xi32, #tpu.memory_space<vmem>>
        %dma_wait3A_2098 = arith.constant 0 : i32
        %dma_wait3A_2099 = tpu.memref_slice %arg10[%dma_wait3A_2098] : memref<4096xf32, #tpu.memory_space<vmem_shared>> -> memref<4096xf32, #tpu.memory_space<vmem_shared>>
        tpu.wait_indirect_dma semaphore(%run_scoped3A_2091 : memref<!tpu.dma_semaphore, #tpu.memory_space<semaphore_mem>>) src(%arg8 : memref<128xf32, #tpu.memory_space<vmem>>) dst(%dma_wait3A_2099 : memref<4096xf32, #tpu.memory_space<vmem_shared>>)
        tpu.yield
      }) : () -> ()
      %run_scoped3A_2088 = arith.constant 5 : i32
      "tpu.region"() ({
        %run_scoped3A_2091 = tpu.sem_alloc : memref<!tpu.dma_semaphore, #tpu.memory_space<semaphore_mem>>
        %dma_start3A = arith.constant 0 : i32
        %dma_start3A_2092 = tpu.memref_slice %arg7[%run_scoped3A_2088, %dma_start3A] : memref<8x128xi32, #tpu.memory_space<vmem>> -> memref<1x128xi32, #tpu.memory_space<vmem>>
        %dma_start3A_2093 = tpu.memref_squeeze %dma_start3A_2092 : memref<1x128xi32, #tpu.memory_space<vmem>> -> memref<128xi32, #tpu.memory_space<vmem>>
        %dma_start3A_2094 = arith.constant 0 : i32
        %dma_start3A_2095 = tpu.memref_slice %arg10[%dma_start3A_2094] : memref<4096xf32, #tpu.memory_space<vmem_shared>> -> memref<4096xf32, #tpu.memory_space<vmem_shared>>
        tpu.enqueue_indirect_dma source(%arg8 : memref<128xf32, #tpu.memory_space<vmem>>) target(%dma_start3A_2095 : memref<4096xf32, #tpu.memory_space<vmem_shared>>) offsets(%dma_start3A_2093 : memref<128xi32, #tpu.memory_space<vmem>>) semaphore(%run_scoped3A_2091 : memref<!tpu.dma_semaphore, #tpu.memory_space<semaphore_mem>>) {add = true}
        %dma_wait3A = arith.constant 0 : i32
        %dma_wait3A_2096 = tpu.memref_slice %arg7[%run_scoped3A_2088, %dma_wait3A] : memref<8x128xi32, #tpu.memory_space<vmem>> -> memref<1x128xi32, #tpu.memory_space<vmem>>
        %dma_wait3A_2097 = tpu.memref_squeeze %dma_wait3A_2096 : memref<1x128xi32, #tpu.memory_space<vmem>> -> memref<128xi32, #tpu.memory_space<vmem>>
        %dma_wait3A_2098 = arith.constant 0 : i32
        %dma_wait3A_2099 = tpu.memref_slice %arg10[%dma_wait3A_2098] : memref<4096xf32, #tpu.memory_space<vmem_shared>> -> memref<4096xf32, #tpu.memory_space<vmem_shared>>
        tpu.wait_indirect_dma semaphore(%run_scoped3A_2091 : memref<!tpu.dma_semaphore, #tpu.memory_space<semaphore_mem>>) src(%arg8 : memref<128xf32, #tpu.memory_space<vmem>>) dst(%dma_wait3A_2099 : memref<4096xf32, #tpu.memory_space<vmem_shared>>)
        tpu.yield
      }) : () -> ()
      %run_scoped3A_2089 = arith.constant 6 : i32
      "tpu.region"() ({
        %run_scoped3A_2091 = tpu.sem_alloc : memref<!tpu.dma_semaphore, #tpu.memory_space<semaphore_mem>>
        %dma_start3A = arith.constant 0 : i32
        %dma_start3A_2092 = tpu.memref_slice %arg7[%run_scoped3A_2089, %dma_start3A] : memref<8x128xi32, #tpu.memory_space<vmem>> -> memref<1x128xi32, #tpu.memory_space<vmem>>
        %dma_start3A_2093 = tpu.memref_squeeze %dma_start3A_2092 : memref<1x128xi32, #tpu.memory_space<vmem>> -> memref<128xi32, #tpu.memory_space<vmem>>
        %dma_start3A_2094 = arith.constant 0 : i32
        %dma_start3A_2095 = tpu.memref_slice %arg10[%dma_start3A_2094] : memref<4096xf32, #tpu.memory_space<vmem_shared>> -> memref<4096xf32, #tpu.memory_space<vmem_shared>>
        tpu.enqueue_indirect_dma source(%arg8 : memref<128xf32, #tpu.memory_space<vmem>>) target(%dma_start3A_2095 : memref<4096xf32, #tpu.memory_space<vmem_shared>>) offsets(%dma_start3A_2093 : memref<128xi32, #tpu.memory_space<vmem>>) semaphore(%run_scoped3A_2091 : memref<!tpu.dma_semaphore, #tpu.memory_space<semaphore_mem>>) {add = true}
        %dma_wait3A = arith.constant 0 : i32
        %dma_wait3A_2096 = tpu.memref_slice %arg7[%run_scoped3A_2089, %dma_wait3A] : memref<8x128xi32, #tpu.memory_space<vmem>> -> memref<1x128xi32, #tpu.memory_space<vmem>>
        %dma_wait3A_2097 = tpu.memref_squeeze %dma_wait3A_2096 : memref<1x128xi32, #tpu.memory_space<vmem>> -> memref<128xi32, #tpu.memory_space<vmem>>
        %dma_wait3A_2098 = arith.constant 0 : i32
        %dma_wait3A_2099 = tpu.memref_slice %arg10[%dma_wait3A_2098] : memref<4096xf32, #tpu.memory_space<vmem_shared>> -> memref<4096xf32, #tpu.memory_space<vmem_shared>>
        tpu.wait_indirect_dma semaphore(%run_scoped3A_2091 : memref<!tpu.dma_semaphore, #tpu.memory_space<semaphore_mem>>) src(%arg8 : memref<128xf32, #tpu.memory_space<vmem>>) dst(%dma_wait3A_2099 : memref<4096xf32, #tpu.memory_space<vmem_shared>>)
        tpu.yield
      }) : () -> ()
      %run_scoped3A_2090 = arith.constant 7 : i32
      "tpu.region"() ({
        %run_scoped3A_2091 = tpu.sem_alloc : memref<!tpu.dma_semaphore, #tpu.memory_space<semaphore_mem>>
        %dma_start3A = arith.constant 0 : i32
        %dma_start3A_2092 = tpu.memref_slice %arg7[%run_scoped3A_2090, %dma_start3A] : memref<8x128xi32, #tpu.memory_space<vmem>> -> memref<1x128xi32, #tpu.memory_space<vmem>>
        %dma_start3A_2093 = tpu.memref_squeeze %dma_start3A_2092 : memref<1x128xi32, #tpu.memory_space<vmem>> -> memref<128xi32, #tpu.memory_space<vmem>>
        %dma_start3A_2094 = arith.constant 0 : i32
        %dma_start3A_2095 = tpu.memref_slice %arg10[%dma_start3A_2094] : memref<4096xf32, #tpu.memory_space<vmem_shared>> -> memref<4096xf32, #tpu.memory_space<vmem_shared>>
        tpu.enqueue_indirect_dma source(%arg8 : memref<128xf32, #tpu.memory_space<vmem>>) target(%dma_start3A_2095 : memref<4096xf32, #tpu.memory_space<vmem_shared>>) offsets(%dma_start3A_2093 : memref<128xi32, #tpu.memory_space<vmem>>) semaphore(%run_scoped3A_2091 : memref<!tpu.dma_semaphore, #tpu.memory_space<semaphore_mem>>) {add = true}
        %dma_wait3A = arith.constant 0 : i32
        %dma_wait3A_2096 = tpu.memref_slice %arg7[%run_scoped3A_2090, %dma_wait3A] : memref<8x128xi32, #tpu.memory_space<vmem>> -> memref<1x128xi32, #tpu.memory_space<vmem>>
        %dma_wait3A_2097 = tpu.memref_squeeze %dma_wait3A_2096 : memref<1x128xi32, #tpu.memory_space<vmem>> -> memref<128xi32, #tpu.memory_space<vmem>>
        %dma_wait3A_2098 = arith.constant 0 : i32
        %dma_wait3A_2099 = tpu.memref_slice %arg10[%dma_wait3A_2098] : memref<4096xf32, #tpu.memory_space<vmem_shared>> -> memref<4096xf32, #tpu.memory_space<vmem_shared>>
        tpu.wait_indirect_dma semaphore(%run_scoped3A_2091 : memref<!tpu.dma_semaphore, #tpu.memory_space<semaphore_mem>>) src(%arg8 : memref<128xf32, #tpu.memory_space<vmem>>) dst(%dma_wait3A_2099 : memref<4096xf32, #tpu.memory_space<vmem_shared>>)
        tpu.yield
      }) : () -> ()
      "tpu.region"() ({
        %run_scoped3A_2091 = tpu.sem_alloc : memref<!tpu.dma_semaphore, #tpu.memory_space<semaphore_mem>>
        tpu.enqueue_dma source(%arg10 : memref<4096xf32, #tpu.memory_space<vmem_shared>>) target(%arg4 : memref<4096xf32, #tpu.memory_space<hbm>>) target_semaphore(%run_scoped3A_2091 : memref<!tpu.dma_semaphore, #tpu.memory_space<semaphore_mem>>)
        tpu.wait_dma2 semaphore(%run_scoped3A_2091 : memref<!tpu.dma_semaphore, #tpu.memory_space<semaphore_mem>>) src(%arg10 : memref<4096xf32, #tpu.memory_space<vmem_shared>>) dst(%arg4 : memref<4096xf32, #tpu.memory_space<hbm>>)
        tpu.yield
      }) : () -> ()
    } else {
    }
    return
  }
}

module attributes {stable_mosaic.version = 14 : i64} {
  func.func @_gcn_body(%arg0: i32, %arg1: memref<64x64xf32, #tpu.memory_space<vmem>>, %arg2: memref<256x64x16xf32, #tpu.memory_space<vmem>>, %arg3: memref<16x32xf32, #tpu.memory_space<vmem>>, %arg4: memref<1x32xf32, #tpu.memory_space<vmem>>, %arg5: memref<32x16xf32, #tpu.memory_space<vmem>>, %arg6: memref<1x16xf32, #tpu.memory_space<vmem>>, %arg7: memref<256x16xf32, #tpu.memory_space<vmem>>) attributes {dimension_semantics = [#tpu.dimension_semantics<arbitrary>], iteration_bounds = array<i64: 8>, scalar_prefetch = 0 : i64, scratch_operands = 0 : i64, tpu.core_type = #tpu.core_type<tc>, window_params = [{pipeline_mode = #tpu.pipeline_mode<synchronous>, transform_indices = @transform_0, window_bounds = array<i64: 64, 64>}, {transform_indices = @transform_1, window_bounds = array<i64: 256, 64, 16>}, {pipeline_mode = #tpu.pipeline_mode<synchronous>, transform_indices = @transform_2, window_bounds = array<i64: 16, 32>}, {pipeline_mode = #tpu.pipeline_mode<synchronous>, transform_indices = @transform_3, window_bounds = array<i64: 1, 32>}, {pipeline_mode = #tpu.pipeline_mode<synchronous>, transform_indices = @transform_4, window_bounds = array<i64: 32, 16>}, {pipeline_mode = #tpu.pipeline_mode<synchronous>, transform_indices = @transform_5, window_bounds = array<i64: 1, 16>}, {transform_indices = @transform_6, window_bounds = array<i64: 256, 16>}]} {
    %get3A = arith.constant 0 : index
    %get3A_0 = arith.constant 0 : index
    %get3A_1 = vector.load %arg1[%get3A, %get3A_0] : memref<64x64xf32, #tpu.memory_space<vmem>>, vector<64x64xf32>
    %iota3A = tpu.iota {dimensions = array<i32: 0>} : vector<64x64xi32>
    %iota3A_2 = tpu.iota {dimensions = array<i32: 1>} : vector<64x64xi32>
    %eq3A = arith.cmpi eq, %iota3A, %iota3A_2 : vector<64x64xi32>
    %convert_element_type3A = arith.extui %eq3A : vector<64x64xi1> to vector<64x64xi32>
    %convert_element_type3A_3 = arith.sitofp %convert_element_type3A : vector<64x64xi32> to vector<64x64xf32>
    %add3A = arith.addf %get3A_1, %convert_element_type3A_3 : vector<64x64xf32>
    %reduce_sum3A = arith.constant dense<0.000000e+00> : vector<64xf32>
    %reduce_sum3A_4 = vector.multi_reduction <add>, %add3A, %reduce_sum3A [1] : vector<64x64xf32> to vector<64xf32>
    %broadcast_in_dim3A = vector.shape_cast %reduce_sum3A_4 : vector<64xf32> to vector<64x1xf32>
    %broadcast_in_dim3A_5 = arith.constant 1.000000e+00 : f32
    %broadcast_in_dim3A_6 = vector.broadcast %broadcast_in_dim3A_5 : f32 to vector<1x64xf32>
    %dot_general3A = arith.constant dense<0.000000e+00> : vector<1x64xf32>
    %dot_general3A_7 = tpu.matmul %broadcast_in_dim3A_6, %add3A, %dot_general3A {dimension_numbers = #tpu.dot_dimension_numbers<[1], [1], [0], [0], [0, 0, 1, 0], [], []>, transpose_lhs_hint = false} : vector<1x64xf32>, vector<64x64xf32>, vector<1x64xf32> -> vector<1x64xf32>
    %rsqrt3A = math.rsqrt %broadcast_in_dim3A : vector<64x1xf32>
    %mul3A = vector.broadcast %rsqrt3A : vector<64x1xf32> to vector<64x64xf32>
    %mul3A_8 = arith.mulf %add3A, %mul3A : vector<64x64xf32>
    %rsqrt3A_9 = math.rsqrt %dot_general3A_7 : vector<1x64xf32>
    %mul3A_10 = vector.broadcast %rsqrt3A_9 : vector<1x64xf32> to vector<64x64xf32>
    %mul3A_11 = arith.mulf %mul3A_8, %mul3A_10 : vector<64x64xf32>
    %dot_general3A_12 = arith.constant dense<0.000000e+00> : vector<1x64xf32>
    %dot_general3A_13 = tpu.matmul %broadcast_in_dim3A_6, %mul3A_11, %dot_general3A_12 {dimension_numbers = #tpu.dot_dimension_numbers<[1], [0], [0], [1], [0, 0, 1, 1], [], []>, transpose_lhs_hint = false} : vector<1x64xf32>, vector<64x64xf32>, vector<1x64xf32> -> vector<1x64xf32>
    %mul3A_14 = arith.constant 1.562500e-02 : f32
    %mul3A_15 = vector.broadcast %mul3A_14 : f32 to vector<1x64xf32>
    %mul3A_16 = arith.mulf %dot_general3A_13, %mul3A_15 : vector<1x64xf32>
    %get3A_17 = arith.constant 0 : index
    %get3A_18 = arith.constant 0 : index
    %get3A_19 = arith.constant 0 : index
    %get3A_20 = vector.load %arg2[%get3A_17, %get3A_18, %get3A_19] : memref<256x64x16xf32, #tpu.memory_space<vmem>>, vector<256x64x16xf32>
    %reshape3A = vector.shape_cast %get3A_20 : vector<256x64x16xf32> to vector<16384x16xf32>
    %get3A_21 = arith.constant 0 : index
    %get3A_22 = arith.constant 0 : index
    %get3A_23 = vector.load %arg3[%get3A_21, %get3A_22] : memref<16x32xf32, #tpu.memory_space<vmem>>, vector<16x32xf32>
    %dot_general3A_24 = arith.constant dense<0.000000e+00> : vector<16384x32xf32>
    %dot_general3A_25 = tpu.matmul %reshape3A, %get3A_23, %dot_general3A_24 {dimension_numbers = #tpu.dot_dimension_numbers<[1], [0], [0], [1], [0, 0, 1, 1], [], []>, transpose_lhs_hint = false} : vector<16384x16xf32>, vector<16x32xf32>, vector<16384x32xf32> -> vector<16384x32xf32>
    %reshape3A_26 = vector.shape_cast %dot_general3A_25 : vector<16384x32xf32> to vector<256x64x32xf32>
    %dot_general3A_27 = arith.constant dense<0.000000e+00> : vector<256x32x64xf32>
    %dot_general3A_28 = tpu.matmul %reshape3A_26, %mul3A_11, %dot_general3A_27 {dimension_numbers = #tpu.dot_dimension_numbers<[1], [1], [0, 2], [0], [0, 0, 0, 2, 1, 0], [], []>, transpose_lhs_hint = false} : vector<256x64x32xf32>, vector<64x64xf32>, vector<256x32x64xf32> -> vector<256x32x64xf32>
    %get3A_29 = arith.constant 0 : index
    %get3A_30 = arith.constant 0 : index
    %get3A_31 = vector.load %arg4[%get3A_29, %get3A_30] : memref<1x32xf32, #tpu.memory_space<vmem>>, vector<1x32xf32>
    %reshape3A_32 = vector.shape_cast %get3A_31 : vector<1x32xf32> to vector<1x32x1xf32>
    %add3A_33 = vector.broadcast %reshape3A_32 : vector<1x32x1xf32> to vector<256x32x64xf32>
    %add3A_34 = arith.addf %dot_general3A_28, %add3A_33 : vector<256x32x64xf32>
    %max3A = arith.constant 0.000000e+00 : f32
    %max3A_35 = vector.broadcast %max3A : f32 to vector<256x32x64xf32>
    %max3A_36 = arith.maximumf %add3A_34, %max3A_35 : vector<256x32x64xf32>
    %reshape3A_37 = vector.shape_cast %mul3A_16 : vector<1x64xf32> to vector<1x1x64xf32>
    %mul3A_38 = vector.broadcast %reshape3A_37 : vector<1x1x64xf32> to vector<256x32x64xf32>
    %mul3A_39 = arith.mulf %max3A_36, %mul3A_38 : vector<256x32x64xf32>
    %reduce_sum3A_40 = arith.constant dense<0.000000e+00> : vector<256x32xf32>
    %reduce_sum3A_41 = vector.multi_reduction <add>, %mul3A_39, %reduce_sum3A_40 [2] : vector<256x32x64xf32> to vector<256x32xf32>
    %get3A_42 = arith.constant 0 : index
    %get3A_43 = arith.constant 0 : index
    %get3A_44 = vector.load %arg5[%get3A_42, %get3A_43] : memref<32x16xf32, #tpu.memory_space<vmem>>, vector<32x16xf32>
    %dot_general3A_45 = arith.constant dense<0.000000e+00> : vector<256x16xf32>
    %dot_general3A_46 = tpu.matmul %reduce_sum3A_41, %get3A_44, %dot_general3A_45 {dimension_numbers = #tpu.dot_dimension_numbers<[1], [0], [0], [1], [0, 0, 1, 1], [], []>, transpose_lhs_hint = false} : vector<256x32xf32>, vector<32x16xf32>, vector<256x16xf32> -> vector<256x16xf32>
    %get3A_47 = arith.constant 0 : index
    %get3A_48 = arith.constant 0 : index
    %get3A_49 = vector.load %arg6[%get3A_47, %get3A_48] : memref<1x16xf32, #tpu.memory_space<vmem>>, vector<1x16xf32>
    %add3A_50 = vector.broadcast %get3A_49 : vector<1x16xf32> to vector<256x16xf32>
    %add3A_51 = arith.addf %dot_general3A_46, %add3A_50 : vector<256x16xf32>
    %swap3A = arith.constant 0 : index
    %swap3A_52 = arith.constant 0 : index
    %swap3A_53 = vector.load %arg7[%swap3A, %swap3A_52] : memref<256x16xf32, #tpu.memory_space<vmem>>, vector<256x16xf32>
    tpu.vector_store %arg7[%swap3A, %swap3A_52], %add3A_51 {strides = array<i32>} : memref<256x16xf32, #tpu.memory_space<vmem>>, vector<256x16xf32>,
    return
  }
  func.func @transform_0(%arg0: i32) -> (i32, i32) {
    %c0_i32 = arith.constant 0 : i32
    %c0_i32_0 = arith.constant 0 : i32
    %c0_i32_1 = arith.constant 0 : i32
    return %c0_i32, %c0_i32_0 : i32, i32
  }
  func.func @transform_1(%arg0: i32) -> (i32, i32, i32) {
    %c0_i32 = arith.constant 0 : i32
    %c0_i32_0 = arith.constant 0 : i32
    %c0_i32_1 = arith.constant 0 : i32
    return %arg0, %c0_i32, %c0_i32_0 : i32, i32, i32
  }
  func.func @transform_2(%arg0: i32) -> (i32, i32) {
    %c0_i32 = arith.constant 0 : i32
    %c0_i32_0 = arith.constant 0 : i32
    %c0_i32_1 = arith.constant 0 : i32
    return %c0_i32, %c0_i32_0 : i32, i32
  }
  func.func @transform_3(%arg0: i32) -> (i32, i32) {
    %c0_i32 = arith.constant 0 : i32
    %c0_i32_0 = arith.constant 0 : i32
    %c0_i32_1 = arith.constant 0 : i32
    return %c0_i32, %c0_i32_0 : i32, i32
  }
  func.func @transform_4(%arg0: i32) -> (i32, i32) {
    %c0_i32 = arith.constant 0 : i32
    %c0_i32_0 = arith.constant 0 : i32
    %c0_i32_1 = arith.constant 0 : i32
    return %c0_i32, %c0_i32_0 : i32, i32
  }
  func.func @transform_5(%arg0: i32) -> (i32, i32) {
    %c0_i32 = arith.constant 0 : i32
    %c0_i32_0 = arith.constant 0 : i32
    %c0_i32_1 = arith.constant 0 : i32
    return %c0_i32, %c0_i32_0 : i32, i32
  }
  func.func @transform_6(%arg0: i32) -> (i32, i32) {
    %c0_i32 = arith.constant 0 : i32
    %c0_i32_0 = arith.constant 0 : i32
    return %arg0, %c0_i32 : i32, i32
  }
}

</mosaic_0001>

<sc_bundles>
// kernel: kernel.4.cloned.1.call-start
scs
__scs_entry_jumppad:
0x0: {  	(pc) =	sbr.rel $0x88, $3  }
0x1: {  	(tag) =	ssettag $0x0;
	lr =	simm.s32 $0x1  }
0x2: {  	[smem:$0x3F9B] =	sst lr;
	_ =	strace $0xD0000000  }
0x3: {  	_ = 	snop  }
0x4: {  	_ = 	snop  }
0x5: {  	_ = 	snop  }
0x6: {  	_ = 	snop  }
0x7: {  	_ = 	snop  }
__scs_overlays_trampoline_lowered:
0x8: {  	[smem:$0x3FAA] =	sst s0  }
0x9: {  	[smem:$0x3FAB] =	sst s1  }
0xa: {  	[smem:$0x3FAC] =	sst s2  }
0xb: {  	[smem:$0x3FAD] =	sst s3  }
0xc: {  	[smem:$0x3FAE] =	sst s4  }
0xd: {  	[smem:$0x3FAF] =	sst s5  }
0xe: {  	[smem:$0x3FB0] =	sst s6  }
0xf: {  	[smem:$0x3FB1] =	sst s7  }
0x10: {  	[smem:$0x3FB2] =	sst s8  }
0x11: {  	[smem:$0x3FB3] =	sst s9;
	s0 =	simm.s32 @!p0 $0x0  }
0x12: {  	s1 =	sld [smem:$0x3F99];
	s0 =	simm.s32 @p0 $0x1  }
0x13: {  	[smem:$0x3FB4] =	sst s0;
	s0 =	simm.s32 @!p1 $0x0  }
0x14: {  	s2 =	sld [smem:$0x3F98];
	s0 =	simm.s32 @p1 $0x1  }
0x15: {  	[smem:$0x3FB5] =	sst s0;
	s0 =	simm.s32 @!p2 $0x0  }
0x16: {  	s3 =	sld [smem:$0x3FDB];
	s0 =	simm.s32 @p2 $0x1  }
0x17: {  	s4 =	simm.s32 $0x1BF5;
	[smem:$0x3FB7] =	sst s0  }
0x18: {  	s0 =	sld [smem:$0x3F9A];
	_ =	swait.ge [sflag:s4], $0x0  }
0x19: {  	s7 =	sld [smem:$0x3F9B]  }
0x1a: {  	s8 =	sadd.s32 $0xFFFFE003, lr  }
0x1b: {  	s9 =	sadd.s32 $0xFFFFFEF7, lr;
	s5 =	simm.s32 $0xFFFFFFFF;
	p2 =	slt.u32 s8, $0xFFFFF086  }
0x1c: {  	p1 =	slt.u32 s9, $0xF7A;
	s5 =	simm.s32 @!p2 $0x0  }
0x1d: {  	s5 =	simm.s32 @p1 $0x1;
	p0 =	seq.s32 s7, s2  }
0x1e: {  	s7 =	smul.u32 @!p0 $0xF7A, s2;
	p2 =	seq.s32 @!p0 s5, $0x0  }
0x1f: {  	s9 =	smul.u32 $0xF7A, s1;
	s8 =	simm.s32 @!p0 $0x1BF5;
	p2 =	por !p2, p0  }
0x20: {  	[sflag:s8] =	ssyncset.s32 @!p0 $0xFFFFF086;
	s6 =	sadd.s32 @!p0 s3, s7;
	s7 =	simm.s32 @!p0 $0x108  }
0x21: {  	s3 =	sadd.s32 s3, s9;
	s6 =	sadd.s32 @!p0 $0x88, s6;
	s7 =	simm.s32 @p2 $0x1082  }
0x22: {  	[simem:s7], [sflag:s8] =	dma.local @!p0 [hbm:s6], $0xF7A  }
0x23: {  	s9 =	sor.u32 $0xD0000000, s2;
	s6 =	simm.s32 $0x108;
	_ =	swait.ge @!p0 [sflag:s8], $0x0  }
0x24: {  	s3 =	sadd.s32 $0x88, s3;
	s6 =	simm.s32 @!p1 $0x1082;
	[sflag:s4] =	ssyncset.s32 $0xFFFFF086  }
0x25: {  	[simem:s6], [sflag:s4] =	dma.local [hbm:s3], $0xF7A  }
0x26: {  	[smem:$0x3F9B] =	sst s1;
	(tag) =	ssettag s2;
	_ =	strace s9  }
0x27: {  	s1 =	sld [smem:$0x3FAB]  }
0x28: {  	s2 =	sld [smem:$0x3FAC]  }
0x29: {  	s4 =	sld [smem:$0x3FAE]  }
0x2a: {  	p0 =	seq.s32 s5, $0x0;
	s5 =	sld [smem:$0x3FAF]  }
0x2b: {  	s6 =	sld [smem:$0x3FB0]  }
0x2c: {  	s7 =	sld [smem:$0x3FB1]  }
0x2d: {  	s3 =	simm.s32 $0x108;
	s8 =	sld [smem:$0x3FB2]  }
0x2e: {  	s3 =	simm.s32 @!p0 $0x1082;
	s9 =	sld [smem:$0x3FB3]  }
0x2f: {  	lr =	sadd.s32 s0, s3;
	s0 =	sld [smem:$0x3FAA]  }
0x30: {  	s3 =	sld [smem:$0x3FAD]  }
0x31: {  	[smem:$0x3FB6] =	sst s10  }
0x32: {  	s10 =	sld [smem:$0x3FB4];
	_ =	sdelay $0x3  }
0x33: {  	p0 =	seq.s32 s10, $0x1;
	s10 =	sld [smem:$0x3FB6];
	_ =	sdelay $0x3  }
0x34: {  	[smem:$0x3FB6] =	sst s10  }
0x35: {  	s10 =	sld [smem:$0x3FB5];
	_ =	sdelay $0x3  }
0x36: {  	p1 =	seq.s32 s10, $0x1;
	s10 =	sld [smem:$0x3FB6];
	_ =	sdelay $0x3  }
0x37: {  	[smem:$0x3FB6] =	sst s10  }
0x38: {  	s10 =	sld [smem:$0x3FB7]  }
0x39: {  	_ = 	snop;
	(pc) =	sbr.ind lr, $3  }
0x3a: {  	_ = 	snop  }
0x3b: {  	_ = 	snop  }
0x3c: {  	p2 =	seq.s32 s10, $0x1;
	s10 =	sld [smem:$0x3FB6]  }
0x3d: {  	_ =	shalt  }
0x3e: {  	_ =	shalt  }
0x3f: {  	_ =	shalt  }
0x40: {  	_ =	shalt  }
0x41: {  	_ =	shalt  }
0x42: {  	_ =	shalt  }
0x43: {  	_ =	shalt  }
0x44: {  	_ =	shalt  }
0x45: {  	_ =	shalt  }
0x46: {  	_ =	shalt  }
0x47: {  	_ =	shalt  }
0x48: {  	_ =	shalt  }
0x49: {  	_ =	shalt  }
0x4a: {  	_ =	shalt  }
0x4b: {  	_ =	shalt  }
0x4c: {  	_ =	shalt  }
0x4d: {  	_ =	shalt  }
0x4e: {  	_ =	shalt  }
0x4f: {  	_ =	shalt  }
0x50: {  	_ =	shalt  }
0x51: {  	_ =	shalt  }
0x52: {  	_ =	shalt  }
0x53: {  	_ =	shalt  }
0x54: {  	_ =	shalt  }
0x55: {  	_ =	shalt  }
0x56: {  	_ =	shalt  }
0x57: {  	_ =	shalt  }
0x58: {  	_ =	shalt  }
0x59: {  	_ =	shalt  }
0x5a: {  	_ =	shalt  }
0x5b: {  	_ =	shalt  }
0x5c: {  	_ =	shalt  }
0x5d: {  	_ =	shalt  }
0x5e: {  	_ =	shalt  }
0x5f: {  	_ =	shalt  }
0x60: {  	_ =	shalt  }
0x61: {  	_ =	shalt  }
0x62: {  	_ =	shalt  }
0x63: {  	_ =	shalt  }
0x64: {  	_ =	shalt  }
0x65: {  	_ =	shalt  }
0x66: {  	_ =	shalt  }
0x67: {  	_ =	shalt  }
0x68: {  	_ =	shalt  }
0x69: {  	_ =	shalt  }
0x6a: {  	_ =	shalt  }
0x6b: {  	_ =	shalt  }
0x6c: {  	_ =	shalt  }
0x6d: {  	_ =	shalt  }
0x6e: {  	_ =	shalt  }
0x6f: {  	_ =	shalt  }
0x70: {  	_ =	shalt  }
0x71: {  	_ =	shalt  }
0x72: {  	_ =	shalt  }
0x73: {  	_ =	shalt  }
0x74: {  	_ =	shalt  }
0x75: {  	_ =	shalt  }
0x76: {  	_ =	shalt  }
0x77: {  	_ =	shalt  }
0x78: {  	_ =	shalt  }
0x79: {  	_ =	shalt  }
0x7a: {  	_ =	shalt  }
0x7b: {  	_ =	shalt  }
0x7c: {  	_ =	shalt  }
0x7d: {  	_ =	shalt  }
0x7e: {  	_ =	shalt  }
0x7f: {  	_ =	shalt  }
0x80: {  	_ =	shalt  }
0x81: {  	_ =	shalt  }
0x82: {  	_ =	shalt  }
0x83: {  	_ =	shalt  }
0x84: {  	_ =	shalt  }
0x85: {  	_ =	shalt  }
0x86: {  	_ =	shalt  }
0x87: {  	_ =	shalt  }
.Lfunc_end0:
.L_simem_size_0:
called_computation_lowered:
.L_overlay_start_0:
0x88: {  	s2 =	sld [smem:$0x3FD9]  }
0x89: {  	s3 =	sld [smem:$0x3FFE];
	_ =	sdelay $0x1  }
0x8a: {  	s1 =	srdreg.scid  }
0x8b: {  	s0 =	sand.u32 $0x1, s1  }
0x8c: {  	s17 =	sshll.u32 s0, $0xA;
	s2 =	sadd.s32 s3, s2  }
0x8d: {  	s2 =	sadd.s32 s2, s17  }
0x8e: {  	[smem:$0x3FC2] =	sst s2  }
0x8f: {  	_ = 	snop  }
0x90: {  	s2 =	sld [smem:$0x3FD0];
	(tm) =	ssettm $0x1  }
0x91: {  	s18 =	sld [smem:$0x3FFB];
	_ =	sdelay $0x3  }
0x92: {  	_ =	strace s18  }
0x93: {  	s3 =	sld [smem:$0x3FFC];
	_ =	sdelay $0x3  }
0x94: {  	_ =	strace s3  }
0x95: {  	s3 =	sld [smem:$0x3FFD];
	_ =	sdelay $0x3  }
0x96: {  	_ =	strace s3  }
0x97: {  	_ =	strace $0x8FFFFFFF  }
0x98: {  	s19 =	sld [smem:$0x3FDB];
	_ =	sdelay $0x1  }
0x99: {  	s4 =	simm.s32 $_scs_section_size  }
0x9a: {  	s5 =	simm.s32 $_size__tile_overlayer_lowered;
	s6 =	simm.s32 $_tile_overlayer_lowered  }
0x9b: {  	s22 =	simm.s32 $0x1BFF;
	s21 =	sshll.u32 s6, $0x1;
	s3 =	sadd.s32 s4, s19  }
0x9c: {  	s7 =	simm.s32 $0x0;
	s20 =	sshll.u32 s5, $0x1;
	s5 =	sadd.s32 s21, s3  }
0x9d: {  	[timem:s7], [sflag:s22] =	dma.local [hbm:s5], s20  }
0x9e: {  	_ =	swait.ge [sflag:s22], s20  }
0x9f: {  	s4 =	ssub.s32 $0x0, s20;
	[sflag:s22] =	ssyncset.done $0x0  }
0xa0: {  	[sflag:s22] =	ssyncadd.s32 s4;
	_ =	sdelay $0x1  }
0xa1: {  	s23 =	simm.s32 $0x1B8B  }
0xa2: {  	_ =	swait.ge [sflag:s23], $0x1  }
0xa3: {  	[sflag:s23] =	ssyncset.done $0x0  }
0xa4: {  	s25 =	simm.s32 $0x1B8E;
	s24 =	sld [smem:$0x3FFE];
	[sflag:s23] =	ssyncadd.s32 $0xFFFFFFFF  }
0xa5: {  	s26 =	simm.s32 $execute0_lowered;
	[smem:$0x3FD2] =	sst s25  }
0xa6: {  	s5 =	sshll.u32 s26, $0x1;
	_ =	strace $0x80000046;
	[dreg:$0x1] =	wrdreg $0xFFFFFFFF  }
0xa7: {  	s28 =	simm.s32 $_size_execute0_lowered;
	s3 =	sadd.s32 s3, s5;
	[dreg:$0x0] =	wrdreg $0x0  }
0xa8: {  	s5 =	sshll.u32 s28, $0x1;
	[dreg:$0x2] =	wrdreg s3  }
0xa9: {  	[dreg:$0x3] =	wrdreg s5  }
0xaa: {  	[dreg:$0x4] =	wrdreg $0xC0  }
0xab: {  	_ =	task [dreg:s7], $0x5FFFF  }
0xac: {  	[dreg:$0x1] =	wrdreg $0xFFFFFFFF  }
0xad: {  	[dreg:$0x0] =	wrdreg $0x60  }
0xae: {  	[dreg:$0x2] =	wrdreg s24  }
0xaf: {  	[dreg:$0x3] =	wrdreg s2  }
0xb0: {  	[dreg:$0x4] =	wrdreg $0x1C800  }
0xb1: {  	[dreg:$0x5] =	wrdreg $0x9  }
0xb2: {  	_ =	task.clear_ibuf [dreg:s7], $0x6FFFF;
	_ =	strace $0x90000046  }
0xb3: {  	s29 =	simm.s32 $0x9;
	_ =	strace $0x80000048  }
0xb4: {  	_ =	swait.ge [sflag:s29], $0x1  }
0xb5: {  	[sflag:s29] =	ssyncadd.s32 $0xFFFFFFFF  }
0xb6: {  	_ =	strace $0x90000048  }
0xb7: {  	_ =	sfence  }
0xb8: {  	s30 =	sld [smem:$0x0];
	_ =	sdelay $0x2  }
0xb9: {  	s31 =	sshll.u32 s1, $0xD;
	s1 =	sshrl.u32 s1, $0x2  }
0xba: {  	s3 =	sand.u32 $0x4000, s31;
	s1 =	sadd.s32 s1, s30  }
0xbb: {  	s0 =	sor.u32 s3, s0;
	s1 =	sshll.u32 s1, $0x11  }
0xbc: {  	s0 =	sor.u32 s1, s0  }
0xbd: {  	s0 =	sadd.s32 $0x8F2B, s0  }
0xbe: {  	[sflag:s0] =	ssyncadd.remote.s32 $0x1  }
0xbf: {  	_ =	sfence.sel $0xFFFF  }
0xc0: {  	[dreg:$0x0] =	wrdreg $0xFFFFFFFF;
	(pc) =	sbr.abs _section_cstart, $3  }
0xc1: {  	[dreg:$0x1] =	wrdreg $0xFFFFFFFF  }
0xc2: {  	_ =	task.clear_ibuf [dreg:s7], $0x2FFFF;
	_ =	strace $0x9FFFFFFF  }
0xc3: {  	(tm) =	ssettm $0x7FFFFFFF  }
tec
execute0_lowered:
.L_overlay_start_1:
0x0: {  	(tag) =	ssettag $0x1  }
0x1: {  	s0 =	srdreg.scid  }
0x2: {  	s4 =	sand.u32 $0x1, s0;
	s0 =	stileid.u32  }
0x3: {  	s6 =	sshll.u32 s0, $0x1;
	s7 =	ssub.s32 $0x0, s4  }
0x4: {  	p0 =	sne.s32 s6, s7  }
.Ltmp0:
0x5: {  	_ = 	snop;
	(pc) =	sbr.rel @p0 .LBB2_3-.Ltmp0, $4  }
0x6: {  	s5 =	rddreg [dreg:$0x0]  }
0x7: {  	s2 =	rddreg [dreg:$0x1]  }
0x8: {  	s3 =	rddreg [dreg:$0x2]  }
0x9: {  	s1 =	rddreg [dreg:$0x3];
	_ =	strace $0x80000047  }
0xa: {  	s6 =	ssub.s32 $0x2, s4;
	s4 =	sadd.s32 $0xE00, s5  }
0xb: {  	s5 =	sadd.s32 $0xC00, s5;
	s8 =	simm.s32 $0x1;
	s9 =	simm.s32 $0x400  }
0xc: {  	s10 =	simm.s32 $0xC80;
	s11 =	simm.s32 $0x80;
	s12 =	simm.s32 $0x800  }
0xd: {  	s13 =	simm.s32 $0xC00;
	s14 =	simm.s32 $0x880;
	s15 =	simm.s32 $0x900  }
0xe: {  	s16 =	simm.s32 $0x980;
	s17 =	simm.s32 $0xA00;
	s18 =	simm.s32 $0xA80  }
0xf: {  	s19 =	simm.s32 $0xB00;
	s21 =	sshll.u32 s0, $0x6;
	s7 =	sshrl.u32 s6, $0x1  }
0x10: {  	s20 =	simm.s32 $0xB80;
	s22 =	sshrl.u32 s3, $0x3;
	s6 =	ssub.s32 s6, s7  }
0x11: {  	v0 =	vimm.f32 $0.0e+00;
	s21 =	sor.u32 $0x1C01, s21;
	s7 =	simm.s32 $0x0;
	s6 =	smax.u32 s6, $0x1  }
.LBB2_2:
0x12: {  	[tilespmem:s7], [sflag:$0x1] =	stream.linear.gather [hbm4b:s4+s7], $0x400, $0x38;
	[tilespmem:$0x1D80] =	vst v63  }
0x13: {  	_ =	swait.ge [sflag:s8], $0x400  }
0x14: {  	[sflag:s8] =	ssyncset.done $0x0  }
0x15: {  	[sflag:s8] =	ssyncadd.s32 $0xFFFFFC00  }
0x16: {  	[tilespmem:s9], [sflag:$0x1] =	stream.linear.gather [hbm4b:s5+s7], $0x400, $0x38;
	[tilespmem:$0x1D80] =	vst v63  }
0x17: {  	_ =	swait.ge [sflag:s8], $0x400  }
0x18: {  	[sflag:s8] =	ssyncset.done $0x0  }
0x19: {  	[sflag:s8] =	ssyncadd.s32 $0xFFFFFC00  }
0x1a: {  	[tilespmem:$0xC80] =	vst v0  }
0x1b: {  	[tilespmem:$0xC90] =	vst v0  }
0x1c: {  	[tilespmem:$0xCA0] =	vst v0  }
0x1d: {  	[tilespmem:$0xCB0] =	vst v0  }
0x1e: {  	[tilespmem:$0xCC0] =	vst v0  }
0x1f: {  	[tilespmem:$0xCD0] =	vst v0  }
0x20: {  	[tilespmem:$0xCE0] =	vst v0  }
0x21: {  	[tilespmem:$0xCF0] =	vst v0  }
0x22: {  	[tilespmem:$0xD00] =	vst v0  }
0x23: {  	[tilespmem:$0xD10] =	vst v0  }
0x24: {  	[tilespmem:$0xD20] =	vst v0  }
0x25: {  	[tilespmem:$0xD30] =	vst v0  }
0x26: {  	[tilespmem:$0xD40] =	vst v0  }
0x27: {  	[tilespmem:$0xD50] =	vst v0  }
0x28: {  	[tilespmem:$0xD60] =	vst v0  }
0x29: {  	[tilespmem:$0xD70] =	vst v0  }
0x2a: {  	[tilespmem:$0xD80] =	vst v0  }
0x2b: {  	[tilespmem:$0xD90] =	vst v0  }
0x2c: {  	[tilespmem:$0xDA0] =	vst v0  }
0x2d: {  	[tilespmem:$0xDB0] =	vst v0  }
0x2e: {  	[tilespmem:$0xDC0] =	vst v0  }
0x2f: {  	[tilespmem:$0xDD0] =	vst v0  }
0x30: {  	[tilespmem:$0xDE0] =	vst v0  }
0x31: {  	[tilespmem:$0xDF0] =	vst v0  }
0x32: {  	[tilespmem:$0xE00] =	vst v0  }
0x33: {  	[tilespmem:$0xE10] =	vst v0  }
0x34: {  	[tilespmem:$0xE20] =	vst v0  }
0x35: {  	[tilespmem:$0xE30] =	vst v0  }
0x36: {  	[tilespmem:$0xE40] =	vst v0  }
0x37: {  	[tilespmem:$0xE50] =	vst v0  }
0x38: {  	[tilespmem:$0xE60] =	vst v0  }
0x39: {  	[tilespmem:$0xE70] =	vst v0  }
0x3a: {  	[tilespmem:$0xE80] =	vst v0  }
0x3b: {  	[tilespmem:$0xE90] =	vst v0  }
0x3c: {  	[tilespmem:$0xEA0] =	vst v0  }
0x3d: {  	[tilespmem:$0xEB0] =	vst v0  }
0x3e: {  	[tilespmem:$0xEC0] =	vst v0  }
0x3f: {  	[tilespmem:$0xED0] =	vst v0  }
0x40: {  	[tilespmem:$0xEE0] =	vst v0  }
0x41: {  	[tilespmem:$0xEF0] =	vst v0  }
0x42: {  	[tilespmem:$0xF00] =	vst v0  }
0x43: {  	[tilespmem:$0xF10] =	vst v0  }
0x44: {  	[tilespmem:$0xF20] =	vst v0  }
0x45: {  	[tilespmem:$0xF30] =	vst v0  }
0x46: {  	[tilespmem:$0xF40] =	vst v0  }
0x47: {  	[tilespmem:$0xF50] =	vst v0  }
0x48: {  	[tilespmem:$0xF60] =	vst v0  }
0x49: {  	[tilespmem:$0xF70] =	vst v0  }
0x4a: {  	[tilespmem:$0xF80] =	vst v0  }
0x4b: {  	[tilespmem:$0xF90] =	vst v0  }
0x4c: {  	[tilespmem:$0xFA0] =	vst v0  }
0x4d: {  	[tilespmem:$0xFB0] =	vst v0  }
0x4e: {  	[tilespmem:$0xFC0] =	vst v0  }
0x4f: {  	[tilespmem:$0xFD0] =	vst v0  }
0x50: {  	[tilespmem:$0xFE0] =	vst v0  }
0x51: {  	[tilespmem:$0xFF0] =	vst v0  }
0x52: {  	[tilespmem:$0x1000] =	vst v0  }
0x53: {  	[tilespmem:$0x1010] =	vst v0  }
0x54: {  	[tilespmem:$0x1020] =	vst v0  }
0x55: {  	[tilespmem:$0x1030] =	vst v0  }
0x56: {  	[tilespmem:$0x1040] =	vst v0  }
0x57: {  	[tilespmem:$0x1050] =	vst v0  }
0x58: {  	[tilespmem:$0x1060] =	vst v0  }
0x59: {  	[tilespmem:$0x1070] =	vst v0  }
0x5a: {  	[tilespmem:$0x1080] =	vst v0  }
0x5b: {  	[tilespmem:$0x1090] =	vst v0  }
0x5c: {  	[tilespmem:$0x10A0] =	vst v0  }
0x5d: {  	[tilespmem:$0x10B0] =	vst v0  }
0x5e: {  	[tilespmem:$0x10C0] =	vst v0  }
0x5f: {  	[tilespmem:$0x10D0] =	vst v0  }
0x60: {  	[tilespmem:$0x10E0] =	vst v0  }
0x61: {  	[tilespmem:$0x10F0] =	vst v0  }
0x62: {  	[tilespmem:$0x1100] =	vst v0  }
0x63: {  	[tilespmem:$0x1110] =	vst v0  }
0x64: {  	[tilespmem:$0x1120] =	vst v0  }
0x65: {  	[tilespmem:$0x1130] =	vst v0  }
0x66: {  	[tilespmem:$0x1140] =	vst v0  }
0x67: {  	[tilespmem:$0x1150] =	vst v0  }
0x68: {  	[tilespmem:$0x1160] =	vst v0  }
0x69: {  	[tilespmem:$0x1170] =	vst v0  }
0x6a: {  	[tilespmem:$0x1180] =	vst v0  }
0x6b: {  	[tilespmem:$0x1190] =	vst v0  }
0x6c: {  	[tilespmem:$0x11A0] =	vst v0  }
0x6d: {  	[tilespmem:$0x11B0] =	vst v0  }
0x6e: {  	[tilespmem:$0x11C0] =	vst v0  }
0x6f: {  	[tilespmem:$0x11D0] =	vst v0  }
0x70: {  	[tilespmem:$0x11E0] =	vst v0  }
0x71: {  	[tilespmem:$0x11F0] =	vst v0  }
0x72: {  	[tilespmem:$0x1200] =	vst v0  }
0x73: {  	[tilespmem:$0x1210] =	vst v0  }
0x74: {  	[tilespmem:$0x1220] =	vst v0  }
0x75: {  	[tilespmem:$0x1230] =	vst v0  }
0x76: {  	[tilespmem:$0x1240] =	vst v0  }
0x77: {  	[tilespmem:$0x1250] =	vst v0  }
0x78: {  	[tilespmem:$0x1260] =	vst v0  }
0x79: {  	[tilespmem:$0x1270] =	vst v0  }
0x7a: {  	[tilespmem:$0x1280] =	vst v0  }
0x7b: {  	[tilespmem:$0x1290] =	vst v0  }
0x7c: {  	[tilespmem:$0x12A0] =	vst v0  }
0x7d: {  	[tilespmem:$0x12B0] =	vst v0  }
0x7e: {  	[tilespmem:$0x12C0] =	vst v0  }
0x7f: {  	[tilespmem:$0x12D0] =	vst v0  }
0x80: {  	[tilespmem:$0x12E0] =	vst v0  }
0x81: {  	[tilespmem:$0x12F0] =	vst v0  }
0x82: {  	[tilespmem:$0x1300] =	vst v0  }
0x83: {  	[tilespmem:$0x1310] =	vst v0  }
0x84: {  	[tilespmem:$0x1320] =	vst v0  }
0x85: {  	[tilespmem:$0x1330] =	vst v0  }
0x86: {  	[tilespmem:$0x1340] =	vst v0  }
0x87: {  	[tilespmem:$0x1350] =	vst v0  }
0x88: {  	[tilespmem:$0x1360] =	vst v0  }
0x89: {  	[tilespmem:$0x1370] =	vst v0  }
0x8a: {  	[tilespmem:$0x1380] =	vst v0  }
0x8b: {  	[tilespmem:$0x1390] =	vst v0  }
0x8c: {  	[tilespmem:$0x13A0] =	vst v0  }
0x8d: {  	[tilespmem:$0x13B0] =	vst v0  }
0x8e: {  	[tilespmem:$0x13C0] =	vst v0  }
0x8f: {  	[tilespmem:$0x13D0] =	vst v0  }
0x90: {  	[tilespmem:$0x13E0] =	vst v0  }
0x91: {  	[tilespmem:$0x13F0] =	vst v0  }
0x92: {  	[tilespmem:$0x1400] =	vst v0  }
0x93: {  	[tilespmem:$0x1410] =	vst v0  }
0x94: {  	[tilespmem:$0x1420] =	vst v0  }
0x95: {  	[tilespmem:$0x1430] =	vst v0  }
0x96: {  	[tilespmem:$0x1440] =	vst v0  }
0x97: {  	[tilespmem:$0x1450] =	vst v0  }
0x98: {  	[tilespmem:$0x1460] =	vst v0  }
0x99: {  	[tilespmem:$0x1470] =	vst v0  }
0x9a: {  	[tilespmem:$0x1480] =	vst v0  }
0x9b: {  	[tilespmem:$0x1490] =	vst v0  }
0x9c: {  	[tilespmem:$0x14A0] =	vst v0  }
0x9d: {  	[tilespmem:$0x14B0] =	vst v0  }
0x9e: {  	[tilespmem:$0x14C0] =	vst v0  }
0x9f: {  	[tilespmem:$0x14D0] =	vst v0  }
0xa0: {  	[tilespmem:$0x14E0] =	vst v0  }
0xa1: {  	[tilespmem:$0x14F0] =	vst v0  }
0xa2: {  	[tilespmem:$0x1500] =	vst v0  }
0xa3: {  	[tilespmem:$0x1510] =	vst v0  }
0xa4: {  	[tilespmem:$0x1520] =	vst v0  }
0xa5: {  	[tilespmem:$0x1530] =	vst v0  }
0xa6: {  	[tilespmem:$0x1540] =	vst v0  }
0xa7: {  	[tilespmem:$0x1550] =	vst v0  }
0xa8: {  	[tilespmem:$0x1560] =	vst v0  }
0xa9: {  	[tilespmem:$0x1570] =	vst v0  }
0xaa: {  	[tilespmem:$0x1580] =	vst v0  }
0xab: {  	[tilespmem:$0x1590] =	vst v0  }
0xac: {  	[tilespmem:$0x15A0] =	vst v0  }
0xad: {  	[tilespmem:$0x15B0] =	vst v0  }
0xae: {  	[tilespmem:$0x15C0] =	vst v0  }
0xaf: {  	[tilespmem:$0x15D0] =	vst v0  }
0xb0: {  	[tilespmem:$0x15E0] =	vst v0  }
0xb1: {  	[tilespmem:$0x15F0] =	vst v0  }
0xb2: {  	[tilespmem:$0x1600] =	vst v0  }
0xb3: {  	[tilespmem:$0x1610] =	vst v0  }
0xb4: {  	[tilespmem:$0x1620] =	vst v0  }
0xb5: {  	[tilespmem:$0x1630] =	vst v0  }
0xb6: {  	[tilespmem:$0x1640] =	vst v0  }
0xb7: {  	[tilespmem:$0x1650] =	vst v0  }
0xb8: {  	[tilespmem:$0x1660] =	vst v0  }
0xb9: {  	[tilespmem:$0x1670] =	vst v0  }
0xba: {  	[tilespmem:$0x1680] =	vst v0  }
0xbb: {  	[tilespmem:$0x1690] =	vst v0  }
0xbc: {  	[tilespmem:$0x16A0] =	vst v0  }
0xbd: {  	[tilespmem:$0x16B0] =	vst v0  }
0xbe: {  	[tilespmem:$0x16C0] =	vst v0  }
0xbf: {  	[tilespmem:$0x16D0] =	vst v0  }
0xc0: {  	[tilespmem:$0x16E0] =	vst v0  }
0xc1: {  	[tilespmem:$0x16F0] =	vst v0  }
0xc2: {  	[tilespmem:$0x1700] =	vst v0  }
0xc3: {  	[tilespmem:$0x1710] =	vst v0  }
0xc4: {  	[tilespmem:$0x1720] =	vst v0  }
0xc5: {  	[tilespmem:$0x1730] =	vst v0  }
0xc6: {  	[tilespmem:$0x1740] =	vst v0  }
0xc7: {  	[tilespmem:$0x1750] =	vst v0  }
0xc8: {  	[tilespmem:$0x1760] =	vst v0  }
0xc9: {  	[tilespmem:$0x1770] =	vst v0  }
0xca: {  	[tilespmem:$0x1780] =	vst v0  }
0xcb: {  	[tilespmem:$0x1790] =	vst v0  }
0xcc: {  	[tilespmem:$0x17A0] =	vst v0  }
0xcd: {  	[tilespmem:$0x17B0] =	vst v0  }
0xce: {  	[tilespmem:$0x17C0] =	vst v0  }
0xcf: {  	[tilespmem:$0x17D0] =	vst v0  }
0xd0: {  	[tilespmem:$0x17E0] =	vst v0  }
0xd1: {  	[tilespmem:$0x17F0] =	vst v0  }
0xd2: {  	[tilespmem:$0x1800] =	vst v0  }
0xd3: {  	[tilespmem:$0x1810] =	vst v0  }
0xd4: {  	[tilespmem:$0x1820] =	vst v0  }
0xd5: {  	[tilespmem:$0x1830] =	vst v0  }
0xd6: {  	[tilespmem:$0x1840] =	vst v0  }
0xd7: {  	[tilespmem:$0x1850] =	vst v0  }
0xd8: {  	[tilespmem:$0x1860] =	vst v0  }
0xd9: {  	[tilespmem:$0x1870] =	vst v0  }
0xda: {  	[tilespmem:$0x1880] =	vst v0  }
0xdb: {  	[tilespmem:$0x1890] =	vst v0  }
0xdc: {  	[tilespmem:$0x18A0] =	vst v0  }
0xdd: {  	[tilespmem:$0x18B0] =	vst v0  }
0xde: {  	[tilespmem:$0x18C0] =	vst v0  }
0xdf: {  	[tilespmem:$0x18D0] =	vst v0  }
0xe0: {  	[tilespmem:$0x18E0] =	vst v0  }
0xe1: {  	[tilespmem:$0x18F0] =	vst v0  }
0xe2: {  	[tilespmem:$0x1900] =	vst v0  }
0xe3: {  	[tilespmem:$0x1910] =	vst v0  }
0xe4: {  	[tilespmem:$0x1920] =	vst v0  }
0xe5: {  	[tilespmem:$0x1930] =	vst v0  }
0xe6: {  	[tilespmem:$0x1940] =	vst v0  }
0xe7: {  	[tilespmem:$0x1950] =	vst v0  }
0xe8: {  	[tilespmem:$0x1960] =	vst v0  }
0xe9: {  	[tilespmem:$0x1970] =	vst v0  }
0xea: {  	[tilespmem:$0x1980] =	vst v0  }
0xeb: {  	[tilespmem:$0x1990] =	vst v0  }
0xec: {  	[tilespmem:$0x19A0] =	vst v0  }
0xed: {  	[tilespmem:$0x19B0] =	vst v0  }
0xee: {  	[tilespmem:$0x19C0] =	vst v0  }
0xef: {  	[tilespmem:$0x19D0] =	vst v0  }
0xf0: {  	[tilespmem:$0x19E0] =	vst v0  }
0xf1: {  	[tilespmem:$0x19F0] =	vst v0  }
0xf2: {  	[tilespmem:$0x1A00] =	vst v0  }
0xf3: {  	[tilespmem:$0x1A10] =	vst v0  }
0xf4: {  	[tilespmem:$0x1A20] =	vst v0  }
0xf5: {  	[tilespmem:$0x1A30] =	vst v0  }
0xf6: {  	[tilespmem:$0x1A40] =	vst v0  }
0xf7: {  	[tilespmem:$0x1A50] =	vst v0  }
0xf8: {  	[tilespmem:$0x1A60] =	vst v0  }
0xf9: {  	[tilespmem:$0x1A70] =	vst v0  }
0xfa: {  	[tilespmem:$0x1A80] =	vst v0  }
0xfb: {  	[tilespmem:$0x1A90] =	vst v0  }
0xfc: {  	[tilespmem:$0x1AA0] =	vst v0  }
0xfd: {  	[tilespmem:$0x1AB0] =	vst v0  }
0xfe: {  	[tilespmem:$0x1AC0] =	vst v0  }
0xff: {  	[tilespmem:$0x1AD0] =	vst v0  }
0x100: {  	[tilespmem:$0x1AE0] =	vst v0  }
0x101: {  	[tilespmem:$0x1AF0] =	vst v0  }
0x102: {  	[tilespmem:$0x1B00] =	vst v0  }
0x103: {  	[tilespmem:$0x1B10] =	vst v0  }
0x104: {  	[tilespmem:$0x1B20] =	vst v0  }
0x105: {  	[tilespmem:$0x1B30] =	vst v0  }
0x106: {  	[tilespmem:$0x1B40] =	vst v0  }
0x107: {  	[tilespmem:$0x1B50] =	vst v0  }
0x108: {  	[tilespmem:$0x1B60] =	vst v0  }
0x109: {  	[tilespmem:$0x1B70] =	vst v0  }
0x10a: {  	[tilespmem:$0x1B80] =	vst v0  }
0x10b: {  	[tilespmem:$0x1B90] =	vst v0  }
0x10c: {  	[tilespmem:$0x1BA0] =	vst v0  }
0x10d: {  	[tilespmem:$0x1BB0] =	vst v0  }
0x10e: {  	[tilespmem:$0x1BC0] =	vst v0  }
0x10f: {  	[tilespmem:$0x1BD0] =	vst v0  }
0x110: {  	[tilespmem:$0x1BE0] =	vst v0  }
0x111: {  	[tilespmem:$0x1BF0] =	vst v0  }
0x112: {  	[tilespmem:$0x1C00] =	vst v0  }
0x113: {  	[tilespmem:$0x1C10] =	vst v0  }
0x114: {  	[tilespmem:$0x1C20] =	vst v0  }
0x115: {  	[tilespmem:$0x1C30] =	vst v0  }
0x116: {  	[tilespmem:$0x1C40] =	vst v0  }
0x117: {  	[tilespmem:$0x1C50] =	vst v0  }
0x118: {  	[tilespmem:$0x1C60] =	vst v0  }
0x119: {  	[tilespmem:$0x1C70] =	vst v0  }
0x11a: {  	[spmem:s3] =	stream.linear.scatter [tilespmem:s10], [sflag:$0x1], $0x1000, $0x38;
	[tilespmem:$0x1D80] =	vst v63  }
0x11b: {  	_ =	swait.ge [sflag:s8], $0x1000  }
0x11c: {  	[sflag:s8] =	ssyncset.done $0x0  }
0x11d: {  	[sflag:s8] =	ssyncadd.s32 $0xFFFFF000  }
0x11e: {  	v5 =	vld [tilespmem:$0x0]  }
0x11f: {  	v2 =	vld [tilespmem:$0x400]  }
0x120: {  	v6 =	vld [tilespmem:$0x10]  }
0x121: {  	v7 =	vld [tilespmem:$0x410]  }
0x122: {  	v8 =	vld [tilespmem:$0x20]  }
0x123: {  	v9 =	vld [tilespmem:$0x420]  }
0x124: {  	v10 =	vld [tilespmem:$0x30]  }
0x125: {  	v11 =	vld [tilespmem:$0x430]  }
0x126: {  	v12 =	vld [tilespmem:$0x40]  }
0x127: {  	v13 =	vld [tilespmem:$0x440]  }
0x128: {  	v14 =	vld [tilespmem:$0x50]  }
0x129: {  	v15 =	vld [tilespmem:$0x450]  }
0x12a: {  	v16 =	vld [tilespmem:$0x60]  }
0x12b: {  	v17 =	vld [tilespmem:$0x460]  }
0x12c: {  	v18 =	vld [tilespmem:$0x70]  }
0x12d: {  	v19 =	vld [tilespmem:$0x470]  }
0x12e: {  	v20 =	vld [tilespmem:$0x80]  }
0x12f: {  	v21 =	vld [tilespmem:$0x480]  }
0x130: {  	v22 =	vld [tilespmem:$0x90]  }
0x131: {  	v23 =	vld [tilespmem:$0x490]  }
0x132: {  	v24 =	vld [tilespmem:$0xA0]  }
0x133: {  	v25 =	vld [tilespmem:$0x4A0]  }
0x134: {  	v26 =	vld [tilespmem:$0xB0]  }
0x135: {  	v27 =	vld [tilespmem:$0x4B0]  }
0x136: {  	v28 =	vld [tilespmem:$0xC0]  }
0x137: {  	v29 =	vld [tilespmem:$0x4C0]  }
0x138: {  	v30 =	vld [tilespmem:$0xD0]  }
0x139: {  	v31 =	vld [tilespmem:$0x4D0]  }
0x13a: {  	v32 =	vld [tilespmem:$0xE0]  }
0x13b: {  	v33 =	vld [tilespmem:$0x4E0]  }
0x13c: {  	v34 =	vld [tilespmem:$0xF0]  }
0x13d: {  	v35 =	vld [tilespmem:$0x4F0]  }
0x13e: {  	v36 =	vld [tilespmem:$0x100]  }
0x13f: {  	v1 =	vld [tilespmem:$0x1E0]  }
0x140: {  	v37 =	vld [tilespmem:$0x500]  }
0x141: {  	v38 =	vld [tilespmem:$0x110]  }
0x142: {  	v39 =	vld [tilespmem:$0x510]  }
0x143: {  	v40 =	vld [tilespmem:$0x120]  }
0x144: {  	[tilespmem:$0x1FFC0] =	vst v1;
	v1 =	vld [tilespmem:$0x1F0]  }
0x145: {  	v41 =	vld [tilespmem:$0x520]  }
0x146: {  	v42 =	vld [tilespmem:$0x130]  }
0x147: {  	v43 =	vld [tilespmem:$0x530]  }
0x148: {  	v44 =	vld [tilespmem:$0x140]  }
0x149: {  	[tilespmem:$0x1FFD0] =	vst v1;
	v1 =	vld [tilespmem:$0x200]  }
0x14a: {  	v45 =	vld [tilespmem:$0x540]  }
0x14b: {  	v46 =	vld [tilespmem:$0x150]  }
0x14c: {  	v47 =	vld [tilespmem:$0x550]  }
0x14d: {  	v48 =	vld [tilespmem:$0x160]  }
0x14e: {  	[tilespmem:$0x1FFF0] =	vst v1;
	v1 =	vld [tilespmem:$0x600]  }
0x14f: {  	v49 =	vld [tilespmem:$0x560]  }
0x150: {  	v50 =	vld [tilespmem:$0x170]  }
0x151: {  	v51 =	vld [tilespmem:$0x570]  }
0x152: {  	v52 =	vld [tilespmem:$0x180]  }
0x153: {  	v53 =	vld [tilespmem:$0x580];
	[tilespmem:$0x1FFE0] =	vst v1;
	v1 =	vshll.u32 v2, $0x6  }
0x154: {  	v54 =	vld [tilespmem:$0x190];
	v1 =	vadd.s32 v5, v1;
	v5 =	vshll.u32 v7, $0x6  }
0x155: {  	v55 =	vld [tilespmem:$0x590];
	v9 =	vshll.u32 v9, $0x6;
	[tilespmem:$0x800] =	vst v1;
	v1 =	vadd.s32 v6, v5  }
0x156: {  	v56 =	vld [tilespmem:$0x1A0];
	v6 =	vshll.u32 v11, $0x6;
	[tilespmem:$0x810] =	vst v1;
	v1 =	vadd.s32 v8, v9  }
0x157: {  	v57 =	vld [tilespmem:$0x5A0];
	v13 =	vshll.u32 v13, $0x6;
	[tilespmem:$0x820] =	vst v1;
	v1 =	vadd.s32 v10, v6  }
0x158: {  	v58 =	vld [tilespmem:$0x1B0];
	[tilespmem:$0x830] =	vst v1;
	v1 =	vadd.s32 v12, v13;
	v13 =	vshll.u32 v15, $0x6  }
0x159: {  	v59 =	vld [tilespmem:$0x5B0];
	v15 =	vshll.u32 v17, $0x6;
	[tilespmem:$0x840] =	vst v1;
	v1 =	vadd.s32 v14, v13  }
0x15a: {  	v60 =	vld [tilespmem:$0x1C0];
	v17 =	vshll.u32 v19, $0x6;
	[tilespmem:$0x850] =	vst v1;
	v1 =	vadd.s32 v16, v15  }
0x15b: {  	v61 =	vld [tilespmem:$0x5C0];
	v19 =	vshll.u32 v21, $0x6;
	[tilespmem:$0x860] =	vst v1;
	v1 =	vadd.s32 v18, v17  }
0x15c: {  	v62 =	vld [tilespmem:$0x1D0];
	v21 =	vshll.u32 v23, $0x6;
	[tilespmem:$0x870] =	vst v1;
	v1 =	vadd.s32 v20, v19  }
0x15d: {  	v63 =	vld [tilespmem:$0x5D0];
	v23 =	vshll.u32 v25, $0x6;
	[tilespmem:$0x880] =	vst v1;
	v1 =	vadd.s32 v22, v21  }
0x15e: {  	v3 =	vld [tilespmem:$0x5E0];
	v25 =	vshll.u32 v27, $0x6;
	[tilespmem:$0x890] =	vst v1;
	v1 =	vadd.s32 v24, v23  }
0x15f: {  	v4 =	vld [tilespmem:$0x5F0];
	v27 =	vshll.u32 v29, $0x6;
	[tilespmem:$0x8A0] =	vst v1;
	v1 =	vadd.s32 v26, v25  }
0x160: {  	v2 =	vld [tilespmem:$0x210];
	v29 =	vshll.u32 v31, $0x6;
	[tilespmem:$0x8B0] =	vst v1;
	v1 =	vadd.s32 v28, v27  }
0x161: {  	v7 =	vld [tilespmem:$0x610];
	v31 =	vshll.u32 v33, $0x6;
	[tilespmem:$0x8C0] =	vst v1;
	v1 =	vadd.s32 v30, v29  }
0x162: {  	v5 =	vld [tilespmem:$0x220];
	v33 =	vshll.u32 v35, $0x6;
	[tilespmem:$0x8D0] =	vst v1;
	v1 =	vadd.s32 v32, v31  }
0x163: {  	v11 =	vld [tilespmem:$0x240];
	v35 =	vshll.u32 v37, $0x6;
	[tilespmem:$0x8E0] =	vst v1;
	v1 =	vadd.s32 v34, v33  }
0x164: {  	v8 =	vld [tilespmem:$0x620];
	v37 =	vshll.u32 v39, $0x6;
	[tilespmem:$0x8F0] =	vst v1;
	v1 =	vadd.s32 v36, v35  }
0x165: {  	v9 =	vld [tilespmem:$0x230];
	v39 =	vshll.u32 v41, $0x6;
	[tilespmem:$0x900] =	vst v1;
	v1 =	vadd.s32 v38, v37  }
0x166: {  	v10 =	vld [tilespmem:$0x630];
	v41 =	vshll.u32 v43, $0x6;
	[tilespmem:$0x910] =	vst v1;
	v1 =	vadd.s32 v40, v39  }
0x167: {  	v12 =	vld [tilespmem:$0x640];
	v43 =	vshll.u32 v45, $0x6;
	[tilespmem:$0x920] =	vst v1;
	v1 =	vadd.s32 v42, v41  }
0x168: {  	v45 =	vshll.u32 v47, $0x6;
	v47 =	vshll.u32 v49, $0x6;
	v49 =	vld [tilespmem:$0x6C0];
	[tilespmem:$0x930] =	vst v1;
	v1 =	vadd.s32 v44, v43  }
0x169: {  	v13 =	vld [tilespmem:$0x250];
	[tilespmem:$0x940] =	vst v1;
	v1 =	vadd.s32 v46, v45  }
0x16a: {  	v14 =	vld [tilespmem:$0x650];
	[tilespmem:$0x950] =	vst v1;
	v1 =	vadd.s32 v48, v47;
	v48 =	vshll.u32 v51, $0x6  }
0x16b: {  	v15 =	vld [tilespmem:$0x260];
	[tilespmem:$0x960] =	vst v1;
	v1 =	vadd.s32 v50, v48;
	v50 =	vshll.u32 v53, $0x6  }
0x16c: {  	v16 =	vld [tilespmem:$0x660];
	[tilespmem:$0x970] =	vst v1;
	v1 =	vadd.s32 v52, v50;
	v52 =	vshll.u32 v55, $0x6  }
0x16d: {  	v17 =	vld [tilespmem:$0x270];
	[tilespmem:$0x980] =	vst v1;
	v1 =	vadd.s32 v54, v52;
	v54 =	vshll.u32 v57, $0x6  }
0x16e: {  	v18 =	vld [tilespmem:$0x670];
	[tilespmem:$0x990] =	vst v1;
	v1 =	vadd.s32 v56, v54;
	v56 =	vshll.u32 v59, $0x6  }
0x16f: {  	v19 =	vld [tilespmem:$0x280];
	[tilespmem:$0x9A0] =	vst v1;
	v1 =	vadd.s32 v58, v56;
	v58 =	vshll.u32 v61, $0x6  }
0x170: {  	v20 =	vld [tilespmem:$0x680];
	v61 =	vshll.u32 v63, $0x6;
	[tilespmem:$0x9B0] =	vst v1;
	v1 =	vadd.s32 v60, v58  }
0x171: {  	v21 =	vld [tilespmem:$0x290];
	[tilespmem:$0x9C0] =	vst v1;
	v1 =	vadd.s32 v62, v61  }
0x172: {  	[tilespmem:$0x9D0] =	vst v1;
	v1 =	vld [tilespmem:$0x1FFC0]  }
0x173: {  	v22 =	vld [tilespmem:$0x690]  }
0x174: {  	v23 =	vld [tilespmem:$0x2A0]  }
0x175: {  	v24 =	vld [tilespmem:$0x6A0]  }
0x176: {  	v3 =	vshll.u32 v3, $0x6;
	v25 =	vld [tilespmem:$0x2B0]  }
0x177: {  	v26 =	vld [tilespmem:$0x6B0];
	v1 =	vadd.s32 v1, v3  }
0x178: {  	[tilespmem:$0x9E0] =	vst v1;
	v1 =	vld [tilespmem:$0x1FFD0]  }
0x179: {  	v27 =	vld [tilespmem:$0x2C0]  }
0x17a: {  	v36 =	vld [tilespmem:$0x300]  }
0x17b: {  	v37 =	vld [tilespmem:$0x700]  }
0x17c: {  	v38 =	vld [tilespmem:$0x310];
	v3 =	vshll.u32 v4, $0x6  }
0x17d: {  	v1 =	vadd.s32 v1, v3;
	v3 =	vld [tilespmem:$0x1FFE0]  }
0x17e: {  	[tilespmem:$0x9F0] =	vst v1;
	v1 =	vld [tilespmem:$0x1FFF0]  }
0x17f: {  	v39 =	vld [tilespmem:$0x710]  }
0x180: {  	v40 =	vld [tilespmem:$0x720]  }
0x181: {  	v41 =	vld [tilespmem:$0x330]  }
0x182: {  	v42 =	vld [tilespmem:$0x730];
	v3 =	vshll.u32 v3, $0x6  }
0x183: {  	v43 =	vld [tilespmem:$0x340];
	v1 =	vadd.s32 v1, v3;
	v3 =	vshll.u32 v7, $0x6  }
0x184: {  	v44 =	vld [tilespmem:$0x740];
	[tilespmem:$0xA00] =	vst v1;
	v1 =	vadd.s32 v2, v3;
	v2 =	vshll.u32 v8, $0x6  }
0x185: {  	v45 =	vld [tilespmem:$0x350];
	[tilespmem:$0xA10] =	vst v1;
	v1 =	vadd.s32 v5, v2;
	v2 =	vshll.u32 v10, $0x6  }
0x186: {  	v46 =	vld [tilespmem:$0x750];
	[tilespmem:$0xA20] =	vst v1;
	v1 =	vadd.s32 v9, v2;
	v2 =	vshll.u32 v12, $0x6  }
0x187: {  	v51 =	vld [tilespmem:$0x2D0];
	[tilespmem:$0xA30] =	vst v1;
	v1 =	vadd.s32 v11, v2;
	v2 =	vshll.u32 v14, $0x6  }
0x188: {  	v47 =	vld [tilespmem:$0x360];
	[tilespmem:$0xA40] =	vst v1;
	v1 =	vadd.s32 v13, v2;
	v2 =	vshll.u32 v16, $0x6  }
0x189: {  	v53 =	vld [tilespmem:$0x6D0];
	[tilespmem:$0xA50] =	vst v1;
	v1 =	vadd.s32 v15, v2;
	v2 =	vshll.u32 v18, $0x6  }
0x18a: {  	v48 =	vld [tilespmem:$0x760];
	[tilespmem:$0xA60] =	vst v1;
	v1 =	vadd.s32 v17, v2;
	v2 =	vshll.u32 v20, $0x6  }
0x18b: {  	v57 =	vld [tilespmem:$0x6E0];
	[tilespmem:$0xA70] =	vst v1;
	v1 =	vadd.s32 v19, v2;
	v2 =	vshll.u32 v22, $0x6  }
0x18c: {  	v55 =	vld [tilespmem:$0x2E0];
	[tilespmem:$0xA80] =	vst v1;
	v1 =	vadd.s32 v21, v2;
	v2 =	vshll.u32 v24, $0x6  }
0x18d: {  	v63 =	vld [tilespmem:$0x6F0];
	[tilespmem:$0xA90] =	vst v1;
	v1 =	vadd.s32 v23, v2;
	v2 =	vshll.u32 v26, $0x6  }
0x18e: {  	v50 =	vld [tilespmem:$0x770];
	[tilespmem:$0xAA0] =	vst v1;
	v1 =	vadd.s32 v25, v2;
	v2 =	vshll.u32 v49, $0x6  }
0x18f: {  	v59 =	vld [tilespmem:$0x2F0];
	[tilespmem:$0xAB0] =	vst v1;
	v1 =	vadd.s32 v27, v2;
	v2 =	vshll.u32 v53, $0x6  }
0x190: {  	v52 =	vld [tilespmem:$0x780];
	[tilespmem:$0xAC0] =	vst v1;
	v1 =	vadd.s32 v51, v2;
	v2 =	vshll.u32 v57, $0x6  }
0x191: {  	v54 =	vld [tilespmem:$0x790];
	[tilespmem:$0xAD0] =	vst v1;
	v1 =	vadd.s32 v55, v2  }
0x192: {  	v3 =	vld [tilespmem:$0x320];
	v2 =	vshll.u32 v63, $0x6;
	v63 =	vimm.f32 $1.000000000e+00;
	[tilespmem:$0xAE0] =	vst v1  }
0x193: {  	v56 =	vld [tilespmem:$0x3B0];
	[tilespmem:$0xC00] =	vst v63  }
0x194: {  	v58 =	vld [tilespmem:$0x3C0];
	v1 =	vadd.s32 v59, v2;
	v2 =	vshll.u32 v37, $0x6;
	[tilespmem:$0xC10] =	vst v63  }
0x195: {  	v49 =	vld [tilespmem:$0x370];
	[tilespmem:$0xAF0] =	vst v1;
	v1 =	vadd.s32 v36, v2;
	v2 =	vshll.u32 v39, $0x6  }
0x196: {  	v53 =	vld [tilespmem:$0x390];
	[tilespmem:$0xB00] =	vst v1;
	v1 =	vadd.s32 v38, v2;
	v2 =	vshll.u32 v40, $0x6  }
0x197: {  	v51 =	vld [tilespmem:$0x380];
	[tilespmem:$0xB10] =	vst v1;
	v1 =	vadd.s32 v3, v2;
	v2 =	vshll.u32 v42, $0x6  }
0x198: {  	v57 =	vld [tilespmem:$0x7B0];
	[tilespmem:$0xB20] =	vst v1;
	v1 =	vadd.s32 v41, v2;
	v2 =	vshll.u32 v44, $0x6  }
0x199: {  	v3 =	vld [tilespmem:$0x7A0];
	[tilespmem:$0xB30] =	vst v1;
	v1 =	vadd.s32 v43, v2;
	v2 =	vshll.u32 v46, $0x6  }
0x19a: {  	v55 =	vld [tilespmem:$0x3A0];
	[tilespmem:$0xB40] =	vst v1;
	v1 =	vadd.s32 v45, v2;
	v2 =	vshll.u32 v48, $0x6  }
0x19b: {  	v59 =	vld [tilespmem:$0x7C0];
	[tilespmem:$0xB50] =	vst v1;
	v1 =	vadd.s32 v47, v2;
	v2 =	vshll.u32 v50, $0x6  }
0x19c: {  	v60 =	vld [tilespmem:$0x7D0];
	[tilespmem:$0xB60] =	vst v1;
	v1 =	vadd.s32 v49, v2;
	v2 =	vshll.u32 v52, $0x6  }
0x19d: {  	v61 =	vld [tilespmem:$0x3D0];
	[tilespmem:$0xB70] =	vst v1;
	v1 =	vadd.s32 v51, v2;
	v2 =	vshll.u32 v54, $0x6  }
0x19e: {  	[tilespmem:$0xB80] =	vst v1;
	v1 =	vadd.s32 v53, v2;
	v2 =	vshll.u32 v3, $0x6;
	v3 =	vld [tilespmem:$0x7E0]  }
0x19f: {  	v62 =	vld [tilespmem:$0x3E0];
	[tilespmem:$0xB90] =	vst v1;
	v1 =	vadd.s32 v55, v2;
	v2 =	vshll.u32 v57, $0x6  }
0x1a0: {  	[tilespmem:$0xBA0] =	vst v1;
	v1 =	vadd.s32 v56, v2;
	v2 =	vshll.u32 v59, $0x6  }
0x1a1: {  	[tilespmem:$0xBB0] =	vst v1;
	v1 =	vadd.s32 v58, v2;
	v2 =	vshll.u32 v60, $0x6  }
0x1a2: {  	[tilespmem:$0xBC0] =	vst v1;
	v1 =	vadd.s32 v61, v2  }
0x1a3: {  	[tilespmem:$0xBD0] =	vst v1;
	v1 =	vshll.u32 v3, $0x6  }
0x1a4: {  	[tilespmem:$0xC20] =	vst v63;
	v2 =	vld [tilespmem:$0x7F0];
	v1 =	vadd.s32 v62, v1  }
0x1a5: {  	[tilespmem:$0xBE0] =	vst v1;
	v1 =	vld [tilespmem:$0x3F0]  }
0x1a6: {  	[tilespmem:$0xC30] =	vst v63  }
0x1a7: {  	[tilespmem:$0xC40] =	vst v63  }
0x1a8: {  	[tilespmem:$0xC50] =	vst v63  }
0x1a9: {  	[tilespmem:$0xC60] =	vst v63;
	v2 =	vshll.u32 v2, $0x6  }
0x1aa: {  	[tilespmem:$0xC70] =	vst v63;
	v1 =	vadd.s32 v1, v2  }
0x1ab: {  	[tilespmem:$0xBF0] =	vst v1  }
0x1ac: {  	[spmem:s3] =	stream.indirect.scatter.add.f32 [tilespmem:s13], [sflag:$0x1], $0x1, s12, s11, $0xb8;
	[tilespmem:$0x1D80] =	vst v63  }
0x1ad: {  	_ =	swait.ge [sflag:s8], $0x80  }
0x1ae: {  	[sflag:s8] =	ssyncset.done $0x0  }
0x1af: {  	[sflag:s8] =	ssyncadd.s32 $0xFFFFFF80  }
0x1b0: {  	[spmem:s3] =	stream.indirect.scatter.add.f32 [tilespmem:s13], [sflag:$0x1], $0x1, s14, s11, $0xb8;
	[tilespmem:$0x1D80] =	vst v63  }
0x1b1: {  	_ =	swait.ge [sflag:s8], $0x80  }
0x1b2: {  	[sflag:s8] =	ssyncset.done $0x0  }
0x1b3: {  	[sflag:s8] =	ssyncadd.s32 $0xFFFFFF80  }
0x1b4: {  	[spmem:s3] =	stream.indirect.scatter.add.f32 [tilespmem:s13], [sflag:$0x1], $0x1, s15, s11, $0xb8;
	[tilespmem:$0x1D80] =	vst v63  }
0x1b5: {  	_ =	swait.ge [sflag:s8], $0x80  }
0x1b6: {  	[sflag:s8] =	ssyncset.done $0x0  }
0x1b7: {  	[sflag:s8] =	ssyncadd.s32 $0xFFFFFF80  }
0x1b8: {  	[spmem:s3] =	stream.indirect.scatter.add.f32 [tilespmem:s13], [sflag:$0x1], $0x1, s16, s11, $0xb8;
	[tilespmem:$0x1D80] =	vst v63  }
0x1b9: {  	_ =	swait.ge [sflag:s8], $0x80  }
0x1ba: {  	[sflag:s8] =	ssyncset.done $0x0  }
0x1bb: {  	[sflag:s8] =	ssyncadd.s32 $0xFFFFFF80  }
0x1bc: {  	[spmem:s3] =	stream.indirect.scatter.add.f32 [tilespmem:s13], [sflag:$0x1], $0x1, s17, s11, $0xb8;
	[tilespmem:$0x1D80] =	vst v63  }
0x1bd: {  	_ =	swait.ge [sflag:s8], $0x80  }
0x1be: {  	[sflag:s8] =	ssyncset.done $0x0  }
0x1bf: {  	[sflag:s8] =	ssyncadd.s32 $0xFFFFFF80  }
0x1c0: {  	[spmem:s3] =	stream.indirect.scatter.add.f32 [tilespmem:s13], [sflag:$0x1], $0x1, s18, s11, $0xb8;
	[tilespmem:$0x1D80] =	vst v63  }
0x1c1: {  	_ =	swait.ge [sflag:s8], $0x80  }
0x1c2: {  	[sflag:s8] =	ssyncset.done $0x0  }
0x1c3: {  	[sflag:s8] =	ssyncadd.s32 $0xFFFFFF80  }
0x1c4: {  	[spmem:s3] =	stream.indirect.scatter.add.f32 [tilespmem:s13], [sflag:$0x1], $0x1, s19, s11, $0xb8;
	[tilespmem:$0x1D80] =	vst v63  }
0x1c5: {  	_ =	swait.ge [sflag:s8], $0x80  }
0x1c6: {  	[sflag:s8] =	ssyncset.done $0x0  }
0x1c7: {  	[sflag:s8] =	ssyncadd.s32 $0xFFFFFF80  }
0x1c8: {  	[spmem:s3] =	stream.indirect.scatter.add.f32 [tilespmem:s13], [sflag:$0x1], $0x1, s20, s11, $0xb8;
	[tilespmem:$0x1D80] =	vst v63  }
0x1c9: {  	_ =	swait.ge [sflag:s8], $0x80  }
0x1ca: {  	p0 =	sne.s32 s6, $0x1;
	[sflag:s8] =	ssyncset.done $0x0  }
.Ltmp1:
0x1cb: {  	[sflag:s8] =	ssyncadd.s32 $0xFFFFFF80;
	(pc) =	sbr.rel @p0 .LBB2_2-.Ltmp1, $4  }
0x1cc: {  	[hbm:s2], [sflag:s21] =	dma.local [spmem:s22], $0x200  }
0x1cd: {  	_ =	swait.ge [sflag:s8], $0x200  }
0x1ce: {  	[sflag:s8] =	ssyncset.done $0x0  }
0x1cf: {  	s6 =	sadd.s32 $0xFFFFFFFF, s6;
	[sflag:s8] =	ssyncadd.s32 $0xFFFFFE00  }
.LBB2_3:
0x1d0: {  	_ =	sfence.sel $0x180000  }
0x1d1: {  	[bflag:$0x0] =	sbarrier.arrive $0xFFFF  }
0x1d2: {  	p0 =	sne.s32 s0, $0x0;
	_ =	strace $0x90000047  }
0x1d3: {  	s0 =	sadd.s32 @!p0 $0x100000, s1;
	[bflag:$0x2] =	sbarrier.arrive $0xFFFF  }
0x1d4: {  	[sflag:s0] =	ssyncadd.tile.s32 @!p0 $0x1;
	_ =	shalt  }
.Lfunc_end2:
_tile_overlayer_lowered:
.L_overlay_start_2:
0x1d5: {  	(tag) =	ssettag $0x2  }
0x1d6: {  	s0 =	rddreg [dreg:$0x0];
	s2 =	stileid.u32  }
0x1d7: {  	s1 =	rddreg [dreg:$0x1];
	p0 =	sne.s32 s2, $0x0  }
0x1d8: {  	s3 =	rddreg [dreg:$0x2];
	[bflag:$0x3] =	sbarrier.arrive $0xFFFF;
	s2 =	simm.s32 @!p0 $0x1C01  }
0x1d9: {  	[timem:s3], [sflag:s2] =	dma.local @!p0 [hbm:s0], s1  }
0x1da: {  	s0 =	simm.s32 @!p0 $0x1  }
0x1db: {  	_ =	swait.ge @!p0 [sflag:s0], s1  }
0x1dc: {  	s1 =	ssub.s32 @!p0 $0x0, s1;
	[sflag:s0] =	ssyncset.done @!p0 $0x0  }
0x1dd: {  	[sflag:s0] =	ssyncadd.s32 @!p0 s1  }
0x1de: {  	[bflag:$0x3] =	sbarrier.arrive $0xFFFF  }
0x1df: {  	_ =	shalt  }

</sc_bundles>
